<compile_context>
chip_gen: v7x
topology: tpu7x:2x2x1
jax: 0.10.2.dev20260603
libtpu: 0.0.44.dev20260713+nightly
codegen_flags: <defaults>
</compile_context>

<pallas_src>
import functools
import math

import jax
import jax.numpy as jnp
from jax import lax
from jax.experimental import pallas as pl
from jax.experimental.pallas import tpu as pltpu
from jax.experimental.pallas import tpu_sc as plsc

B = 32
GRID = 24
N = GRID * GRID
D = 384
K = 172
DH = 128
NH = 4
HD = DH // NH
FF = DH * 4
NL = 2
FWML = 3
G = 8
KP = 192

_F32 = jnp.float32
_BF16 = jnp.bfloat16


def _mm(a, b):
    return jnp.dot(a.astype(_BF16), b.astype(_BF16),
                   preferred_element_type=_F32)


def _mmb(a, b_bf16):
    return jnp.dot(a.astype(_BF16), b_bf16, preferred_element_type=_F32)


def _mm_dg(a, b, dims):
    return lax.dot_general(a.astype(_BF16), b.astype(_BF16), dims,
                           preferred_element_type=_F32)


def _erf(x):
    s = jnp.sign(x)
    ax = jnp.abs(x)
    t = 1.0 / (1.0 + 0.3275911 * ax)
    poly = t * (0.254829592 + t * (-0.284496736 + t * (
        1.421413741 + t * (-1.453152027 + t * 1.061405429))))
    return s * (1.0 - poly * jnp.exp(-ax * ax))


def _gelu(x):
    c = math.sqrt(2.0 / math.pi)
    return 0.5 * x * (1.0 + jnp.tanh(c * (x + 0.044715 * x * x * x)))


def _ln2d(x, s_row, b_row, eps=1e-5):
    m = jnp.mean(x, axis=1, keepdims=True)
    v = jnp.mean((x - m) ** 2, axis=1, keepdims=True)
    return (x - m) * lax.rsqrt(v + eps) * s_row + b_row


def _kernel_a(fc_ref, fn_ref, cwt_ref, cb_ref, gs_ref, gb_ref,
              lns_ref, lnb_ref, l1w_ref, l1b_ref, l2w_ref, l2b_ref,
              light_ref, sur_ref, rank_ref, mask_ref, idx_ref):
    SPB = 2
    M = SPB * N
    fc = fc_ref[...].reshape(M, D)
    fn = fn_ref[...].reshape(M, D)

    ni = lax.broadcasted_iota(jnp.int32, (M, 1), 0)
    xi = ni % GRID
    yi = (ni // GRID) % GRID
    xm_m = xi >= 1
    xm_p = xi <= GRID - 2
    ym_m = yi >= 1
    ym_p = yi <= GRID - 2
    zf = jnp.zeros((), _F32)

    h = fc
    for l in range(FWML):
        hb = h.astype(_BF16)
        big = jnp.dot(hb, cwt_ref[l], preferred_element_type=_F32)
        acc = None
        for dy in (-1, 0, 1):
            for dx in (-1, 0, 1):
                s9 = (dy + 1) * 3 + (dx + 1)
                blk = big[:, s9 * D:(s9 + 1) * D]
                off = dy * GRID + dx
                if off > 0:
                    sh = jnp.concatenate(
                        [blk[off:], jnp.zeros((off, D), _F32)], axis=0)
                elif off < 0:
                    sh = jnp.concatenate(
                        [jnp.zeros((-off, D), _F32), blk[:off]], axis=0)
                else:
                    sh = blk
                cond = None
                if dx == -1:
                    cond = xm_m
                elif dx == 1:
                    cond = xm_p
                if dy == -1:
                    cond = ym_m if cond is None else (cond & ym_m)
                elif dy == 1:
                    cond = ym_p if cond is None else (cond & ym_p)
                if cond is not None:
                    sh = jnp.where(cond, sh, zf)
                acc = sh if acc is None else acc + sh
        h = acc + cb_ref[l]

        gmat = (lax.broadcasted_iota(jnp.int32, (D, G), 0) // (D // G)
                == lax.broadcasted_iota(jnp.int32, (D, G), 1)).astype(_F32)
        cnt = float((D // G) * N)
        parts = []
        for sp in range(SPB):
            hs = h[sp * N:(sp + 1) * N]
            csum = jnp.sum(hs, axis=0, keepdims=True)
            csq = jnp.sum(hs * hs, axis=0, keepdims=True)
            gsum = jnp.dot(csum, gmat, preferred_element_type=_F32,
                           precision=lax.Precision.HIGHEST)
            gsq = jnp.dot(csq, gmat, preferred_element_type=_F32,
                          precision=lax.Precision.HIGHEST)
            mg = gsum / cnt
            vg = gsq / cnt - mg * mg
            rg = lax.rsqrt(vg + 1e-5)
            mc = lax.dot_general(mg, gmat, (((1,), (1,)), ((), ())),
                                 preferred_element_type=_F32,
                                 precision=lax.Precision.HIGHEST)
            rc = lax.dot_general(rg, gmat, (((1,), (1,)), ((), ())),
                                 preferred_element_type=_F32,
                                 precision=lax.Precision.HIGHEST)
            parts.append((hs - mc) * rc * gs_ref[l] + gb_ref[l])
        h = jnp.concatenate(parts, axis=0)
        if l < FWML - 1:
            h = h * jax.nn.sigmoid(h)

    d = h - fn
    sq = d * d
    for sp in range(SPB):
        s_col = jnp.mean(sq[sp * N:(sp + 1) * N], axis=1, keepdims=True)
        s_row = jnp.transpose(s_col, (1, 0))
        gt = s_row > s_col
        eq = s_row == s_col
        jlt = (lax.broadcasted_iota(jnp.int32, (N, N), 1)
               < lax.broadcasted_iota(jnp.int32, (N, N), 0))
        rank_col = jnp.sum((gt | (eq & jlt)).astype(_F32), axis=1,
                           keepdims=True)
        rank_row = jnp.transpose(rank_col, (1, 0))
        sur_ref[sp] = s_row
        rank_ref[sp] = rank_row
        mask_ref[sp] = (rank_row < float(K)).astype(_F32)

        rank_ci = rank_col.astype(jnp.int32)
        m = (rank_ci
             == lax.broadcasted_iota(jnp.int32, (N, KP), 1)).astype(_F32)
        irow = lax.broadcasted_iota(jnp.int32, (1, N), 1).astype(_F32)
        idx_ref[sp] = jnp.dot(irow, m, preferred_element_type=_F32,
                              precision=lax.Precision.HIGHEST)

    hl = _ln2d(fc, lns_ref[...], lnb_ref[...])
    a1 = _mmb(hl, l1w_ref[...]) + l1b_ref[...]
    a1 = a1 * jax.nn.sigmoid(a1)
    light = fc + (_mmb(a1, l2w_ref[...]) + l2b_ref[...])
    light_ref[...] = light.reshape(SPB, N, D)


def _kernel_b(topk_ref, light_ref, rank_ref, piw_ref, pib_ref, qkvw_ref,
              qkvb_ref, aow_ref, aob_ref, t1s_ref, t1b_ref, t2s_ref, t2b_ref,
              f1w_ref, f1b_ref, f2w_ref, f2b_ref, pow_ref, pob_ref, out_ref):
    key_neg = jnp.where(
        lax.broadcasted_iota(jnp.int32, (1, KP), 1) >= K, -1e30, 0.0)
    for sp in range(2):
        topk = topk_ref[sp]
        t = _mmb(topk, piw_ref[...]) + pib_ref[...]
        for l in range(NL):
            a = _ln2d(t, t1s_ref[l], t1b_ref[l])
            qkv = _mmb(a, qkvw_ref[l]) + qkvb_ref[l]
            outs = []
            for hh in range(NH):
                qh = qkv[:, hh * HD:(hh + 1) * HD]
                kh = qkv[:, DH + hh * HD:DH + (hh + 1) * HD]
                vh = qkv[:, 2 * DH + hh * HD:2 * DH + (hh + 1) * HD]
                att = _mm_dg(qh, kh, (((1,), (1,)), ((), ())))
                att = att / math.sqrt(HD) + key_neg
                att = att - jnp.max(att, axis=1, keepdims=True)
                att = jnp.exp(att)
                att = att / jnp.sum(att, axis=1, keepdims=True)
                outs.append(_mm(att, vh))
            o = jnp.concatenate(outs, axis=1)
            t = t + _mmb(o, aow_ref[l]) + aob_ref[l]
            f = _ln2d(t, t2s_ref[l], t2b_ref[l])
            g1 = _mmb(f, f1w_ref[l]) + f1b_ref[l]
            g1 = _gelu(g1)
            t = t + _mmb(g1, f2w_ref[l]) + f2b_ref[l]

        heavy = _mmb(t, pow_ref[...]) + pob_ref[...]

        rank_row = rank_ref[sp]
        rank_i = rank_row.astype(jnp.int32)
        ki = lax.broadcasted_iota(jnp.int32, (KP, N), 0)
        p = ((ki == rank_i) & (ki < K)).astype(_F32)
        scat = lax.dot_general(p, heavy, (((0,), (0,)), ((), ())),
                               preferred_element_type=_F32,
                               precision=lax.Precision.HIGHEST)
        mask_col = jnp.transpose(rank_row, (1, 0)) < float(K)
        out_ref[sp] = jnp.where(mask_col, scat, light_ref[sp])


_CH = KP // 2


def _sc_gather(fc_flat, gidx):
    info = plsc.get_sparse_core_info()
    nc = info.num_cores
    mesh = plsc.VectorSubcoreMesh(core_axis_name="c", subcore_axis_name="s")

    @functools.partial(
        pl.kernel,
        out_type=jax.ShapeDtypeStruct((B, KP, D), _F32),
        mesh=mesh,
        scratch_types=[
            pltpu.VMEM((_CH,), jnp.int32),
            pltpu.VMEM((_CH, D), _F32),
            pltpu.SemaphoreType.DMA,
        ],
    )
    def k(fc_hbm, gidx_hbm, out_hbm, idx_v, rows_v, sem):
        wid = lax.axis_index("s") * nc + lax.axis_index("c")
        for j in range(2):
            pltpu.sync_copy(gidx_hbm.at[wid, j], idx_v)
            pltpu.async_copy(fc_hbm.at[idx_v], rows_v, sem).wait()
            pltpu.sync_copy(rows_v, out_hbm.at[wid, pl.ds(j * _CH, _CH)])

    return k(fc_flat, gidx)


def _full(shape):
    nd = len(shape)
    return pl.BlockSpec(shape, lambda b: (0,) * nd)


def kernel(features_current, features_next, conv_w, conv_b, gn_s, gn_b,
           ln_s, ln_b, l1_w, l1_b, l2_w, l2_b, pi_w, pi_b, qkv_w, qkv_b,
           ao_w, ao_b, tln1_s, tln1_b, tln2_s, tln2_b, ff1_w, ff1_b,
           ff2_w, ff2_b, po_w, po_b):
    f32 = _F32
    cwt = conv_w.transpose(0, 2, 3, 4, 1).reshape(FWML, D, 9 * D).astype(_BF16)
    cb = conv_b.reshape(FWML, 1, D)
    gs = gn_s.reshape(FWML, 1, D)
    gb = gn_b.reshape(FWML, 1, D)
    lns = ln_s.reshape(1, D)
    lnb = ln_b.reshape(1, D)
    l1wt = l1_w.T.astype(_BF16)
    l1b2 = l1_b.reshape(1, D)
    l2wt = l2_w.T.astype(_BF16)
    l2b2 = l2_b.reshape(1, D)

    light, sur3, rank3, mask3, idx3 = pl.pallas_call(
        _kernel_a,
        grid=(B // 2,),
        in_specs=[
            pl.BlockSpec((2, N, D), lambda b: (b, 0, 0)),
            pl.BlockSpec((2, N, D), lambda b: (b, 0, 0)),
            _full((FWML, D, 9 * D)),
            _full((FWML, 1, D)),
            _full((FWML, 1, D)),
            _full((FWML, 1, D)),
            _full((1, D)),
            _full((1, D)),
            _full((D, D)),
            _full((1, D)),
            _full((D, D)),
            _full((1, D)),
        ],
        out_specs=[
            pl.BlockSpec((2, N, D), lambda b: (b, 0, 0)),
            pl.BlockSpec((2, 1, N), lambda b: (b, 0, 0)),
            pl.BlockSpec((2, 1, N), lambda b: (b, 0, 0)),
            pl.BlockSpec((2, 1, N), lambda b: (b, 0, 0)),
            pl.BlockSpec((2, 1, KP), lambda b: (b, 0, 0)),
        ],
        out_shape=[
            jax.ShapeDtypeStruct((B, N, D), f32),
            jax.ShapeDtypeStruct((B, 1, N), f32),
            jax.ShapeDtypeStruct((B, 1, N), f32),
            jax.ShapeDtypeStruct((B, 1, N), f32),
            jax.ShapeDtypeStruct((B, 1, KP), f32),
        ],
        compiler_params=pltpu.CompilerParams(
            dimension_semantics=("arbitrary",)),
    )(features_current, features_next, cwt, cb, gs, gb, lns, lnb,
      l1wt, l1b2, l2wt, l2b2)

    idxi = idx3.reshape(B, KP).astype(jnp.int32)
    row_base = (jnp.arange(B, dtype=jnp.int32) * N)[:, None]
    gidx = (idxi + row_base).reshape(B, 2, KP // 2)
    fc_flat = features_current.reshape(B * N, D)
    topk_rows = _sc_gather(fc_flat, gidx)

    piwt = pi_w.T.astype(_BF16)
    pib2 = pi_b.reshape(1, DH)
    qkvwt = qkv_w.transpose(0, 2, 1).astype(_BF16)
    qkvb2 = qkv_b.reshape(NL, 1, 3 * DH)
    aowt = ao_w.transpose(0, 2, 1).astype(_BF16)
    aob2 = ao_b.reshape(NL, 1, DH)
    t1s = tln1_s.reshape(NL, 1, DH)
    t1b = tln1_b.reshape(NL, 1, DH)
    t2s = tln2_s.reshape(NL, 1, DH)
    t2b = tln2_b.reshape(NL, 1, DH)
    f1wt = ff1_w.transpose(0, 2, 1).astype(_BF16)
    f1b2 = ff1_b.reshape(NL, 1, FF)
    f2wt = ff2_w.transpose(0, 2, 1).astype(_BF16)
    f2b2 = ff2_b.reshape(NL, 1, DH)
    powt = po_w.T.astype(_BF16)
    pob2 = po_b.reshape(1, D)

    routed = pl.pallas_call(
        _kernel_b,
        grid=(B // 2,),
        in_specs=[
            pl.BlockSpec((2, KP, D), lambda b: (b, 0, 0)),
            pl.BlockSpec((2, N, D), lambda b: (b, 0, 0)),
            pl.BlockSpec((2, 1, N), lambda b: (b, 0, 0)),
            _full((D, DH)),
            _full((1, DH)),
            _full((NL, DH, 3 * DH)),
            _full((NL, 1, 3 * DH)),
            _full((NL, DH, DH)),
            _full((NL, 1, DH)),
            _full((NL, 1, DH)),
            _full((NL, 1, DH)),
            _full((NL, 1, DH)),
            _full((NL, 1, DH)),
            _full((NL, DH, FF)),
            _full((NL, 1, FF)),
            _full((NL, FF, DH)),
            _full((NL, 1, DH)),
            _full((DH, D)),
            _full((1, D)),
        ],
        out_specs=pl.BlockSpec((2, N, D), lambda b: (b, 0, 0)),
        out_shape=jax.ShapeDtypeStruct((B, N, D), f32),
        compiler_params=pltpu.CompilerParams(
            dimension_semantics=("arbitrary",)),
    )(topk_rows, light, rank3, piwt, pib2, qkvwt, qkvb2, aowt, aob2,
      t1s, t1b, t2s, t2b, f1wt, f1b2, f2wt, f2b2, powt, pob2)

    surprise = sur3.reshape(B, N)
    mask = mask3.reshape(B, N)
    fwm_loss = jnp.mean(surprise)
    return routed, surprise, mask, fwm_loss

# --- scband reference (transcript-rebuilt; emitter-appended) ---
"""Pipeline reference for scband-mo-dsurprise-router-37778532336199 (READ-ONLY COPY).

The authoritative reference and input builder live on the scoring server;
editing this copy changes nothing except your own understanding.
"""

import jax, jax.numpy as jnp
import numpy as np

B = 32; GRID = 24; N = GRID * GRID; D = 384; K = 172
DH = 128; NH = 4; HD = DH // NH; FF = DH * 4; NL = 2; FWML = 3; G = 8


def setup_inputs(seed: int = 0) -> dict:
    key = jax.random.key(seed)
    ks = jax.random.split(key, 16)
    s = 0.02
    inp = {
        "features_current": jax.random.normal(ks[0], (B, N, D), jnp.float32),
        "features_next": jax.random.normal(ks[1], (B, N, D), jnp.float32),
        "conv_w": jax.random.normal(ks[2], (FWML, D, D, 3, 3), jnp.float32) * s,
        "conv_b": jnp.zeros((FWML, D), jnp.float32),
        "gn_s": jnp.ones((FWML, D), jnp.float32),
        "gn_b": jnp.zeros((FWML, D), jnp.float32),
        "ln_s": jnp.ones((D,), jnp.float32),
        "ln_b": jnp.zeros((D,), jnp.float32),
        "l1_w": jax.random.normal(ks[3], (D, D), jnp.float32) * s,
        "l1_b": jnp.zeros((D,), jnp.float32),
        "l2_w": jax.random.normal(ks[4], (D, D), jnp.float32) * s,
        "l2_b": jnp.zeros((D,), jnp.float32),
        "pi_w": jax.random.normal(ks[5], (DH, D), jnp.float32) * s,
        "pi_b": jnp.zeros((DH,), jnp.float32),
        "qkv_w": jax.random.normal(ks[6], (NL, 3 * DH, DH), jnp.float32) * s,
        "qkv_b": jnp.zeros((NL, 3 * DH), jnp.float32),
        "ao_w": jax.random.normal(ks[7], (NL, DH, DH), jnp.float32) * s,
        "ao_b": jnp.zeros((NL, DH), jnp.float32),
        "tln1_s": jnp.ones((NL, DH), jnp.float32),
        "tln1_b": jnp.zeros((NL, DH), jnp.float32),
        "tln2_s": jnp.ones((NL, DH), jnp.float32),
        "tln2_b": jnp.zeros((NL, DH), jnp.float32),
        "ff1_w": jax.random.normal(ks[8], (NL, FF, DH), jnp.float32) * s,
        "ff1_b": jnp.zeros((NL, FF), jnp.float32),
        "ff2_w": jax.random.normal(ks[9], (NL, DH, FF), jnp.float32) * s,
        "ff2_b": jnp.zeros((NL, DH), jnp.float32),
        "po_w": jax.random.normal(ks[10], (D, DH), jnp.float32) * s,
        "po_b": jnp.zeros((D,), jnp.float32),
    }
    return inp


def _ln(x, s, b, eps=1e-5):
    m = jnp.mean(x, -1, keepdims=True)
    v = jnp.mean((x - m) ** 2, -1, keepdims=True)
    return (x - m) / jnp.sqrt(v + eps) * s + b


def _gn(x, s, b, eps=1e-5):
    b_, c, h, w = x.shape
    xg = x.reshape(b_, G, c // G, h, w)
    m = jnp.mean(xg, (2, 3, 4), keepdims=True)
    v = jnp.mean((xg - m) ** 2, (2, 3, 4), keepdims=True)
    xg = (xg - m) / jnp.sqrt(v + eps)
    return xg.reshape(b_, c, h, w) * s[None, :, None, None] + b[None, :, None, None]


def _silu(x):
    return x * jax.nn.sigmoid(x)


def _forward(fc, fn, conv_w, conv_b, gn_s, gn_b, ln_s, ln_b, l1_w, l1_b, l2_w, l2_b, pi_w, pi_b, qkv_w, qkv_b, ao_w, ao_b, tln1_s, tln1_b, tln2_s, tln2_b, ff1_w, ff1_b, ff2_w, ff2_b, po_w, po_b):
    # FWM: 3x (conv3x3 -> GroupNorm(8) -> SiLU[except last])
    h = jnp.transpose(fc, (0, 2, 1)).reshape(B, D, GRID, GRID)
    for i in range(FWML):
        h = jax.lax.conv_general_dilated(h, conv_w[i], (1, 1), 'SAME', dimension_numbers=('NCHW', 'OIHW', 'NCHW')) + conv_b[i][None, :, None, None]
        h = _gn(h, gn_s[i], gn_b[i])
        if i < FWML - 1:
            h = _silu(h)
    pred = jnp.transpose(h.reshape(B, D, N), (0, 2, 1))
    tgt = jax.lax.stop_gradient(fn)
    surprise = jnp.mean((pred - tgt) ** 2, -1)
    fwm_loss = jnp.mean((pred - tgt) ** 2)
    # routing: top-K surprising patches per sample
    _, idx = jax.lax.top_k(surprise, K)
    mask = jnp.zeros((B, N), jnp.float32).at[jnp.arange(B)[:, None], idx].set(1.0)
    # light path (residual MLP)
    hl = _ln(fc, ln_s, ln_b)
    hl = _silu(hl @ l1_w.T + l1_b) @ l2_w.T + l2_b
    light = fc + hl
    # heavy path: gather top-K -> 2-layer pre-LN transformer -> scatter back
    topk = jnp.take_along_axis(fc, jnp.broadcast_to(idx[:, :, None], (B, K, D)), axis=1)
    t = topk @ pi_w.T + pi_b
    for l in range(NL):
        a = _ln(t, tln1_s[l], tln1_b[l])
        qkv = a @ qkv_w[l].T + qkv_b[l]
        q, k_, v = jnp.split(qkv, 3, axis=-1)
        q = q.reshape(B, K, NH, HD).transpose(0, 2, 1, 3)
        k_ = k_.reshape(B, K, NH, HD).transpose(0, 2, 1, 3)
        v = v.reshape(B, K, NH, HD).transpose(0, 2, 1, 3)
        att = jax.nn.softmax((q @ k_.transpose(0, 1, 3, 2)) / np.sqrt(HD), axis=-1)
        o = (att @ v).transpose(0, 2, 1, 3).reshape(B, K, DH)
        t = t + (o @ ao_w[l].T + ao_b[l])
        f = _ln(t, tln2_s[l], tln2_b[l])
        f = jax.nn.gelu(f @ ff1_w[l].T + ff1_b[l], approximate=False) @ ff2_w[l].T + ff2_b[l]
        t = t + f
    heavy = t @ po_w.T + po_b
    routed = light.at[jnp.arange(B)[:, None], idx].set(heavy)
    return routed, surprise, mask, fwm_loss


def reference(features_current, features_next, conv_w, conv_b, gn_s, gn_b, ln_s, ln_b, l1_w, l1_b, l2_w, l2_b, pi_w, pi_b, qkv_w, qkv_b, ao_w, ao_b, tln1_s, tln1_b, tln2_s, tln2_b, ff1_w, ff1_b, ff2_w, ff2_b, po_w, po_b):
    return _forward(features_current, features_next, conv_w, conv_b, gn_s, gn_b, ln_s, ln_b, l1_w, l1_b, l2_w, l2_b, pi_w, pi_b, qkv_w, qkv_b, ao_w, ao_b, tln1_s, tln1_b, tln2_s, tln2_b, ff1_w, ff1_b, ff2_w, ff2_b, po_w, po_b)

if __name__ == "__main__":
    import jax
    _d = setup_inputs()
    print(jax.jit(kernel)(*tuple(_d.values())))

</pallas_src>

<mosaic_0001>
#map = affine_map<(d0, d1) -> (0, 0)>
#map1 = affine_map<(d0, d1) -> (0, 0, 0)>
module attributes {stable_mosaic.version = 14 : i64} {
  func.func @k(%arg0: i32, %arg1: i32, %arg2: memref<18432x384xf32, #tpu.memory_space<hbm>>, %arg3: memref<32x2x96xi32, #tpu.memory_space<hbm>>, %arg4: memref<32x192x384xf32, #tpu.memory_space<hbm>>, %arg5: memref<96xi32, #tpu.memory_space<vmem>>, %arg6: memref<96x384xf32, #tpu.memory_space<vmem>>, %arg7: memref<!tpu.dma_semaphore, #tpu.memory_space<semaphore_mem>>) attributes {dimension_semantics = [#tpu.dimension_semantics<core_parallel>, #tpu.dimension_semantics<subcore_parallel>], iteration_bounds = array<i64: 2, 16>, scalar_prefetch = 0 : i64, scratch_operands = 3 : i64, tpu.core_type = #tpu.core_type<sc_vector_subcore>, window_params = [{transform_indices = #map}, {transform_indices = #map1}, {transform_indices = #map1}]} {
    %mul3A = arith.constant 2 : i32
    %mul3A_0 = arith.muli %arg1, %mul3A : i32
    %add3A = arith.addi %mul3A_0, %arg0 : i32
    %run_scoped3A = arith.constant 0 : i32
    "tpu.region"() ({
      %run_scoped3A_12 = tpu.sem_alloc : memref<!tpu.dma_semaphore, #tpu.memory_space<semaphore_mem>>
      %dma_start3A_13 = arith.constant 0 : i32
      %dma_start3A_14 = tpu.memref_slice %arg3[%add3A, %run_scoped3A, %dma_start3A_13] : memref<32x2x96xi32, #tpu.memory_space<hbm>> -> memref<1x1x96xi32, #tpu.memory_space<hbm>>
      %dma_start3A_15 = tpu.memref_squeeze %dma_start3A_14 : memref<1x1x96xi32, #tpu.memory_space<hbm>> -> memref<96xi32, #tpu.memory_space<hbm>>
      %dma_start3A_16 = arith.constant 0 : i32
      %dma_start3A_17 = tpu.memref_slice %arg3[%add3A, %run_scoped3A, %dma_start3A_16] : memref<32x2x96xi32, #tpu.memory_space<hbm>> -> memref<1x1x96xi32, #tpu.memory_space<hbm>>
      %dma_start3A_18 = tpu.memref_squeeze %dma_start3A_17 : memref<1x1x96xi32, #tpu.memory_space<hbm>> -> memref<96xi32, #tpu.memory_space<hbm>>
      tpu.enqueue_dma source(%dma_start3A_18 : memref<96xi32, #tpu.memory_space<hbm>>) target(%arg5 : memref<96xi32, #tpu.memory_space<vmem>>) target_semaphore(%run_scoped3A_12 : memref<!tpu.dma_semaphore, #tpu.memory_space<semaphore_mem>>)
      %dma_wait3A_19 = arith.constant 0 : i32
      %dma_wait3A_20 = tpu.memref_slice %arg3[%add3A, %run_scoped3A, %dma_wait3A_19] : memref<32x2x96xi32, #tpu.memory_space<hbm>> -> memref<1x1x96xi32, #tpu.memory_space<hbm>>
      %dma_wait3A_21 = tpu.memref_squeeze %dma_wait3A_20 : memref<1x1x96xi32, #tpu.memory_space<hbm>> -> memref<96xi32, #tpu.memory_space<hbm>>
      %dma_wait3A_22 = arith.constant 0 : i32
      %dma_wait3A_23 = tpu.memref_slice %arg3[%add3A, %run_scoped3A, %dma_wait3A_22] : memref<32x2x96xi32, #tpu.memory_space<hbm>> -> memref<1x1x96xi32, #tpu.memory_space<hbm>>
      %dma_wait3A_24 = tpu.memref_squeeze %dma_wait3A_23 : memref<1x1x96xi32, #tpu.memory_space<hbm>> -> memref<96xi32, #tpu.memory_space<hbm>>
      tpu.wait_dma2 semaphore(%run_scoped3A_12 : memref<!tpu.dma_semaphore, #tpu.memory_space<semaphore_mem>>) src(%dma_wait3A_24 : memref<96xi32, #tpu.memory_space<hbm>>) dst(%arg5 : memref<96xi32, #tpu.memory_space<vmem>>)
      tpu.yield
    }) : () -> ()
    %dma_start3A = arith.constant 0 : i32
    %dma_start3A_1 = arith.constant 0 : i32
    %dma_start3A_2 = tpu.memref_slice %arg2[%dma_start3A, %dma_start3A_1] : memref<18432x384xf32, #tpu.memory_space<hbm>> -> memref<18432x384xf32, #tpu.memory_space<hbm>>
    tpu.enqueue_indirect_dma source(%dma_start3A_2 : memref<18432x384xf32, #tpu.memory_space<hbm>>) target(%arg6 : memref<96x384xf32, #tpu.memory_space<vmem>>) offsets(%arg5 : memref<96xi32, #tpu.memory_space<vmem>>) semaphore(%arg7 : memref<!tpu.dma_semaphore, #tpu.memory_space<semaphore_mem>>)
    %dma_wait3A = arith.constant 0 : i32
    %dma_wait3A_3 = arith.constant 0 : i32
    %dma_wait3A_4 = tpu.memref_slice %arg2[%dma_wait3A, %dma_wait3A_3] : memref<18432x384xf32, #tpu.memory_space<hbm>> -> memref<18432x384xf32, #tpu.memory_space<hbm>>
    tpu.wait_indirect_dma semaphore(%arg7 : memref<!tpu.dma_semaphore, #tpu.memory_space<semaphore_mem>>) src(%dma_wait3A_4 : memref<18432x384xf32, #tpu.memory_space<hbm>>) dst(%arg6 : memref<96x384xf32, #tpu.memory_space<vmem>>)
    "tpu.region"() ({
      %run_scoped3A_12 = tpu.sem_alloc : memref<!tpu.dma_semaphore, #tpu.memory_space<semaphore_mem>>
      %dma_start3A_13 = arith.constant 0 : i32
      %dma_start3A_14 = arith.constant 0 : i32
      %dma_start3A_15 = tpu.memref_slice %arg4[%add3A, %dma_start3A_13, %dma_start3A_14] : memref<32x192x384xf32, #tpu.memory_space<hbm>> -> memref<1x96x384xf32, #tpu.memory_space<hbm>>
      %dma_start3A_16 = tpu.memref_squeeze %dma_start3A_15 : memref<1x96x384xf32, #tpu.memory_space<hbm>> -> memref<96x384xf32, #tpu.memory_space<hbm>>
      %dma_start3A_17 = arith.constant 0 : i32
      %dma_start3A_18 = arith.constant 0 : i32
      %dma_start3A_19 = tpu.memref_slice %arg4[%add3A, %dma_start3A_17, %dma_start3A_18] : memref<32x192x384xf32, #tpu.memory_space<hbm>> -> memref<1x96x384xf32, #tpu.memory_space<hbm>>
      %dma_start3A_20 = tpu.memref_squeeze %dma_start3A_19 : memref<1x96x384xf32, #tpu.memory_space<hbm>> -> memref<96x384xf32, #tpu.memory_space<hbm>>
      tpu.enqueue_dma source(%arg6 : memref<96x384xf32, #tpu.memory_space<vmem>>) target(%dma_start3A_20 : memref<96x384xf32, #tpu.memory_space<hbm>>) target_semaphore(%run_scoped3A_12 : memref<!tpu.dma_semaphore, #tpu.memory_space<semaphore_mem>>)
      %dma_wait3A_21 = arith.constant 0 : i32
      %dma_wait3A_22 = arith.constant 0 : i32
      %dma_wait3A_23 = tpu.memref_slice %arg4[%add3A, %dma_wait3A_21, %dma_wait3A_22] : memref<32x192x384xf32, #tpu.memory_space<hbm>> -> memref<1x96x384xf32, #tpu.memory_space<hbm>>
      %dma_wait3A_24 = tpu.memref_squeeze %dma_wait3A_23 : memref<1x96x384xf32, #tpu.memory_space<hbm>> -> memref<96x384xf32, #tpu.memory_space<hbm>>
      %dma_wait3A_25 = arith.constant 0 : i32
      %dma_wait3A_26 = arith.constant 0 : i32
      %dma_wait3A_27 = tpu.memref_slice %arg4[%add3A, %dma_wait3A_25, %dma_wait3A_26] : memref<32x192x384xf32, #tpu.memory_space<hbm>> -> memref<1x96x384xf32, #tpu.memory_space<hbm>>
      %dma_wait3A_28 = tpu.memref_squeeze %dma_wait3A_27 : memref<1x96x384xf32, #tpu.memory_space<hbm>> -> memref<96x384xf32, #tpu.memory_space<hbm>>
      tpu.wait_dma2 semaphore(%run_scoped3A_12 : memref<!tpu.dma_semaphore, #tpu.memory_space<semaphore_mem>>) src(%arg6 : memref<96x384xf32, #tpu.memory_space<vmem>>) dst(%dma_wait3A_28 : memref<96x384xf32, #tpu.memory_space<hbm>>)
      tpu.yield
    }) : () -> ()
    %run_scoped3A_5 = arith.constant 1 : i32
    "tpu.region"() ({
      %run_scoped3A_12 = tpu.sem_alloc : memref<!tpu.dma_semaphore, #tpu.memory_space<semaphore_mem>>
      %dma_start3A_13 = arith.constant 0 : i32
      %dma_start3A_14 = tpu.memref_slice %arg3[%add3A, %run_scoped3A_5, %dma_start3A_13] : memref<32x2x96xi32, #tpu.memory_space<hbm>> -> memref<1x1x96xi32, #tpu.memory_space<hbm>>
      %dma_start3A_15 = tpu.memref_squeeze %dma_start3A_14 : memref<1x1x96xi32, #tpu.memory_space<hbm>> -> memref<96xi32, #tpu.memory_space<hbm>>
      %dma_start3A_16 = arith.constant 0 : i32
      %dma_start3A_17 = tpu.memref_slice %arg3[%add3A, %run_scoped3A_5, %dma_start3A_16] : memref<32x2x96xi32, #tpu.memory_space<hbm>> -> memref<1x1x96xi32, #tpu.memory_space<hbm>>
      %dma_start3A_18 = tpu.memref_squeeze %dma_start3A_17 : memref<1x1x96xi32, #tpu.memory_space<hbm>> -> memref<96xi32, #tpu.memory_space<hbm>>
      tpu.enqueue_dma source(%dma_start3A_18 : memref<96xi32, #tpu.memory_space<hbm>>) target(%arg5 : memref<96xi32, #tpu.memory_space<vmem>>) target_semaphore(%run_scoped3A_12 : memref<!tpu.dma_semaphore, #tpu.memory_space<semaphore_mem>>)
      %dma_wait3A_19 = arith.constant 0 : i32
      %dma_wait3A_20 = tpu.memref_slice %arg3[%add3A, %run_scoped3A_5, %dma_wait3A_19] : memref<32x2x96xi32, #tpu.memory_space<hbm>> -> memref<1x1x96xi32, #tpu.memory_space<hbm>>
      %dma_wait3A_21 = tpu.memref_squeeze %dma_wait3A_20 : memref<1x1x96xi32, #tpu.memory_space<hbm>> -> memref<96xi32, #tpu.memory_space<hbm>>
      %dma_wait3A_22 = arith.constant 0 : i32
      %dma_wait3A_23 = tpu.memref_slice %arg3[%add3A, %run_scoped3A_5, %dma_wait3A_22] : memref<32x2x96xi32, #tpu.memory_space<hbm>> -> memref<1x1x96xi32, #tpu.memory_space<hbm>>
      %dma_wait3A_24 = tpu.memref_squeeze %dma_wait3A_23 : memref<1x1x96xi32, #tpu.memory_space<hbm>> -> memref<96xi32, #tpu.memory_space<hbm>>
      tpu.wait_dma2 semaphore(%run_scoped3A_12 : memref<!tpu.dma_semaphore, #tpu.memory_space<semaphore_mem>>) src(%dma_wait3A_24 : memref<96xi32, #tpu.memory_space<hbm>>) dst(%arg5 : memref<96xi32, #tpu.memory_space<vmem>>)
      tpu.yield
    }) : () -> ()
    %dma_start3A_6 = arith.constant 0 : i32
    %dma_start3A_7 = arith.constant 0 : i32
    %dma_start3A_8 = tpu.memref_slice %arg2[%dma_start3A_6, %dma_start3A_7] : memref<18432x384xf32, #tpu.memory_space<hbm>> -> memref<18432x384xf32, #tpu.memory_space<hbm>>
    tpu.enqueue_indirect_dma source(%dma_start3A_8 : memref<18432x384xf32, #tpu.memory_space<hbm>>) target(%arg6 : memref<96x384xf32, #tpu.memory_space<vmem>>) offsets(%arg5 : memref<96xi32, #tpu.memory_space<vmem>>) semaphore(%arg7 : memref<!tpu.dma_semaphore, #tpu.memory_space<semaphore_mem>>)
    %dma_wait3A_9 = arith.constant 0 : i32
    %dma_wait3A_10 = arith.constant 0 : i32
    %dma_wait3A_11 = tpu.memref_slice %arg2[%dma_wait3A_9, %dma_wait3A_10] : memref<18432x384xf32, #tpu.memory_space<hbm>> -> memref<18432x384xf32, #tpu.memory_space<hbm>>
    tpu.wait_indirect_dma semaphore(%arg7 : memref<!tpu.dma_semaphore, #tpu.memory_space<semaphore_mem>>) src(%dma_wait3A_11 : memref<18432x384xf32, #tpu.memory_space<hbm>>) dst(%arg6 : memref<96x384xf32, #tpu.memory_space<vmem>>)
    "tpu.region"() ({
      %run_scoped3A_12 = tpu.sem_alloc : memref<!tpu.dma_semaphore, #tpu.memory_space<semaphore_mem>>
      %dma_start3A_13 = arith.constant 96 : i32
      %dma_start3A_14 = arith.constant 0 : i32
      %dma_start3A_15 = tpu.memref_slice %arg4[%add3A, %dma_start3A_13, %dma_start3A_14] : memref<32x192x384xf32, #tpu.memory_space<hbm>> -> memref<1x96x384xf32, #tpu.memory_space<hbm>>
      %dma_start3A_16 = tpu.memref_squeeze %dma_start3A_15 : memref<1x96x384xf32, #tpu.memory_space<hbm>> -> memref<96x384xf32, #tpu.memory_space<hbm>>
      %dma_start3A_17 = arith.constant 96 : i32
      %dma_start3A_18 = arith.constant 0 : i32
      %dma_start3A_19 = tpu.memref_slice %arg4[%add3A, %dma_start3A_17, %dma_start3A_18] : memref<32x192x384xf32, #tpu.memory_space<hbm>> -> memref<1x96x384xf32, #tpu.memory_space<hbm>>
      %dma_start3A_20 = tpu.memref_squeeze %dma_start3A_19 : memref<1x96x384xf32, #tpu.memory_space<hbm>> -> memref<96x384xf32, #tpu.memory_space<hbm>>
      tpu.enqueue_dma source(%arg6 : memref<96x384xf32, #tpu.memory_space<vmem>>) target(%dma_start3A_20 : memref<96x384xf32, #tpu.memory_space<hbm>>) target_semaphore(%run_scoped3A_12 : memref<!tpu.dma_semaphore, #tpu.memory_space<semaphore_mem>>)
      %dma_wait3A_21 = arith.constant 96 : i32
      %dma_wait3A_22 = arith.constant 0 : i32
      %dma_wait3A_23 = tpu.memref_slice %arg4[%add3A, %dma_wait3A_21, %dma_wait3A_22] : memref<32x192x384xf32, #tpu.memory_space<hbm>> -> memref<1x96x384xf32, #tpu.memory_space<hbm>>
      %dma_wait3A_24 = tpu.memref_squeeze %dma_wait3A_23 : memref<1x96x384xf32, #tpu.memory_space<hbm>> -> memref<96x384xf32, #tpu.memory_space<hbm>>
      %dma_wait3A_25 = arith.constant 96 : i32
      %dma_wait3A_26 = arith.constant 0 : i32
      %dma_wait3A_27 = tpu.memref_slice %arg4[%add3A, %dma_wait3A_25, %dma_wait3A_26] : memref<32x192x384xf32, #tpu.memory_space<hbm>> -> memref<1x96x384xf32, #tpu.memory_space<hbm>>
      %dma_wait3A_28 = tpu.memref_squeeze %dma_wait3A_27 : memref<1x96x384xf32, #tpu.memory_space<hbm>> -> memref<96x384xf32, #tpu.memory_space<hbm>>
      tpu.wait_dma2 semaphore(%run_scoped3A_12 : memref<!tpu.dma_semaphore, #tpu.memory_space<semaphore_mem>>) src(%arg6 : memref<96x384xf32, #tpu.memory_space<vmem>>) dst(%dma_wait3A_28 : memref<96x384xf32, #tpu.memory_space<hbm>>)
      tpu.yield
    }) : () -> ()
    return
  }
}

module attributes {stable_mosaic.version = 14 : i64} {
  func.func @_kernel_a(%arg0: i32, %arg1: memref<2x576x384xf32, #tpu.memory_space<vmem>>, %arg2: memref<2x576x384xf32, #tpu.memory_space<vmem>>, %arg3: memref<3x384x3456xbf16, #tpu.memory_space<vmem>>, %arg4: memref<3x1x384xf32, #tpu.memory_space<vmem>>, %arg5: memref<3x1x384xf32, #tpu.memory_space<vmem>>, %arg6: memref<3x1x384xf32, #tpu.memory_space<vmem>>, %arg7: memref<1x384xf32, #tpu.memory_space<vmem>>, %arg8: memref<1x384xf32, #tpu.memory_space<vmem>>, %arg9: memref<384x384xbf16, #tpu.memory_space<vmem>>, %arg10: memref<1x384xf32, #tpu.memory_space<vmem>>, %arg11: memref<384x384xbf16, #tpu.memory_space<vmem>>, %arg12: memref<1x384xf32, #tpu.memory_space<vmem>>, %arg13: memref<2x576x384xf32, #tpu.memory_space<vmem>>, %arg14: memref<2x1x576xf32, #tpu.memory_space<vmem>>, %arg15: memref<2x1x576xf32, #tpu.memory_space<vmem>>, %arg16: memref<2x1x576xf32, #tpu.memory_space<vmem>>, %arg17: memref<2x1x192xf32, #tpu.memory_space<vmem>>) attributes {dimension_semantics = [#tpu.dimension_semantics<arbitrary>], iteration_bounds = array<i64: 16>, scalar_prefetch = 0 : i64, scratch_operands = 0 : i64, tpu.core_type = #tpu.core_type<tc>, window_params = [{transform_indices = @transform_0, window_bounds = array<i64: 2, 576, 384>}, {transform_indices = @transform_1, window_bounds = array<i64: 2, 576, 384>}, {pipeline_mode = #tpu.pipeline_mode<synchronous>, transform_indices = @transform_2, window_bounds = array<i64: 3, 384, 3456>}, {pipeline_mode = #tpu.pipeline_mode<synchronous>, transform_indices = @transform_3, window_bounds = array<i64: 3, 1, 384>}, {pipeline_mode = #tpu.pipeline_mode<synchronous>, transform_indices = @transform_4, window_bounds = array<i64: 3, 1, 384>}, {pipeline_mode = #tpu.pipeline_mode<synchronous>, transform_indices = @transform_5, window_bounds = array<i64: 3, 1, 384>}, {pipeline_mode = #tpu.pipeline_mode<synchronous>, transform_indices = @transform_6, window_bounds = array<i64: 1, 384>}, {pipeline_mode = #tpu.pipeline_mode<synchronous>, transform_indices = @transform_7, window_bounds = array<i64: 1, 384>}, {pipeline_mode = #tpu.pipeline_mode<synchronous>, transform_indices = @transform_8, window_bounds = array<i64: 384, 384>}, {pipeline_mode = #tpu.pipeline_mode<synchronous>, transform_indices = @transform_9, window_bounds = array<i64: 1, 384>}, {pipeline_mode = #tpu.pipeline_mode<synchronous>, transform_indices = @transform_10, window_bounds = array<i64: 384, 384>}, {pipeline_mode = #tpu.pipeline_mode<synchronous>, transform_indices = @transform_11, window_bounds = array<i64: 1, 384>}, {transform_indices = @transform_12, window_bounds = array<i64: 2, 576, 384>}, {transform_indices = @transform_13, window_bounds = array<i64: 2, 1, 576>}, {transform_indices = @transform_14, window_bounds = array<i64: 2, 1, 576>}, {transform_indices = @transform_15, window_bounds = array<i64: 2, 1, 576>}, {transform_indices = @transform_16, window_bounds = array<i64: 2, 1, 192>}]} {
    %get3A = arith.constant 0 : index
    %get3A_0 = arith.constant 0 : index
    %get3A_1 = arith.constant 0 : index
    %get3A_2 = vector.load %arg1[%get3A, %get3A_0, %get3A_1] : memref<2x576x384xf32, #tpu.memory_space<vmem>>, vector<2x576x384xf32>
    %reshape3A = vector.shape_cast %get3A_2 : vector<2x576x384xf32> to vector<1152x384xf32>
    %get3A_3 = arith.constant 0 : index
    %get3A_4 = arith.constant 0 : index
    %get3A_5 = arith.constant 0 : index
    %get3A_6 = vector.load %arg2[%get3A_3, %get3A_4, %get3A_5] : memref<2x576x384xf32, #tpu.memory_space<vmem>>, vector<2x576x384xf32>
    %reshape3A_7 = vector.shape_cast %get3A_6 : vector<2x576x384xf32> to vector<1152x384xf32>
    %iota3A = tpu.iota {dimensions = array<i32: 0>} : vector<1152x1xi32>
    %jit3A = arith.constant 24 : i32
    %eq3A = arith.constant 0 : i32
    %eq3A_8 = arith.cmpi eq, %jit3A, %eq3A : i32
    %jit3A_9 = arith.constant 1 : i32
    %select_n3A = arith.select %eq3A_8, %jit3A_9, %jit3A : i32
    %rem3A = vector.broadcast %select_n3A : i32 to vector<1152x1xi32>
    %rem3A_10 = arith.remsi %iota3A, %rem3A : vector<1152x1xi32>
    %ne3A = arith.constant 0 : i32
    %ne3A_11 = vector.broadcast %ne3A : i32 to vector<1152x1xi32>
    %ne3A_12 = arith.cmpi ne, %rem3A_10, %ne3A_11 : vector<1152x1xi32>
    %lt3A = arith.constant 0 : i32
    %lt3A_13 = vector.broadcast %lt3A : i32 to vector<1152x1xi32>
    %lt3A_14 = arith.cmpi slt, %rem3A_10, %lt3A_13 : vector<1152x1xi32>
    %lt3A_15 = arith.constant 0 : i32
    %lt3A_16 = arith.cmpi slt, %select_n3A, %lt3A_15 : i32
    %ne3A_17 = vector.broadcast %lt3A_16 : i1 to vector<1152x1xi1>
    %ne3A_18 = vector.broadcast %ne3A_17 : vector<1152x1xi1> to vector<1152x1xi1>
    %ne3A_19 = arith.xori %lt3A_14, %ne3A_18 : vector<1152x1xi1>
    %and3A = arith.andi %ne3A_19, %ne3A_12 : vector<1152x1xi1>
    %add3A = vector.broadcast %select_n3A : i32 to vector<1152x1xi32>
    %add3A_20 = arith.addi %rem3A_10, %add3A : vector<1152x1xi32>
    %select_n3A_21 = arith.select %and3A, %add3A_20, %rem3A_10 : vector<1152x1xi1>, vector<1152x1xi32>
    %jit3A_22 = arith.constant 24 : i32
    %div3A = vector.broadcast %jit3A_22 : i32 to vector<1152x1xi32>
    %div3A_23 = arith.divsi %iota3A, %div3A : vector<1152x1xi32>
    %sign3A = arith.constant 0 : i32
    %sign3A_24 = vector.broadcast %sign3A : i32 to vector<1152x1xi32>
    %sign3A_25 = arith.cmpi sgt, %iota3A, %sign3A_24 : vector<1152x1xi32>
    %sign3A_26 = arith.extui %sign3A_25 : vector<1152x1xi1> to vector<1152x1xi32>
    %sign3A_27 = arith.constant 0 : i32
    %sign3A_28 = vector.broadcast %sign3A_27 : i32 to vector<1152x1xi32>
    %sign3A_29 = arith.cmpi slt, %iota3A, %sign3A_28 : vector<1152x1xi32>
    %sign3A_30 = arith.extui %sign3A_29 : vector<1152x1xi1> to vector<1152x1xi32>
    %sign3A_31 = arith.subi %sign3A_26, %sign3A_30 : vector<1152x1xi32>
    %sign3A_32 = arith.constant 0 : i32
    %sign3A_33 = arith.cmpi sgt, %jit3A_22, %sign3A_32 : i32
    %sign3A_34 = arith.extui %sign3A_33 : i1 to i32
    %sign3A_35 = arith.constant 0 : i32
    %sign3A_36 = arith.cmpi slt, %jit3A_22, %sign3A_35 : i32
    %sign3A_37 = arith.extui %sign3A_36 : i1 to i32
    %sign3A_38 = arith.subi %sign3A_34, %sign3A_37 : i32
    %ne3A_39 = vector.broadcast %sign3A_38 : i32 to vector<1152x1xi32>
    %ne3A_40 = arith.cmpi ne, %sign3A_31, %ne3A_39 : vector<1152x1xi32>
    %rem3A_41 = vector.broadcast %jit3A_22 : i32 to vector<1152x1xi32>
    %rem3A_42 = arith.remsi %iota3A, %rem3A_41 : vector<1152x1xi32>
    %ne3A_43 = arith.constant 0 : i32
    %ne3A_44 = vector.broadcast %ne3A_43 : i32 to vector<1152x1xi32>
    %ne3A_45 = arith.cmpi ne, %rem3A_42, %ne3A_44 : vector<1152x1xi32>
    %and3A_46 = arith.andi %ne3A_40, %ne3A_45 : vector<1152x1xi1>
    %sub3A = arith.constant 1 : i32
    %sub3A_47 = vector.broadcast %sub3A : i32 to vector<1152x1xi32>
    %sub3A_48 = arith.subi %div3A_23, %sub3A_47 : vector<1152x1xi32>
    %select_n3A_49 = arith.select %and3A_46, %sub3A_48, %div3A_23 : vector<1152x1xi1>, vector<1152x1xi32>
    %jit3A_50 = arith.constant 24 : i32
    %eq3A_51 = arith.constant 0 : i32
    %eq3A_52 = arith.cmpi eq, %jit3A_50, %eq3A_51 : i32
    %jit3A_53 = arith.constant 1 : i32
    %select_n3A_54 = arith.select %eq3A_52, %jit3A_53, %jit3A_50 : i32
    %rem3A_55 = vector.broadcast %select_n3A_54 : i32 to vector<1152x1xi32>
    %rem3A_56 = arith.remsi %select_n3A_49, %rem3A_55 : vector<1152x1xi32>
    %ne3A_57 = arith.constant 0 : i32
    %ne3A_58 = vector.broadcast %ne3A_57 : i32 to vector<1152x1xi32>
    %ne3A_59 = arith.cmpi ne, %rem3A_56, %ne3A_58 : vector<1152x1xi32>
    %lt3A_60 = arith.constant 0 : i32
    %lt3A_61 = vector.broadcast %lt3A_60 : i32 to vector<1152x1xi32>
    %lt3A_62 = arith.cmpi slt, %rem3A_56, %lt3A_61 : vector<1152x1xi32>
    %lt3A_63 = arith.constant 0 : i32
    %lt3A_64 = arith.cmpi slt, %select_n3A_54, %lt3A_63 : i32
    %ne3A_65 = vector.broadcast %lt3A_64 : i1 to vector<1152x1xi1>
    %ne3A_66 = vector.broadcast %ne3A_65 : vector<1152x1xi1> to vector<1152x1xi1>
    %ne3A_67 = arith.xori %lt3A_62, %ne3A_66 : vector<1152x1xi1>
    %and3A_68 = arith.andi %ne3A_67, %ne3A_59 : vector<1152x1xi1>
    %add3A_69 = vector.broadcast %select_n3A_54 : i32 to vector<1152x1xi32>
    %add3A_70 = arith.addi %rem3A_56, %add3A_69 : vector<1152x1xi32>
    %select_n3A_71 = arith.select %and3A_68, %add3A_70, %rem3A_56 : vector<1152x1xi1>, vector<1152x1xi32>
    %ge3A = arith.constant 1 : i32
    %ge3A_72 = vector.broadcast %ge3A : i32 to vector<1152x1xi32>
    %ge3A_73 = arith.cmpi sge, %select_n3A_21, %ge3A_72 : vector<1152x1xi32>
    %le3A = arith.constant 22 : i32
    %le3A_74 = vector.broadcast %le3A : i32 to vector<1152x1xi32>
    %le3A_75 = arith.cmpi sle, %select_n3A_21, %le3A_74 : vector<1152x1xi32>
    %ge3A_76 = arith.constant 1 : i32
    %ge3A_77 = vector.broadcast %ge3A_76 : i32 to vector<1152x1xi32>
    %ge3A_78 = arith.cmpi sge, %select_n3A_71, %ge3A_77 : vector<1152x1xi32>
    %le3A_79 = arith.constant 22 : i32
    %le3A_80 = vector.broadcast %le3A_79 : i32 to vector<1152x1xi32>
    %le3A_81 = arith.cmpi sle, %select_n3A_71, %le3A_80 : vector<1152x1xi32>
    %convert_element_type3A = arith.truncf %reshape3A : vector<1152x384xf32> to vector<1152x384xbf16>
    %get3A_82 = arith.constant 0 : index
    %get3A_83 = arith.constant 0 : index
    %get3A_84 = arith.constant 0 : index
    %get3A_85 = vector.load %arg3[%get3A_82, %get3A_83, %get3A_84] : memref<3x384x3456xbf16, #tpu.memory_space<vmem>>, vector<1x384x3456xbf16>
    %get3A_86 = vector.shape_cast %get3A_85 : vector<1x384x3456xbf16> to vector<384x3456xbf16>
    %dot_general3A = arith.constant dense<0.000000e+00> : vector<1152x3456xf32>
    %dot_general3A_87 = tpu.matmul %convert_element_type3A, %get3A_86, %dot_general3A {dimension_numbers = #tpu.dot_dimension_numbers<[1], [0], [0], [1], [0, 0, 1, 1], [], []>, transpose_lhs_hint = false} : vector<1152x384xbf16>, vector<384x3456xbf16>, vector<1152x3456xf32> -> vector<1152x3456xf32>
    %slice3A = vector.extract_strided_slice %dot_general3A_87 {offsets = [0, 0], sizes = [1152, 384], strides = [1, 1]} : vector<1152x3456xf32> to vector<1152x384xf32>
    %broadcast_in_dim3A = arith.constant 0.000000e+00 : f32
    %broadcast_in_dim3A_88 = vector.broadcast %broadcast_in_dim3A : f32 to vector<25x384xf32>
    %slice3A_89 = vector.extract_strided_slice %slice3A {offsets = [0, 0], sizes = [1127, 384], strides = [1, 1]} : vector<1152x384xf32> to vector<1127x384xf32>
    %concatenate3A = tpu.concatenate %broadcast_in_dim3A_88, %slice3A_89 in 0 : vector<25x384xf32>, vector<1127x384xf32> -> vector<1152x384xf32>
    %and3A_90 = arith.andi %ge3A_73, %ge3A_78 : vector<1152x1xi1>
    %jit3A_91 = arith.constant 0.000000e+00 : f32
    %broadcast_in_dim3A_92 = vector.shape_cast %and3A_90 : vector<1152x1xi1> to vector<1152x1xi1>
    %broadcast_in_dim3A_93 = vector.broadcast %broadcast_in_dim3A_92 : vector<1152x1xi1> to vector<1152x384xi1>
    %broadcast_in_dim3A_94 = vector.broadcast %jit3A_91 : f32 to vector<1152x384xf32>
    %select_n3A_95 = arith.select %broadcast_in_dim3A_93, %concatenate3A, %broadcast_in_dim3A_94 : vector<1152x384xi1>, vector<1152x384xf32>
    %slice3A_96 = vector.extract_strided_slice %dot_general3A_87 {offsets = [0, 384], sizes = [1152, 384], strides = [1, 1]} : vector<1152x3456xf32> to vector<1152x384xf32>
    %broadcast_in_dim3A_97 = arith.constant 0.000000e+00 : f32
    %broadcast_in_dim3A_98 = vector.broadcast %broadcast_in_dim3A_97 : f32 to vector<24x384xf32>
    %slice3A_99 = vector.extract_strided_slice %slice3A_96 {offsets = [0, 0], sizes = [1128, 384], strides = [1, 1]} : vector<1152x384xf32> to vector<1128x384xf32>
    %concatenate3A_100 = tpu.concatenate %broadcast_in_dim3A_98, %slice3A_99 in 0 : vector<24x384xf32>, vector<1128x384xf32> -> vector<1152x384xf32>
    %jit3A_101 = arith.constant 0.000000e+00 : f32
    %broadcast_in_dim3A_102 = vector.shape_cast %ge3A_78 : vector<1152x1xi1> to vector<1152x1xi1>
    %broadcast_in_dim3A_103 = vector.broadcast %broadcast_in_dim3A_102 : vector<1152x1xi1> to vector<1152x384xi1>
    %broadcast_in_dim3A_104 = vector.broadcast %jit3A_101 : f32 to vector<1152x384xf32>
    %select_n3A_105 = arith.select %broadcast_in_dim3A_103, %concatenate3A_100, %broadcast_in_dim3A_104 : vector<1152x384xi1>, vector<1152x384xf32>
    %add3A_106 = arith.addf %select_n3A_95, %select_n3A_105 : vector<1152x384xf32>
    %slice3A_107 = vector.extract_strided_slice %dot_general3A_87 {offsets = [0, 768], sizes = [1152, 384], strides = [1, 1]} : vector<1152x3456xf32> to vector<1152x384xf32>
    %broadcast_in_dim3A_108 = arith.constant 0.000000e+00 : f32
    %broadcast_in_dim3A_109 = vector.broadcast %broadcast_in_dim3A_108 : f32 to vector<23x384xf32>
    %slice3A_110 = vector.extract_strided_slice %slice3A_107 {offsets = [0, 0], sizes = [1129, 384], strides = [1, 1]} : vector<1152x384xf32> to vector<1129x384xf32>
    %concatenate3A_111 = tpu.concatenate %broadcast_in_dim3A_109, %slice3A_110 in 0 : vector<23x384xf32>, vector<1129x384xf32> -> vector<1152x384xf32>
    %and3A_112 = arith.andi %le3A_75, %ge3A_78 : vector<1152x1xi1>
    %jit3A_113 = arith.constant 0.000000e+00 : f32
    %broadcast_in_dim3A_114 = vector.shape_cast %and3A_112 : vector<1152x1xi1> to vector<1152x1xi1>
    %broadcast_in_dim3A_115 = vector.broadcast %broadcast_in_dim3A_114 : vector<1152x1xi1> to vector<1152x384xi1>
    %broadcast_in_dim3A_116 = vector.broadcast %jit3A_113 : f32 to vector<1152x384xf32>
    %select_n3A_117 = arith.select %broadcast_in_dim3A_115, %concatenate3A_111, %broadcast_in_dim3A_116 : vector<1152x384xi1>, vector<1152x384xf32>
    %add3A_118 = arith.addf %add3A_106, %select_n3A_117 : vector<1152x384xf32>
    %slice3A_119 = vector.extract_strided_slice %dot_general3A_87 {offsets = [0, 1152], sizes = [1152, 384], strides = [1, 1]} : vector<1152x3456xf32> to vector<1152x384xf32>
    %broadcast_in_dim3A_120 = arith.constant 0.000000e+00 : f32
    %broadcast_in_dim3A_121 = vector.broadcast %broadcast_in_dim3A_120 : f32 to vector<1x384xf32>
    %slice3A_122 = vector.extract_strided_slice %slice3A_119 {offsets = [0, 0], sizes = [1151, 384], strides = [1, 1]} : vector<1152x384xf32> to vector<1151x384xf32>
    %concatenate3A_123 = tpu.concatenate %broadcast_in_dim3A_121, %slice3A_122 in 0 : vector<1x384xf32>, vector<1151x384xf32> -> vector<1152x384xf32>
    %jit3A_124 = arith.constant 0.000000e+00 : f32
    %broadcast_in_dim3A_125 = vector.shape_cast %ge3A_73 : vector<1152x1xi1> to vector<1152x1xi1>
    %broadcast_in_dim3A_126 = vector.broadcast %broadcast_in_dim3A_125 : vector<1152x1xi1> to vector<1152x384xi1>
    %broadcast_in_dim3A_127 = vector.broadcast %jit3A_124 : f32 to vector<1152x384xf32>
    %select_n3A_128 = arith.select %broadcast_in_dim3A_126, %concatenate3A_123, %broadcast_in_dim3A_127 : vector<1152x384xi1>, vector<1152x384xf32>
    %add3A_129 = arith.addf %add3A_118, %select_n3A_128 : vector<1152x384xf32>
    %slice3A_130 = vector.extract_strided_slice %dot_general3A_87 {offsets = [0, 1536], sizes = [1152, 384], strides = [1, 1]} : vector<1152x3456xf32> to vector<1152x384xf32>
    %add3A_131 = arith.addf %add3A_129, %slice3A_130 : vector<1152x384xf32>
    %slice3A_132 = vector.extract_strided_slice %dot_general3A_87 {offsets = [0, 1920], sizes = [1152, 384], strides = [1, 1]} : vector<1152x3456xf32> to vector<1152x384xf32>
    %slice3A_133 = vector.extract_strided_slice %slice3A_132 {offsets = [1, 0], sizes = [1151, 384], strides = [1, 1]} : vector<1152x384xf32> to vector<1151x384xf32>
    %broadcast_in_dim3A_134 = arith.constant 0.000000e+00 : f32
    %broadcast_in_dim3A_135 = vector.broadcast %broadcast_in_dim3A_134 : f32 to vector<1x384xf32>
    %concatenate3A_136 = tpu.concatenate %slice3A_133, %broadcast_in_dim3A_135 in 0 : vector<1151x384xf32>, vector<1x384xf32> -> vector<1152x384xf32>
    %jit3A_137 = arith.constant 0.000000e+00 : f32
    %broadcast_in_dim3A_138 = vector.shape_cast %le3A_75 : vector<1152x1xi1> to vector<1152x1xi1>
    %broadcast_in_dim3A_139 = vector.broadcast %broadcast_in_dim3A_138 : vector<1152x1xi1> to vector<1152x384xi1>
    %broadcast_in_dim3A_140 = vector.broadcast %jit3A_137 : f32 to vector<1152x384xf32>
    %select_n3A_141 = arith.select %broadcast_in_dim3A_139, %concatenate3A_136, %broadcast_in_dim3A_140 : vector<1152x384xi1>, vector<1152x384xf32>
    %add3A_142 = arith.addf %add3A_131, %select_n3A_141 : vector<1152x384xf32>
    %slice3A_143 = vector.extract_strided_slice %dot_general3A_87 {offsets = [0, 2304], sizes = [1152, 384], strides = [1, 1]} : vector<1152x3456xf32> to vector<1152x384xf32>
    %slice3A_144 = vector.extract_strided_slice %slice3A_143 {offsets = [23, 0], sizes = [1129, 384], strides = [1, 1]} : vector<1152x384xf32> to vector<1129x384xf32>
    %broadcast_in_dim3A_145 = arith.constant 0.000000e+00 : f32
    %broadcast_in_dim3A_146 = vector.broadcast %broadcast_in_dim3A_145 : f32 to vector<23x384xf32>
    %concatenate3A_147 = tpu.concatenate %slice3A_144, %broadcast_in_dim3A_146 in 0 : vector<1129x384xf32>, vector<23x384xf32> -> vector<1152x384xf32>
    %and3A_148 = arith.andi %ge3A_73, %le3A_81 : vector<1152x1xi1>
    %jit3A_149 = arith.constant 0.000000e+00 : f32
    %broadcast_in_dim3A_150 = vector.shape_cast %and3A_148 : vector<1152x1xi1> to vector<1152x1xi1>
    %broadcast_in_dim3A_151 = vector.broadcast %broadcast_in_dim3A_150 : vector<1152x1xi1> to vector<1152x384xi1>
    %broadcast_in_dim3A_152 = vector.broadcast %jit3A_149 : f32 to vector<1152x384xf32>
    %select_n3A_153 = arith.select %broadcast_in_dim3A_151, %concatenate3A_147, %broadcast_in_dim3A_152 : vector<1152x384xi1>, vector<1152x384xf32>
    %add3A_154 = arith.addf %add3A_142, %select_n3A_153 : vector<1152x384xf32>
    %slice3A_155 = vector.extract_strided_slice %dot_general3A_87 {offsets = [0, 2688], sizes = [1152, 384], strides = [1, 1]} : vector<1152x3456xf32> to vector<1152x384xf32>
    %slice3A_156 = vector.extract_strided_slice %slice3A_155 {offsets = [24, 0], sizes = [1128, 384], strides = [1, 1]} : vector<1152x384xf32> to vector<1128x384xf32>
    %broadcast_in_dim3A_157 = arith.constant 0.000000e+00 : f32
    %broadcast_in_dim3A_158 = vector.broadcast %broadcast_in_dim3A_157 : f32 to vector<24x384xf32>
    %concatenate3A_159 = tpu.concatenate %slice3A_156, %broadcast_in_dim3A_158 in 0 : vector<1128x384xf32>, vector<24x384xf32> -> vector<1152x384xf32>
    %jit3A_160 = arith.constant 0.000000e+00 : f32
    %broadcast_in_dim3A_161 = vector.shape_cast %le3A_81 : vector<1152x1xi1> to vector<1152x1xi1>
    %broadcast_in_dim3A_162 = vector.broadcast %broadcast_in_dim3A_161 : vector<1152x1xi1> to vector<1152x384xi1>
    %broadcast_in_dim3A_163 = vector.broadcast %jit3A_160 : f32 to vector<1152x384xf32>
    %select_n3A_164 = arith.select %broadcast_in_dim3A_162, %concatenate3A_159, %broadcast_in_dim3A_163 : vector<1152x384xi1>, vector<1152x384xf32>
    %add3A_165 = arith.addf %add3A_154, %select_n3A_164 : vector<1152x384xf32>
    %slice3A_166 = vector.extract_strided_slice %dot_general3A_87 {offsets = [0, 3072], sizes = [1152, 384], strides = [1, 1]} : vector<1152x3456xf32> to vector<1152x384xf32>
    %slice3A_167 = vector.extract_strided_slice %slice3A_166 {offsets = [25, 0], sizes = [1127, 384], strides = [1, 1]} : vector<1152x384xf32> to vector<1127x384xf32>
    %broadcast_in_dim3A_168 = arith.constant 0.000000e+00 : f32
    %broadcast_in_dim3A_169 = vector.broadcast %broadcast_in_dim3A_168 : f32 to vector<25x384xf32>
    %concatenate3A_170 = tpu.concatenate %slice3A_167, %broadcast_in_dim3A_169 in 0 : vector<1127x384xf32>, vector<25x384xf32> -> vector<1152x384xf32>
    %and3A_171 = arith.andi %le3A_75, %le3A_81 : vector<1152x1xi1>
    %jit3A_172 = arith.constant 0.000000e+00 : f32
    %broadcast_in_dim3A_173 = vector.shape_cast %and3A_171 : vector<1152x1xi1> to vector<1152x1xi1>
    %broadcast_in_dim3A_174 = vector.broadcast %broadcast_in_dim3A_173 : vector<1152x1xi1> to vector<1152x384xi1>
    %broadcast_in_dim3A_175 = vector.broadcast %jit3A_172 : f32 to vector<1152x384xf32>
    %select_n3A_176 = arith.select %broadcast_in_dim3A_174, %concatenate3A_170, %broadcast_in_dim3A_175 : vector<1152x384xi1>, vector<1152x384xf32>
    %add3A_177 = arith.addf %add3A_165, %select_n3A_176 : vector<1152x384xf32>
    %get3A_178 = arith.constant 0 : index
    %get3A_179 = arith.constant 0 : index
    %get3A_180 = arith.constant 0 : index
    %get3A_181 = vector.load %arg4[%get3A_178, %get3A_179, %get3A_180] : memref<3x1x384xf32, #tpu.memory_space<vmem>>, vector<1x1x384xf32>
    %get3A_182 = vector.shape_cast %get3A_181 : vector<1x1x384xf32> to vector<1x384xf32>
    %add3A_183 = vector.broadcast %get3A_182 : vector<1x384xf32> to vector<1152x384xf32>
    %add3A_184 = arith.addf %add3A_177, %add3A_183 : vector<1152x384xf32>
    %iota3A_185 = tpu.iota {dimensions = array<i32: 0>} : vector<384x8xi32>
    %jit3A_186 = arith.constant 48 : i32
    %div3A_187 = vector.broadcast %jit3A_186 : i32 to vector<384x8xi32>
    %div3A_188 = arith.divsi %iota3A_185, %div3A_187 : vector<384x8xi32>
    %sign3A_189 = arith.constant 0 : i32
    %sign3A_190 = vector.broadcast %sign3A_189 : i32 to vector<384x8xi32>
    %sign3A_191 = arith.cmpi sgt, %iota3A_185, %sign3A_190 : vector<384x8xi32>
    %sign3A_192 = arith.extui %sign3A_191 : vector<384x8xi1> to vector<384x8xi32>
    %sign3A_193 = arith.constant 0 : i32
    %sign3A_194 = vector.broadcast %sign3A_193 : i32 to vector<384x8xi32>
    %sign3A_195 = arith.cmpi slt, %iota3A_185, %sign3A_194 : vector<384x8xi32>
    %sign3A_196 = arith.extui %sign3A_195 : vector<384x8xi1> to vector<384x8xi32>
    %sign3A_197 = arith.subi %sign3A_192, %sign3A_196 : vector<384x8xi32>
    %sign3A_198 = arith.constant 0 : i32
    %sign3A_199 = arith.cmpi sgt, %jit3A_186, %sign3A_198 : i32
    %sign3A_200 = arith.extui %sign3A_199 : i1 to i32
    %sign3A_201 = arith.constant 0 : i32
    %sign3A_202 = arith.cmpi slt, %jit3A_186, %sign3A_201 : i32
    %sign3A_203 = arith.extui %sign3A_202 : i1 to i32
    %sign3A_204 = arith.subi %sign3A_200, %sign3A_203 : i32
    %ne3A_205 = vector.broadcast %sign3A_204 : i32 to vector<384x8xi32>
    %ne3A_206 = arith.cmpi ne, %sign3A_197, %ne3A_205 : vector<384x8xi32>
    %rem3A_207 = vector.broadcast %jit3A_186 : i32 to vector<384x8xi32>
    %rem3A_208 = arith.remsi %iota3A_185, %rem3A_207 : vector<384x8xi32>
    %ne3A_209 = arith.constant 0 : i32
    %ne3A_210 = vector.broadcast %ne3A_209 : i32 to vector<384x8xi32>
    %ne3A_211 = arith.cmpi ne, %rem3A_208, %ne3A_210 : vector<384x8xi32>
    %and3A_212 = arith.andi %ne3A_206, %ne3A_211 : vector<384x8xi1>
    %sub3A_213 = arith.constant 1 : i32
    %sub3A_214 = vector.broadcast %sub3A_213 : i32 to vector<384x8xi32>
    %sub3A_215 = arith.subi %div3A_188, %sub3A_214 : vector<384x8xi32>
    %select_n3A_216 = arith.select %and3A_212, %sub3A_215, %div3A_188 : vector<384x8xi1>, vector<384x8xi32>
    %iota3A_217 = tpu.iota {dimensions = array<i32: 1>} : vector<384x8xi32>
    %eq3A_218 = arith.cmpi eq, %select_n3A_216, %iota3A_217 : vector<384x8xi32>
    %convert_element_type3A_219 = arith.extui %eq3A_218 : vector<384x8xi1> to vector<384x8xi32>
    %convert_element_type3A_220 = arith.sitofp %convert_element_type3A_219 : vector<384x8xi32> to vector<384x8xf32>
    %slice3A_221 = vector.extract_strided_slice %add3A_184 {offsets = [0, 0], sizes = [576, 384], strides = [1, 1]} : vector<1152x384xf32> to vector<576x384xf32>
    %reduce_sum3A = arith.constant dense<0.000000e+00> : vector<384xf32>
    %reduce_sum3A_222 = vector.multi_reduction <add>, %slice3A_221, %reduce_sum3A [0] : vector<576x384xf32> to vector<384xf32>
    %broadcast_in_dim3A_223 = vector.shape_cast %reduce_sum3A_222 : vector<384xf32> to vector<1x384xf32>
    %mul3A = arith.mulf %slice3A_221, %slice3A_221 : vector<576x384xf32>
    %reduce_sum3A_224 = arith.constant dense<0.000000e+00> : vector<384xf32>
    %reduce_sum3A_225 = vector.multi_reduction <add>, %mul3A, %reduce_sum3A_224 [0] : vector<576x384xf32> to vector<384xf32>
    %broadcast_in_dim3A_226 = vector.shape_cast %reduce_sum3A_225 : vector<384xf32> to vector<1x384xf32>
    %dot_general3A_227 = arith.constant dense<0.000000e+00> : vector<1x8xf32>
    %dot_general3A_228 = tpu.matmul %broadcast_in_dim3A_223, %convert_element_type3A_220, %dot_general3A_227 {dimension_numbers = #tpu.dot_dimension_numbers<[1], [0], [0], [1], [0, 0, 1, 1], [], []>, precision = #tpu.contract_precision<fp32>, transpose_lhs_hint = false} : vector<1x384xf32>, vector<384x8xf32>, vector<1x8xf32> -> vector<1x8xf32>
    %dot_general3A_229 = arith.constant dense<0.000000e+00> : vector<1x8xf32>
    %dot_general3A_230 = tpu.matmul %broadcast_in_dim3A_226, %convert_element_type3A_220, %dot_general3A_229 {dimension_numbers = #tpu.dot_dimension_numbers<[1], [0], [0], [1], [0, 0, 1, 1], [], []>, precision = #tpu.contract_precision<fp32>, transpose_lhs_hint = false} : vector<1x384xf32>, vector<384x8xf32>, vector<1x8xf32> -> vector<1x8xf32>
    %div3A_231 = arith.constant 2.764800e+04 : f32
    %div3A_232 = vector.broadcast %div3A_231 : f32 to vector<1x8xf32>
    %div3A_233 = arith.divf %dot_general3A_228, %div3A_232 : vector<1x8xf32>
    %div3A_234 = arith.constant 2.764800e+04 : f32
    %div3A_235 = vector.broadcast %div3A_234 : f32 to vector<1x8xf32>
    %div3A_236 = arith.divf %dot_general3A_230, %div3A_235 : vector<1x8xf32>
    %mul3A_237 = arith.mulf %div3A_233, %div3A_233 : vector<1x8xf32>
    %sub3A_238 = arith.subf %div3A_236, %mul3A_237 : vector<1x8xf32>
    %add3A_239 = arith.constant 9.99999974E-6 : f32
    %add3A_240 = vector.broadcast %add3A_239 : f32 to vector<1x8xf32>
    %add3A_241 = arith.addf %sub3A_238, %add3A_240 : vector<1x8xf32>
    %rsqrt3A = math.rsqrt %add3A_241 : vector<1x8xf32>
    %dot_general3A_242 = arith.constant dense<0.000000e+00> : vector<1x384xf32>
    %dot_general3A_243 = tpu.matmul %div3A_233, %convert_element_type3A_220, %dot_general3A_242 {dimension_numbers = #tpu.dot_dimension_numbers<[1], [1], [0], [0], [0, 0, 1, 0], [], []>, precision = #tpu.contract_precision<fp32>, transpose_lhs_hint = false} : vector<1x8xf32>, vector<384x8xf32>, vector<1x384xf32> -> vector<1x384xf32>
    %dot_general3A_244 = arith.constant dense<0.000000e+00> : vector<1x384xf32>
    %dot_general3A_245 = tpu.matmul %rsqrt3A, %convert_element_type3A_220, %dot_general3A_244 {dimension_numbers = #tpu.dot_dimension_numbers<[1], [1], [0], [0], [0, 0, 1, 0], [], []>, precision = #tpu.contract_precision<fp32>, transpose_lhs_hint = false} : vector<1x8xf32>, vector<384x8xf32>, vector<1x384xf32> -> vector<1x384xf32>
    %sub3A_246 = vector.broadcast %dot_general3A_243 : vector<1x384xf32> to vector<576x384xf32>
    %sub3A_247 = arith.subf %slice3A_221, %sub3A_246 : vector<576x384xf32>
    %mul3A_248 = vector.broadcast %dot_general3A_245 : vector<1x384xf32> to vector<576x384xf32>
    %mul3A_249 = arith.mulf %sub3A_247, %mul3A_248 : vector<576x384xf32>
    %get3A_250 = arith.constant 0 : index
    %get3A_251 = arith.constant 0 : index
    %get3A_252 = arith.constant 0 : index
    %get3A_253 = vector.load %arg5[%get3A_250, %get3A_251, %get3A_252] : memref<3x1x384xf32, #tpu.memory_space<vmem>>, vector<1x1x384xf32>
    %get3A_254 = vector.shape_cast %get3A_253 : vector<1x1x384xf32> to vector<1x384xf32>
    %mul3A_255 = vector.broadcast %get3A_254 : vector<1x384xf32> to vector<576x384xf32>
    %mul3A_256 = arith.mulf %mul3A_249, %mul3A_255 : vector<576x384xf32>
    %get3A_257 = arith.constant 0 : index
    %get3A_258 = arith.constant 0 : index
    %get3A_259 = arith.constant 0 : index
    %get3A_260 = vector.load %arg6[%get3A_257, %get3A_258, %get3A_259] : memref<3x1x384xf32, #tpu.memory_space<vmem>>, vector<1x1x384xf32>
    %get3A_261 = vector.shape_cast %get3A_260 : vector<1x1x384xf32> to vector<1x384xf32>
    %add3A_262 = vector.broadcast %get3A_261 : vector<1x384xf32> to vector<576x384xf32>
    %add3A_263 = arith.addf %mul3A_256, %add3A_262 : vector<576x384xf32>
    %slice3A_264 = vector.extract_strided_slice %add3A_184 {offsets = [576, 0], sizes = [576, 384], strides = [1, 1]} : vector<1152x384xf32> to vector<576x384xf32>
    %reduce_sum3A_265 = arith.constant dense<0.000000e+00> : vector<384xf32>
    %reduce_sum3A_266 = vector.multi_reduction <add>, %slice3A_264, %reduce_sum3A_265 [0] : vector<576x384xf32> to vector<384xf32>
    %broadcast_in_dim3A_267 = vector.shape_cast %reduce_sum3A_266 : vector<384xf32> to vector<1x384xf32>
    %mul3A_268 = arith.mulf %slice3A_264, %slice3A_264 : vector<576x384xf32>
    %reduce_sum3A_269 = arith.constant dense<0.000000e+00> : vector<384xf32>
    %reduce_sum3A_270 = vector.multi_reduction <add>, %mul3A_268, %reduce_sum3A_269 [0] : vector<576x384xf32> to vector<384xf32>
    %broadcast_in_dim3A_271 = vector.shape_cast %reduce_sum3A_270 : vector<384xf32> to vector<1x384xf32>
    %dot_general3A_272 = arith.constant dense<0.000000e+00> : vector<1x8xf32>
    %dot_general3A_273 = tpu.matmul %broadcast_in_dim3A_267, %convert_element_type3A_220, %dot_general3A_272 {dimension_numbers = #tpu.dot_dimension_numbers<[1], [0], [0], [1], [0, 0, 1, 1], [], []>, precision = #tpu.contract_precision<fp32>, transpose_lhs_hint = false} : vector<1x384xf32>, vector<384x8xf32>, vector<1x8xf32> -> vector<1x8xf32>
    %dot_general3A_274 = arith.constant dense<0.000000e+00> : vector<1x8xf32>
    %dot_general3A_275 = tpu.matmul %broadcast_in_dim3A_271, %convert_element_type3A_220, %dot_general3A_274 {dimension_numbers = #tpu.dot_dimension_numbers<[1], [0], [0], [1], [0, 0, 1, 1], [], []>, precision = #tpu.contract_precision<fp32>, transpose_lhs_hint = false} : vector<1x384xf32>, vector<384x8xf32>, vector<1x8xf32> -> vector<1x8xf32>
    %div3A_276 = arith.constant 2.764800e+04 : f32
    %div3A_277 = vector.broadcast %div3A_276 : f32 to vector<1x8xf32>
    %div3A_278 = arith.divf %dot_general3A_273, %div3A_277 : vector<1x8xf32>
    %div3A_279 = arith.constant 2.764800e+04 : f32
    %div3A_280 = vector.broadcast %div3A_279 : f32 to vector<1x8xf32>
    %div3A_281 = arith.divf %dot_general3A_275, %div3A_280 : vector<1x8xf32>
    %mul3A_282 = arith.mulf %div3A_278, %div3A_278 : vector<1x8xf32>
    %sub3A_283 = arith.subf %div3A_281, %mul3A_282 : vector<1x8xf32>
    %add3A_284 = arith.constant 9.99999974E-6 : f32
    %add3A_285 = vector.broadcast %add3A_284 : f32 to vector<1x8xf32>
    %add3A_286 = arith.addf %sub3A_283, %add3A_285 : vector<1x8xf32>
    %rsqrt3A_287 = math.rsqrt %add3A_286 : vector<1x8xf32>
    %dot_general3A_288 = arith.constant dense<0.000000e+00> : vector<1x384xf32>
    %dot_general3A_289 = tpu.matmul %div3A_278, %convert_element_type3A_220, %dot_general3A_288 {dimension_numbers = #tpu.dot_dimension_numbers<[1], [1], [0], [0], [0, 0, 1, 0], [], []>, precision = #tpu.contract_precision<fp32>, transpose_lhs_hint = false} : vector<1x8xf32>, vector<384x8xf32>, vector<1x384xf32> -> vector<1x384xf32>
    %dot_general3A_290 = arith.constant dense<0.000000e+00> : vector<1x384xf32>
    %dot_general3A_291 = tpu.matmul %rsqrt3A_287, %convert_element_type3A_220, %dot_general3A_290 {dimension_numbers = #tpu.dot_dimension_numbers<[1], [1], [0], [0], [0, 0, 1, 0], [], []>, precision = #tpu.contract_precision<fp32>, transpose_lhs_hint = false} : vector<1x8xf32>, vector<384x8xf32>, vector<1x384xf32> -> vector<1x384xf32>
    %sub3A_292 = vector.broadcast %dot_general3A_289 : vector<1x384xf32> to vector<576x384xf32>
    %sub3A_293 = arith.subf %slice3A_264, %sub3A_292 : vector<576x384xf32>
    %mul3A_294 = vector.broadcast %dot_general3A_291 : vector<1x384xf32> to vector<576x384xf32>
    %mul3A_295 = arith.mulf %sub3A_293, %mul3A_294 : vector<576x384xf32>
    %get3A_296 = arith.constant 0 : index
    %get3A_297 = arith.constant 0 : index
    %get3A_298 = arith.constant 0 : index
    %get3A_299 = vector.load %arg5[%get3A_296, %get3A_297, %get3A_298] : memref<3x1x384xf32, #tpu.memory_space<vmem>>, vector<1x1x384xf32>
    %get3A_300 = vector.shape_cast %get3A_299 : vector<1x1x384xf32> to vector<1x384xf32>
    %mul3A_301 = vector.broadcast %get3A_300 : vector<1x384xf32> to vector<576x384xf32>
    %mul3A_302 = arith.mulf %mul3A_295, %mul3A_301 : vector<576x384xf32>
    %get3A_303 = arith.constant 0 : index
    %get3A_304 = arith.constant 0 : index
    %get3A_305 = arith.constant 0 : index
    %get3A_306 = vector.load %arg6[%get3A_303, %get3A_304, %get3A_305] : memref<3x1x384xf32, #tpu.memory_space<vmem>>, vector<1x1x384xf32>
    %get3A_307 = vector.shape_cast %get3A_306 : vector<1x1x384xf32> to vector<1x384xf32>
    %add3A_308 = vector.broadcast %get3A_307 : vector<1x384xf32> to vector<576x384xf32>
    %add3A_309 = arith.addf %mul3A_302, %add3A_308 : vector<576x384xf32>
    %concatenate3A_310 = tpu.concatenate %add3A_263, %add3A_309 in 0 : vector<576x384xf32>, vector<576x384xf32> -> vector<1152x384xf32>
    %logistic3A = arith.negf %concatenate3A_310 : vector<1152x384xf32>
    %logistic3A_311 = math.exp %logistic3A : vector<1152x384xf32>
    %logistic3A_312 = arith.constant 1.000000e+00 : f32
    %logistic3A_313 = vector.broadcast %logistic3A_312 : f32 to vector<1152x384xf32>
    %logistic3A_314 = arith.addf %logistic3A_313, %logistic3A_311 : vector<1152x384xf32>
    %logistic3A_315 = arith.divf %logistic3A_313, %logistic3A_314 : vector<1152x384xf32>
    %mul3A_316 = arith.mulf %concatenate3A_310, %logistic3A_315 : vector<1152x384xf32>
    %convert_element_type3A_317 = arith.truncf %mul3A_316 : vector<1152x384xf32> to vector<1152x384xbf16>
    %get3A_318 = arith.constant 1 : index
    %get3A_319 = arith.constant 0 : index
    %get3A_320 = arith.constant 0 : index
    %get3A_321 = vector.load %arg3[%get3A_318, %get3A_319, %get3A_320] : memref<3x384x3456xbf16, #tpu.memory_space<vmem>>, vector<1x384x3456xbf16>
    %get3A_322 = vector.shape_cast %get3A_321 : vector<1x384x3456xbf16> to vector<384x3456xbf16>
    %dot_general3A_323 = arith.constant dense<0.000000e+00> : vector<1152x3456xf32>
    %dot_general3A_324 = tpu.matmul %convert_element_type3A_317, %get3A_322, %dot_general3A_323 {dimension_numbers = #tpu.dot_dimension_numbers<[1], [0], [0], [1], [0, 0, 1, 1], [], []>, transpose_lhs_hint = false} : vector<1152x384xbf16>, vector<384x3456xbf16>, vector<1152x3456xf32> -> vector<1152x3456xf32>
    %slice3A_325 = vector.extract_strided_slice %dot_general3A_324 {offsets = [0, 0], sizes = [1152, 384], strides = [1, 1]} : vector<1152x3456xf32> to vector<1152x384xf32>
    %broadcast_in_dim3A_326 = arith.constant 0.000000e+00 : f32
    %broadcast_in_dim3A_327 = vector.broadcast %broadcast_in_dim3A_326 : f32 to vector<25x384xf32>
    %slice3A_328 = vector.extract_strided_slice %slice3A_325 {offsets = [0, 0], sizes = [1127, 384], strides = [1, 1]} : vector<1152x384xf32> to vector<1127x384xf32>
    %concatenate3A_329 = tpu.concatenate %broadcast_in_dim3A_327, %slice3A_328 in 0 : vector<25x384xf32>, vector<1127x384xf32> -> vector<1152x384xf32>
    %and3A_330 = arith.andi %ge3A_73, %ge3A_78 : vector<1152x1xi1>
    %jit3A_331 = arith.constant 0.000000e+00 : f32
    %broadcast_in_dim3A_332 = vector.shape_cast %and3A_330 : vector<1152x1xi1> to vector<1152x1xi1>
    %broadcast_in_dim3A_333 = vector.broadcast %broadcast_in_dim3A_332 : vector<1152x1xi1> to vector<1152x384xi1>
    %broadcast_in_dim3A_334 = vector.broadcast %jit3A_331 : f32 to vector<1152x384xf32>
    %select_n3A_335 = arith.select %broadcast_in_dim3A_333, %concatenate3A_329, %broadcast_in_dim3A_334 : vector<1152x384xi1>, vector<1152x384xf32>
    %slice3A_336 = vector.extract_strided_slice %dot_general3A_324 {offsets = [0, 384], sizes = [1152, 384], strides = [1, 1]} : vector<1152x3456xf32> to vector<1152x384xf32>
    %broadcast_in_dim3A_337 = arith.constant 0.000000e+00 : f32
    %broadcast_in_dim3A_338 = vector.broadcast %broadcast_in_dim3A_337 : f32 to vector<24x384xf32>
    %slice3A_339 = vector.extract_strided_slice %slice3A_336 {offsets = [0, 0], sizes = [1128, 384], strides = [1, 1]} : vector<1152x384xf32> to vector<1128x384xf32>
    %concatenate3A_340 = tpu.concatenate %broadcast_in_dim3A_338, %slice3A_339 in 0 : vector<24x384xf32>, vector<1128x384xf32> -> vector<1152x384xf32>
    %jit3A_341 = arith.constant 0.000000e+00 : f32
    %broadcast_in_dim3A_342 = vector.shape_cast %ge3A_78 : vector<1152x1xi1> to vector<1152x1xi1>
    %broadcast_in_dim3A_343 = vector.broadcast %broadcast_in_dim3A_342 : vector<1152x1xi1> to vector<1152x384xi1>
    %broadcast_in_dim3A_344 = vector.broadcast %jit3A_341 : f32 to vector<1152x384xf32>
    %select_n3A_345 = arith.select %broadcast_in_dim3A_343, %concatenate3A_340, %broadcast_in_dim3A_344 : vector<1152x384xi1>, vector<1152x384xf32>
    %add3A_346 = arith.addf %select_n3A_335, %select_n3A_345 : vector<1152x384xf32>
    %slice3A_347 = vector.extract_strided_slice %dot_general3A_324 {offsets = [0, 768], sizes = [1152, 384], strides = [1, 1]} : vector<1152x3456xf32> to vector<1152x384xf32>
    %broadcast_in_dim3A_348 = arith.constant 0.000000e+00 : f32
    %broadcast_in_dim3A_349 = vector.broadcast %broadcast_in_dim3A_348 : f32 to vector<23x384xf32>
    %slice3A_350 = vector.extract_strided_slice %slice3A_347 {offsets = [0, 0], sizes = [1129, 384], strides = [1, 1]} : vector<1152x384xf32> to vector<1129x384xf32>
    %concatenate3A_351 = tpu.concatenate %broadcast_in_dim3A_349, %slice3A_350 in 0 : vector<23x384xf32>, vector<1129x384xf32> -> vector<1152x384xf32>
    %and3A_352 = arith.andi %le3A_75, %ge3A_78 : vector<1152x1xi1>
    %jit3A_353 = arith.constant 0.000000e+00 : f32
    %broadcast_in_dim3A_354 = vector.shape_cast %and3A_352 : vector<1152x1xi1> to vector<1152x1xi1>
    %broadcast_in_dim3A_355 = vector.broadcast %broadcast_in_dim3A_354 : vector<1152x1xi1> to vector<1152x384xi1>
    %broadcast_in_dim3A_356 = vector.broadcast %jit3A_353 : f32 to vector<1152x384xf32>
    %select_n3A_357 = arith.select %broadcast_in_dim3A_355, %concatenate3A_351, %broadcast_in_dim3A_356 : vector<1152x384xi1>, vector<1152x384xf32>
    %add3A_358 = arith.addf %add3A_346, %select_n3A_357 : vector<1152x384xf32>
    %slice3A_359 = vector.extract_strided_slice %dot_general3A_324 {offsets = [0, 1152], sizes = [1152, 384], strides = [1, 1]} : vector<1152x3456xf32> to vector<1152x384xf32>
    %broadcast_in_dim3A_360 = arith.constant 0.000000e+00 : f32
    %broadcast_in_dim3A_361 = vector.broadcast %broadcast_in_dim3A_360 : f32 to vector<1x384xf32>
    %slice3A_362 = vector.extract_strided_slice %slice3A_359 {offsets = [0, 0], sizes = [1151, 384], strides = [1, 1]} : vector<1152x384xf32> to vector<1151x384xf32>
    %concatenate3A_363 = tpu.concatenate %broadcast_in_dim3A_361, %slice3A_362 in 0 : vector<1x384xf32>, vector<1151x384xf32> -> vector<1152x384xf32>
    %jit3A_364 = arith.constant 0.000000e+00 : f32
    %broadcast_in_dim3A_365 = vector.shape_cast %ge3A_73 : vector<1152x1xi1> to vector<1152x1xi1>
    %broadcast_in_dim3A_366 = vector.broadcast %broadcast_in_dim3A_365 : vector<1152x1xi1> to vector<1152x384xi1>
    %broadcast_in_dim3A_367 = vector.broadcast %jit3A_364 : f32 to vector<1152x384xf32>
    %select_n3A_368 = arith.select %broadcast_in_dim3A_366, %concatenate3A_363, %broadcast_in_dim3A_367 : vector<1152x384xi1>, vector<1152x384xf32>
    %add3A_369 = arith.addf %add3A_358, %select_n3A_368 : vector<1152x384xf32>
    %slice3A_370 = vector.extract_strided_slice %dot_general3A_324 {offsets = [0, 1536], sizes = [1152, 384], strides = [1, 1]} : vector<1152x3456xf32> to vector<1152x384xf32>
    %add3A_371 = arith.addf %add3A_369, %slice3A_370 : vector<1152x384xf32>
    %slice3A_372 = vector.extract_strided_slice %dot_general3A_324 {offsets = [0, 1920], sizes = [1152, 384], strides = [1, 1]} : vector<1152x3456xf32> to vector<1152x384xf32>
    %slice3A_373 = vector.extract_strided_slice %slice3A_372 {offsets = [1, 0], sizes = [1151, 384], strides = [1, 1]} : vector<1152x384xf32> to vector<1151x384xf32>
    %broadcast_in_dim3A_374 = arith.constant 0.000000e+00 : f32
    %broadcast_in_dim3A_375 = vector.broadcast %broadcast_in_dim3A_374 : f32 to vector<1x384xf32>
    %concatenate3A_376 = tpu.concatenate %slice3A_373, %broadcast_in_dim3A_375 in 0 : vector<1151x384xf32>, vector<1x384xf32> -> vector<1152x384xf32>
    %jit3A_377 = arith.constant 0.000000e+00 : f32
    %broadcast_in_dim3A_378 = vector.shape_cast %le3A_75 : vector<1152x1xi1> to vector<1152x1xi1>
    %broadcast_in_dim3A_379 = vector.broadcast %broadcast_in_dim3A_378 : vector<1152x1xi1> to vector<1152x384xi1>
    %broadcast_in_dim3A_380 = vector.broadcast %jit3A_377 : f32 to vector<1152x384xf32>
    %select_n3A_381 = arith.select %broadcast_in_dim3A_379, %concatenate3A_376, %broadcast_in_dim3A_380 : vector<1152x384xi1>, vector<1152x384xf32>
    %add3A_382 = arith.addf %add3A_371, %select_n3A_381 : vector<1152x384xf32>
    %slice3A_383 = vector.extract_strided_slice %dot_general3A_324 {offsets = [0, 2304], sizes = [1152, 384], strides = [1, 1]} : vector<1152x3456xf32> to vector<1152x384xf32>
    %slice3A_384 = vector.extract_strided_slice %slice3A_383 {offsets = [23, 0], sizes = [1129, 384], strides = [1, 1]} : vector<1152x384xf32> to vector<1129x384xf32>
    %broadcast_in_dim3A_385 = arith.constant 0.000000e+00 : f32
    %broadcast_in_dim3A_386 = vector.broadcast %broadcast_in_dim3A_385 : f32 to vector<23x384xf32>
    %concatenate3A_387 = tpu.concatenate %slice3A_384, %broadcast_in_dim3A_386 in 0 : vector<1129x384xf32>, vector<23x384xf32> -> vector<1152x384xf32>
    %and3A_388 = arith.andi %ge3A_73, %le3A_81 : vector<1152x1xi1>
    %jit3A_389 = arith.constant 0.000000e+00 : f32
    %broadcast_in_dim3A_390 = vector.shape_cast %and3A_388 : vector<1152x1xi1> to vector<1152x1xi1>
    %broadcast_in_dim3A_391 = vector.broadcast %broadcast_in_dim3A_390 : vector<1152x1xi1> to vector<1152x384xi1>
    %broadcast_in_dim3A_392 = vector.broadcast %jit3A_389 : f32 to vector<1152x384xf32>
    %select_n3A_393 = arith.select %broadcast_in_dim3A_391, %concatenate3A_387, %broadcast_in_dim3A_392 : vector<1152x384xi1>, vector<1152x384xf32>
    %add3A_394 = arith.addf %add3A_382, %select_n3A_393 : vector<1152x384xf32>
    %slice3A_395 = vector.extract_strided_slice %dot_general3A_324 {offsets = [0, 2688], sizes = [1152, 384], strides = [1, 1]} : vector<1152x3456xf32> to vector<1152x384xf32>
    %slice3A_396 = vector.extract_strided_slice %slice3A_395 {offsets = [24, 0], sizes = [1128, 384], strides = [1, 1]} : vector<1152x384xf32> to vector<1128x384xf32>
    %broadcast_in_dim3A_397 = arith.constant 0.000000e+00 : f32
    %broadcast_in_dim3A_398 = vector.broadcast %broadcast_in_dim3A_397 : f32 to vector<24x384xf32>
    %concatenate3A_399 = tpu.concatenate %slice3A_396, %broadcast_in_dim3A_398 in 0 : vector<1128x384xf32>, vector<24x384xf32> -> vector<1152x384xf32>
    %jit3A_400 = arith.constant 0.000000e+00 : f32
    %broadcast_in_dim3A_401 = vector.shape_cast %le3A_81 : vector<1152x1xi1> to vector<1152x1xi1>
    %broadcast_in_dim3A_402 = vector.broadcast %broadcast_in_dim3A_401 : vector<1152x1xi1> to vector<1152x384xi1>
    %broadcast_in_dim3A_403 = vector.broadcast %jit3A_400 : f32 to vector<1152x384xf32>
    %select_n3A_404 = arith.select %broadcast_in_dim3A_402, %concatenate3A_399, %broadcast_in_dim3A_403 : vector<1152x384xi1>, vector<1152x384xf32>
    %add3A_405 = arith.addf %add3A_394, %select_n3A_404 : vector<1152x384xf32>
    %slice3A_406 = vector.extract_strided_slice %dot_general3A_324 {offsets = [0, 3072], sizes = [1152, 384], strides = [1, 1]} : vector<1152x3456xf32> to vector<1152x384xf32>
    %slice3A_407 = vector.extract_strided_slice %slice3A_406 {offsets = [25, 0], sizes = [1127, 384], strides = [1, 1]} : vector<1152x384xf32> to vector<1127x384xf32>
    %broadcast_in_dim3A_408 = arith.constant 0.000000e+00 : f32
    %broadcast_in_dim3A_409 = vector.broadcast %broadcast_in_dim3A_408 : f32 to vector<25x384xf32>
    %concatenate3A_410 = tpu.concatenate %slice3A_407, %broadcast_in_dim3A_409 in 0 : vector<1127x384xf32>, vector<25x384xf32> -> vector<1152x384xf32>
    %and3A_411 = arith.andi %le3A_75, %le3A_81 : vector<1152x1xi1>
    %jit3A_412 = arith.constant 0.000000e+00 : f32
    %broadcast_in_dim3A_413 = vector.shape_cast %and3A_411 : vector<1152x1xi1> to vector<1152x1xi1>
    %broadcast_in_dim3A_414 = vector.broadcast %broadcast_in_dim3A_413 : vector<1152x1xi1> to vector<1152x384xi1>
    %broadcast_in_dim3A_415 = vector.broadcast %jit3A_412 : f32 to vector<1152x384xf32>
    %select_n3A_416 = arith.select %broadcast_in_dim3A_414, %concatenate3A_410, %broadcast_in_dim3A_415 : vector<1152x384xi1>, vector<1152x384xf32>
    %add3A_417 = arith.addf %add3A_405, %select_n3A_416 : vector<1152x384xf32>
    %get3A_418 = arith.constant 1 : index
    %get3A_419 = arith.constant 0 : index
    %get3A_420 = arith.constant 0 : index
    %get3A_421 = vector.load %arg4[%get3A_418, %get3A_419, %get3A_420] : memref<3x1x384xf32, #tpu.memory_space<vmem>>, vector<1x1x384xf32>
    %get3A_422 = vector.shape_cast %get3A_421 : vector<1x1x384xf32> to vector<1x384xf32>
    %add3A_423 = vector.broadcast %get3A_422 : vector<1x384xf32> to vector<1152x384xf32>
    %add3A_424 = arith.addf %add3A_417, %add3A_423 : vector<1152x384xf32>
    %iota3A_425 = tpu.iota {dimensions = array<i32: 0>} : vector<384x8xi32>
    %jit3A_426 = arith.constant 48 : i32
    %div3A_427 = vector.broadcast %jit3A_426 : i32 to vector<384x8xi32>
    %div3A_428 = arith.divsi %iota3A_425, %div3A_427 : vector<384x8xi32>
    %sign3A_429 = arith.constant 0 : i32
    %sign3A_430 = vector.broadcast %sign3A_429 : i32 to vector<384x8xi32>
    %sign3A_431 = arith.cmpi sgt, %iota3A_425, %sign3A_430 : vector<384x8xi32>
    %sign3A_432 = arith.extui %sign3A_431 : vector<384x8xi1> to vector<384x8xi32>
    %sign3A_433 = arith.constant 0 : i32
    %sign3A_434 = vector.broadcast %sign3A_433 : i32 to vector<384x8xi32>
    %sign3A_435 = arith.cmpi slt, %iota3A_425, %sign3A_434 : vector<384x8xi32>
    %sign3A_436 = arith.extui %sign3A_435 : vector<384x8xi1> to vector<384x8xi32>
    %sign3A_437 = arith.subi %sign3A_432, %sign3A_436 : vector<384x8xi32>
    %sign3A_438 = arith.constant 0 : i32
    %sign3A_439 = arith.cmpi sgt, %jit3A_426, %sign3A_438 : i32
    %sign3A_440 = arith.extui %sign3A_439 : i1 to i32
    %sign3A_441 = arith.constant 0 : i32
    %sign3A_442 = arith.cmpi slt, %jit3A_426, %sign3A_441 : i32
    %sign3A_443 = arith.extui %sign3A_442 : i1 to i32
    %sign3A_444 = arith.subi %sign3A_440, %sign3A_443 : i32
    %ne3A_445 = vector.broadcast %sign3A_444 : i32 to vector<384x8xi32>
    %ne3A_446 = arith.cmpi ne, %sign3A_437, %ne3A_445 : vector<384x8xi32>
    %rem3A_447 = vector.broadcast %jit3A_426 : i32 to vector<384x8xi32>
    %rem3A_448 = arith.remsi %iota3A_425, %rem3A_447 : vector<384x8xi32>
    %ne3A_449 = arith.constant 0 : i32
    %ne3A_450 = vector.broadcast %ne3A_449 : i32 to vector<384x8xi32>
    %ne3A_451 = arith.cmpi ne, %rem3A_448, %ne3A_450 : vector<384x8xi32>
    %and3A_452 = arith.andi %ne3A_446, %ne3A_451 : vector<384x8xi1>
    %sub3A_453 = arith.constant 1 : i32
    %sub3A_454 = vector.broadcast %sub3A_453 : i32 to vector<384x8xi32>
    %sub3A_455 = arith.subi %div3A_428, %sub3A_454 : vector<384x8xi32>
    %select_n3A_456 = arith.select %and3A_452, %sub3A_455, %div3A_428 : vector<384x8xi1>, vector<384x8xi32>
    %iota3A_457 = tpu.iota {dimensions = array<i32: 1>} : vector<384x8xi32>
    %eq3A_458 = arith.cmpi eq, %select_n3A_456, %iota3A_457 : vector<384x8xi32>
    %convert_element_type3A_459 = arith.extui %eq3A_458 : vector<384x8xi1> to vector<384x8xi32>
    %convert_element_type3A_460 = arith.sitofp %convert_element_type3A_459 : vector<384x8xi32> to vector<384x8xf32>
    %slice3A_461 = vector.extract_strided_slice %add3A_424 {offsets = [0, 0], sizes = [576, 384], strides = [1, 1]} : vector<1152x384xf32> to vector<576x384xf32>
    %reduce_sum3A_462 = arith.constant dense<0.000000e+00> : vector<384xf32>
    %reduce_sum3A_463 = vector.multi_reduction <add>, %slice3A_461, %reduce_sum3A_462 [0] : vector<576x384xf32> to vector<384xf32>
    %broadcast_in_dim3A_464 = vector.shape_cast %reduce_sum3A_463 : vector<384xf32> to vector<1x384xf32>
    %mul3A_465 = arith.mulf %slice3A_461, %slice3A_461 : vector<576x384xf32>
    %reduce_sum3A_466 = arith.constant dense<0.000000e+00> : vector<384xf32>
    %reduce_sum3A_467 = vector.multi_reduction <add>, %mul3A_465, %reduce_sum3A_466 [0] : vector<576x384xf32> to vector<384xf32>
    %broadcast_in_dim3A_468 = vector.shape_cast %reduce_sum3A_467 : vector<384xf32> to vector<1x384xf32>
    %dot_general3A_469 = arith.constant dense<0.000000e+00> : vector<1x8xf32>
    %dot_general3A_470 = tpu.matmul %broadcast_in_dim3A_464, %convert_element_type3A_460, %dot_general3A_469 {dimension_numbers = #tpu.dot_dimension_numbers<[1], [0], [0], [1], [0, 0, 1, 1], [], []>, precision = #tpu.contract_precision<fp32>, transpose_lhs_hint = false} : vector<1x384xf32>, vector<384x8xf32>, vector<1x8xf32> -> vector<1x8xf32>
    %dot_general3A_471 = arith.constant dense<0.000000e+00> : vector<1x8xf32>
    %dot_general3A_472 = tpu.matmul %broadcast_in_dim3A_468, %convert_element_type3A_460, %dot_general3A_471 {dimension_numbers = #tpu.dot_dimension_numbers<[1], [0], [0], [1], [0, 0, 1, 1], [], []>, precision = #tpu.contract_precision<fp32>, transpose_lhs_hint = false} : vector<1x384xf32>, vector<384x8xf32>, vector<1x8xf32> -> vector<1x8xf32>
    %div3A_473 = arith.constant 2.764800e+04 : f32
    %div3A_474 = vector.broadcast %div3A_473 : f32 to vector<1x8xf32>
    %div3A_475 = arith.divf %dot_general3A_470, %div3A_474 : vector<1x8xf32>
    %div3A_476 = arith.constant 2.764800e+04 : f32
    %div3A_477 = vector.broadcast %div3A_476 : f32 to vector<1x8xf32>
    %div3A_478 = arith.divf %dot_general3A_472, %div3A_477 : vector<1x8xf32>
    %mul3A_479 = arith.mulf %div3A_475, %div3A_475 : vector<1x8xf32>
    %sub3A_480 = arith.subf %div3A_478, %mul3A_479 : vector<1x8xf32>
    %add3A_481 = arith.constant 9.99999974E-6 : f32
    %add3A_482 = vector.broadcast %add3A_481 : f32 to vector<1x8xf32>
    %add3A_483 = arith.addf %sub3A_480, %add3A_482 : vector<1x8xf32>
    %rsqrt3A_484 = math.rsqrt %add3A_483 : vector<1x8xf32>
    %dot_general3A_485 = arith.constant dense<0.000000e+00> : vector<1x384xf32>
    %dot_general3A_486 = tpu.matmul %div3A_475, %convert_element_type3A_460, %dot_general3A_485 {dimension_numbers = #tpu.dot_dimension_numbers<[1], [1], [0], [0], [0, 0, 1, 0], [], []>, precision = #tpu.contract_precision<fp32>, transpose_lhs_hint = false} : vector<1x8xf32>, vector<384x8xf32>, vector<1x384xf32> -> vector<1x384xf32>
    %dot_general3A_487 = arith.constant dense<0.000000e+00> : vector<1x384xf32>
    %dot_general3A_488 = tpu.matmul %rsqrt3A_484, %convert_element_type3A_460, %dot_general3A_487 {dimension_numbers = #tpu.dot_dimension_numbers<[1], [1], [0], [0], [0, 0, 1, 0], [], []>, precision = #tpu.contract_precision<fp32>, transpose_lhs_hint = false} : vector<1x8xf32>, vector<384x8xf32>, vector<1x384xf32> -> vector<1x384xf32>
    %sub3A_489 = vector.broadcast %dot_general3A_486 : vector<1x384xf32> to vector<576x384xf32>
    %sub3A_490 = arith.subf %slice3A_461, %sub3A_489 : vector<576x384xf32>
    %mul3A_491 = vector.broadcast %dot_general3A_488 : vector<1x384xf32> to vector<576x384xf32>
    %mul3A_492 = arith.mulf %sub3A_490, %mul3A_491 : vector<576x384xf32>
    %get3A_493 = arith.constant 1 : index
    %get3A_494 = arith.constant 0 : index
    %get3A_495 = arith.constant 0 : index
    %get3A_496 = vector.load %arg5[%get3A_493, %get3A_494, %get3A_495] : memref<3x1x384xf32, #tpu.memory_space<vmem>>, vector<1x1x384xf32>
    %get3A_497 = vector.shape_cast %get3A_496 : vector<1x1x384xf32> to vector<1x384xf32>
    %mul3A_498 = vector.broadcast %get3A_497 : vector<1x384xf32> to vector<576x384xf32>
    %mul3A_499 = arith.mulf %mul3A_492, %mul3A_498 : vector<576x384xf32>
    %get3A_500 = arith.constant 1 : index
    %get3A_501 = arith.constant 0 : index
    %get3A_502 = arith.constant 0 : index
    %get3A_503 = vector.load %arg6[%get3A_500, %get3A_501, %get3A_502] : memref<3x1x384xf32, #tpu.memory_space<vmem>>, vector<1x1x384xf32>
    %get3A_504 = vector.shape_cast %get3A_503 : vector<1x1x384xf32> to vector<1x384xf32>
    %add3A_505 = vector.broadcast %get3A_504 : vector<1x384xf32> to vector<576x384xf32>
    %add3A_506 = arith.addf %mul3A_499, %add3A_505 : vector<576x384xf32>
    %slice3A_507 = vector.extract_strided_slice %add3A_424 {offsets = [576, 0], sizes = [576, 384], strides = [1, 1]} : vector<1152x384xf32> to vector<576x384xf32>
    %reduce_sum3A_508 = arith.constant dense<0.000000e+00> : vector<384xf32>
    %reduce_sum3A_509 = vector.multi_reduction <add>, %slice3A_507, %reduce_sum3A_508 [0] : vector<576x384xf32> to vector<384xf32>
    %broadcast_in_dim3A_510 = vector.shape_cast %reduce_sum3A_509 : vector<384xf32> to vector<1x384xf32>
    %mul3A_511 = arith.mulf %slice3A_507, %slice3A_507 : vector<576x384xf32>
    %reduce_sum3A_512 = arith.constant dense<0.000000e+00> : vector<384xf32>
    %reduce_sum3A_513 = vector.multi_reduction <add>, %mul3A_511, %reduce_sum3A_512 [0] : vector<576x384xf32> to vector<384xf32>
    %broadcast_in_dim3A_514 = vector.shape_cast %reduce_sum3A_513 : vector<384xf32> to vector<1x384xf32>
    %dot_general3A_515 = arith.constant dense<0.000000e+00> : vector<1x8xf32>
    %dot_general3A_516 = tpu.matmul %broadcast_in_dim3A_510, %convert_element_type3A_460, %dot_general3A_515 {dimension_numbers = #tpu.dot_dimension_numbers<[1], [0], [0], [1], [0, 0, 1, 1], [], []>, precision = #tpu.contract_precision<fp32>, transpose_lhs_hint = false} : vector<1x384xf32>, vector<384x8xf32>, vector<1x8xf32> -> vector<1x8xf32>
    %dot_general3A_517 = arith.constant dense<0.000000e+00> : vector<1x8xf32>
    %dot_general3A_518 = tpu.matmul %broadcast_in_dim3A_514, %convert_element_type3A_460, %dot_general3A_517 {dimension_numbers = #tpu.dot_dimension_numbers<[1], [0], [0], [1], [0, 0, 1, 1], [], []>, precision = #tpu.contract_precision<fp32>, transpose_lhs_hint = false} : vector<1x384xf32>, vector<384x8xf32>, vector<1x8xf32> -> vector<1x8xf32>
    %div3A_519 = arith.constant 2.764800e+04 : f32
    %div3A_520 = vector.broadcast %div3A_519 : f32 to vector<1x8xf32>
    %div3A_521 = arith.divf %dot_general3A_516, %div3A_520 : vector<1x8xf32>
    %div3A_522 = arith.constant 2.764800e+04 : f32
    %div3A_523 = vector.broadcast %div3A_522 : f32 to vector<1x8xf32>
    %div3A_524 = arith.divf %dot_general3A_518, %div3A_523 : vector<1x8xf32>
    %mul3A_525 = arith.mulf %div3A_521, %div3A_521 : vector<1x8xf32>
    %sub3A_526 = arith.subf %div3A_524, %mul3A_525 : vector<1x8xf32>
    %add3A_527 = arith.constant 9.99999974E-6 : f32
    %add3A_528 = vector.broadcast %add3A_527 : f32 to vector<1x8xf32>
    %add3A_529 = arith.addf %sub3A_526, %add3A_528 : vector<1x8xf32>
    %rsqrt3A_530 = math.rsqrt %add3A_529 : vector<1x8xf32>
    %dot_general3A_531 = arith.constant dense<0.000000e+00> : vector<1x384xf32>
    %dot_general3A_532 = tpu.matmul %div3A_521, %convert_element_type3A_460, %dot_general3A_531 {dimension_numbers = #tpu.dot_dimension_numbers<[1], [1], [0], [0], [0, 0, 1, 0], [], []>, precision = #tpu.contract_precision<fp32>, transpose_lhs_hint = false} : vector<1x8xf32>, vector<384x8xf32>, vector<1x384xf32> -> vector<1x384xf32>
    %dot_general3A_533 = arith.constant dense<0.000000e+00> : vector<1x384xf32>
    %dot_general3A_534 = tpu.matmul %rsqrt3A_530, %convert_element_type3A_460, %dot_general3A_533 {dimension_numbers = #tpu.dot_dimension_numbers<[1], [1], [0], [0], [0, 0, 1, 0], [], []>, precision = #tpu.contract_precision<fp32>, transpose_lhs_hint = false} : vector<1x8xf32>, vector<384x8xf32>, vector<1x384xf32> -> vector<1x384xf32>
    %sub3A_535 = vector.broadcast %dot_general3A_532 : vector<1x384xf32> to vector<576x384xf32>
    %sub3A_536 = arith.subf %slice3A_507, %sub3A_535 : vector<576x384xf32>
    %mul3A_537 = vector.broadcast %dot_general3A_534 : vector<1x384xf32> to vector<576x384xf32>
    %mul3A_538 = arith.mulf %sub3A_536, %mul3A_537 : vector<576x384xf32>
    %get3A_539 = arith.constant 1 : index
    %get3A_540 = arith.constant 0 : index
    %get3A_541 = arith.constant 0 : index
    %get3A_542 = vector.load %arg5[%get3A_539, %get3A_540, %get3A_541] : memref<3x1x384xf32, #tpu.memory_space<vmem>>, vector<1x1x384xf32>
    %get3A_543 = vector.shape_cast %get3A_542 : vector<1x1x384xf32> to vector<1x384xf32>
    %mul3A_544 = vector.broadcast %get3A_543 : vector<1x384xf32> to vector<576x384xf32>
    %mul3A_545 = arith.mulf %mul3A_538, %mul3A_544 : vector<576x384xf32>
    %get3A_546 = arith.constant 1 : index
    %get3A_547 = arith.constant 0 : index
    %get3A_548 = arith.constant 0 : index
    %get3A_549 = vector.load %arg6[%get3A_546, %get3A_547, %get3A_548] : memref<3x1x384xf32, #tpu.memory_space<vmem>>, vector<1x1x384xf32>
    %get3A_550 = vector.shape_cast %get3A_549 : vector<1x1x384xf32> to vector<1x384xf32>
    %add3A_551 = vector.broadcast %get3A_550 : vector<1x384xf32> to vector<576x384xf32>
    %add3A_552 = arith.addf %mul3A_545, %add3A_551 : vector<576x384xf32>
    %concatenate3A_553 = tpu.concatenate %add3A_506, %add3A_552 in 0 : vector<576x384xf32>, vector<576x384xf32> -> vector<1152x384xf32>
    %logistic3A_554 = arith.negf %concatenate3A_553 : vector<1152x384xf32>
    %logistic3A_555 = math.exp %logistic3A_554 : vector<1152x384xf32>
    %logistic3A_556 = arith.constant 1.000000e+00 : f32
    %logistic3A_557 = vector.broadcast %logistic3A_556 : f32 to vector<1152x384xf32>
    %logistic3A_558 = arith.addf %logistic3A_557, %logistic3A_555 : vector<1152x384xf32>
    %logistic3A_559 = arith.divf %logistic3A_557, %logistic3A_558 : vector<1152x384xf32>
    %mul3A_560 = arith.mulf %concatenate3A_553, %logistic3A_559 : vector<1152x384xf32>
    %convert_element_type3A_561 = arith.truncf %mul3A_560 : vector<1152x384xf32> to vector<1152x384xbf16>
    %get3A_562 = arith.constant 2 : index
    %get3A_563 = arith.constant 0 : index
    %get3A_564 = arith.constant 0 : index
    %get3A_565 = vector.load %arg3[%get3A_562, %get3A_563, %get3A_564] : memref<3x384x3456xbf16, #tpu.memory_space<vmem>>, vector<1x384x3456xbf16>
    %get3A_566 = vector.shape_cast %get3A_565 : vector<1x384x3456xbf16> to vector<384x3456xbf16>
    %dot_general3A_567 = arith.constant dense<0.000000e+00> : vector<1152x3456xf32>
    %dot_general3A_568 = tpu.matmul %convert_element_type3A_561, %get3A_566, %dot_general3A_567 {dimension_numbers = #tpu.dot_dimension_numbers<[1], [0], [0], [1], [0, 0, 1, 1], [], []>, transpose_lhs_hint = false} : vector<1152x384xbf16>, vector<384x3456xbf16>, vector<1152x3456xf32> -> vector<1152x3456xf32>
    %slice3A_569 = vector.extract_strided_slice %dot_general3A_568 {offsets = [0, 0], sizes = [1152, 384], strides = [1, 1]} : vector<1152x3456xf32> to vector<1152x384xf32>
    %broadcast_in_dim3A_570 = arith.constant 0.000000e+00 : f32
    %broadcast_in_dim3A_571 = vector.broadcast %broadcast_in_dim3A_570 : f32 to vector<25x384xf32>
    %slice3A_572 = vector.extract_strided_slice %slice3A_569 {offsets = [0, 0], sizes = [1127, 384], strides = [1, 1]} : vector<1152x384xf32> to vector<1127x384xf32>
    %concatenate3A_573 = tpu.concatenate %broadcast_in_dim3A_571, %slice3A_572 in 0 : vector<25x384xf32>, vector<1127x384xf32> -> vector<1152x384xf32>
    %and3A_574 = arith.andi %ge3A_73, %ge3A_78 : vector<1152x1xi1>
    %jit3A_575 = arith.constant 0.000000e+00 : f32
    %broadcast_in_dim3A_576 = vector.shape_cast %and3A_574 : vector<1152x1xi1> to vector<1152x1xi1>
    %broadcast_in_dim3A_577 = vector.broadcast %broadcast_in_dim3A_576 : vector<1152x1xi1> to vector<1152x384xi1>
    %broadcast_in_dim3A_578 = vector.broadcast %jit3A_575 : f32 to vector<1152x384xf32>
    %select_n3A_579 = arith.select %broadcast_in_dim3A_577, %concatenate3A_573, %broadcast_in_dim3A_578 : vector<1152x384xi1>, vector<1152x384xf32>
    %slice3A_580 = vector.extract_strided_slice %dot_general3A_568 {offsets = [0, 384], sizes = [1152, 384], strides = [1, 1]} : vector<1152x3456xf32> to vector<1152x384xf32>
    %broadcast_in_dim3A_581 = arith.constant 0.000000e+00 : f32
    %broadcast_in_dim3A_582 = vector.broadcast %broadcast_in_dim3A_581 : f32 to vector<24x384xf32>
    %slice3A_583 = vector.extract_strided_slice %slice3A_580 {offsets = [0, 0], sizes = [1128, 384], strides = [1, 1]} : vector<1152x384xf32> to vector<1128x384xf32>
    %concatenate3A_584 = tpu.concatenate %broadcast_in_dim3A_582, %slice3A_583 in 0 : vector<24x384xf32>, vector<1128x384xf32> -> vector<1152x384xf32>
    %jit3A_585 = arith.constant 0.000000e+00 : f32
    %broadcast_in_dim3A_586 = vector.shape_cast %ge3A_78 : vector<1152x1xi1> to vector<1152x1xi1>
    %broadcast_in_dim3A_587 = vector.broadcast %broadcast_in_dim3A_586 : vector<1152x1xi1> to vector<1152x384xi1>
    %broadcast_in_dim3A_588 = vector.broadcast %jit3A_585 : f32 to vector<1152x384xf32>
    %select_n3A_589 = arith.select %broadcast_in_dim3A_587, %concatenate3A_584, %broadcast_in_dim3A_588 : vector<1152x384xi1>, vector<1152x384xf32>
    %add3A_590 = arith.addf %select_n3A_579, %select_n3A_589 : vector<1152x384xf32>
    %slice3A_591 = vector.extract_strided_slice %dot_general3A_568 {offsets = [0, 768], sizes = [1152, 384], strides = [1, 1]} : vector<1152x3456xf32> to vector<1152x384xf32>
    %broadcast_in_dim3A_592 = arith.constant 0.000000e+00 : f32
    %broadcast_in_dim3A_593 = vector.broadcast %broadcast_in_dim3A_592 : f32 to vector<23x384xf32>
    %slice3A_594 = vector.extract_strided_slice %slice3A_591 {offsets = [0, 0], sizes = [1129, 384], strides = [1, 1]} : vector<1152x384xf32> to vector<1129x384xf32>
    %concatenate3A_595 = tpu.concatenate %broadcast_in_dim3A_593, %slice3A_594 in 0 : vector<23x384xf32>, vector<1129x384xf32> -> vector<1152x384xf32>
    %and3A_596 = arith.andi %le3A_75, %ge3A_78 : vector<1152x1xi1>
    %jit3A_597 = arith.constant 0.000000e+00 : f32
    %broadcast_in_dim3A_598 = vector.shape_cast %and3A_596 : vector<1152x1xi1> to vector<1152x1xi1>
    %broadcast_in_dim3A_599 = vector.broadcast %broadcast_in_dim3A_598 : vector<1152x1xi1> to vector<1152x384xi1>
    %broadcast_in_dim3A_600 = vector.broadcast %jit3A_597 : f32 to vector<1152x384xf32>
    %select_n3A_601 = arith.select %broadcast_in_dim3A_599, %concatenate3A_595, %broadcast_in_dim3A_600 : vector<1152x384xi1>, vector<1152x384xf32>
    %add3A_602 = arith.addf %add3A_590, %select_n3A_601 : vector<1152x384xf32>
    %slice3A_603 = vector.extract_strided_slice %dot_general3A_568 {offsets = [0, 1152], sizes = [1152, 384], strides = [1, 1]} : vector<1152x3456xf32> to vector<1152x384xf32>
    %broadcast_in_dim3A_604 = arith.constant 0.000000e+00 : f32
    %broadcast_in_dim3A_605 = vector.broadcast %broadcast_in_dim3A_604 : f32 to vector<1x384xf32>
    %slice3A_606 = vector.extract_strided_slice %slice3A_603 {offsets = [0, 0], sizes = [1151, 384], strides = [1, 1]} : vector<1152x384xf32> to vector<1151x384xf32>
    %concatenate3A_607 = tpu.concatenate %broadcast_in_dim3A_605, %slice3A_606 in 0 : vector<1x384xf32>, vector<1151x384xf32> -> vector<1152x384xf32>
    %jit3A_608 = arith.constant 0.000000e+00 : f32
    %broadcast_in_dim3A_609 = vector.shape_cast %ge3A_73 : vector<1152x1xi1> to vector<1152x1xi1>
    %broadcast_in_dim3A_610 = vector.broadcast %broadcast_in_dim3A_609 : vector<1152x1xi1> to vector<1152x384xi1>
    %broadcast_in_dim3A_611 = vector.broadcast %jit3A_608 : f32 to vector<1152x384xf32>
    %select_n3A_612 = arith.select %broadcast_in_dim3A_610, %concatenate3A_607, %broadcast_in_dim3A_611 : vector<1152x384xi1>, vector<1152x384xf32>
    %add3A_613 = arith.addf %add3A_602, %select_n3A_612 : vector<1152x384xf32>
    %slice3A_614 = vector.extract_strided_slice %dot_general3A_568 {offsets = [0, 1536], sizes = [1152, 384], strides = [1, 1]} : vector<1152x3456xf32> to vector<1152x384xf32>
    %add3A_615 = arith.addf %add3A_613, %slice3A_614 : vector<1152x384xf32>
    %slice3A_616 = vector.extract_strided_slice %dot_general3A_568 {offsets = [0, 1920], sizes = [1152, 384], strides = [1, 1]} : vector<1152x3456xf32> to vector<1152x384xf32>
    %slice3A_617 = vector.extract_strided_slice %slice3A_616 {offsets = [1, 0], sizes = [1151, 384], strides = [1, 1]} : vector<1152x384xf32> to vector<1151x384xf32>
    %broadcast_in_dim3A_618 = arith.constant 0.000000e+00 : f32
    %broadcast_in_dim3A_619 = vector.broadcast %broadcast_in_dim3A_618 : f32 to vector<1x384xf32>
    %concatenate3A_620 = tpu.concatenate %slice3A_617, %broadcast_in_dim3A_619 in 0 : vector<1151x384xf32>, vector<1x384xf32> -> vector<1152x384xf32>
    %jit3A_621 = arith.constant 0.000000e+00 : f32
    %broadcast_in_dim3A_622 = vector.shape_cast %le3A_75 : vector<1152x1xi1> to vector<1152x1xi1>
    %broadcast_in_dim3A_623 = vector.broadcast %broadcast_in_dim3A_622 : vector<1152x1xi1> to vector<1152x384xi1>
    %broadcast_in_dim3A_624 = vector.broadcast %jit3A_621 : f32 to vector<1152x384xf32>
    %select_n3A_625 = arith.select %broadcast_in_dim3A_623, %concatenate3A_620, %broadcast_in_dim3A_624 : vector<1152x384xi1>, vector<1152x384xf32>
    %add3A_626 = arith.addf %add3A_615, %select_n3A_625 : vector<1152x384xf32>
    %slice3A_627 = vector.extract_strided_slice %dot_general3A_568 {offsets = [0, 2304], sizes = [1152, 384], strides = [1, 1]} : vector<1152x3456xf32> to vector<1152x384xf32>
    %slice3A_628 = vector.extract_strided_slice %slice3A_627 {offsets = [23, 0], sizes = [1129, 384], strides = [1, 1]} : vector<1152x384xf32> to vector<1129x384xf32>
    %broadcast_in_dim3A_629 = arith.constant 0.000000e+00 : f32
    %broadcast_in_dim3A_630 = vector.broadcast %broadcast_in_dim3A_629 : f32 to vector<23x384xf32>
    %concatenate3A_631 = tpu.concatenate %slice3A_628, %broadcast_in_dim3A_630 in 0 : vector<1129x384xf32>, vector<23x384xf32> -> vector<1152x384xf32>
    %and3A_632 = arith.andi %ge3A_73, %le3A_81 : vector<1152x1xi1>
    %jit3A_633 = arith.constant 0.000000e+00 : f32
    %broadcast_in_dim3A_634 = vector.shape_cast %and3A_632 : vector<1152x1xi1> to vector<1152x1xi1>
    %broadcast_in_dim3A_635 = vector.broadcast %broadcast_in_dim3A_634 : vector<1152x1xi1> to vector<1152x384xi1>
    %broadcast_in_dim3A_636 = vector.broadcast %jit3A_633 : f32 to vector<1152x384xf32>
    %select_n3A_637 = arith.select %broadcast_in_dim3A_635, %concatenate3A_631, %broadcast_in_dim3A_636 : vector<1152x384xi1>, vector<1152x384xf32>
    %add3A_638 = arith.addf %add3A_626, %select_n3A_637 : vector<1152x384xf32>
    %slice3A_639 = vector.extract_strided_slice %dot_general3A_568 {offsets = [0, 2688], sizes = [1152, 384], strides = [1, 1]} : vector<1152x3456xf32> to vector<1152x384xf32>
    %slice3A_640 = vector.extract_strided_slice %slice3A_639 {offsets = [24, 0], sizes = [1128, 384], strides = [1, 1]} : vector<1152x384xf32> to vector<1128x384xf32>
    %broadcast_in_dim3A_641 = arith.constant 0.000000e+00 : f32
    %broadcast_in_dim3A_642 = vector.broadcast %broadcast_in_dim3A_641 : f32 to vector<24x384xf32>
    %concatenate3A_643 = tpu.concatenate %slice3A_640, %broadcast_in_dim3A_642 in 0 : vector<1128x384xf32>, vector<24x384xf32> -> vector<1152x384xf32>
    %jit3A_644 = arith.constant 0.000000e+00 : f32
    %broadcast_in_dim3A_645 = vector.shape_cast %le3A_81 : vector<1152x1xi1> to vector<1152x1xi1>
    %broadcast_in_dim3A_646 = vector.broadcast %broadcast_in_dim3A_645 : vector<1152x1xi1> to vector<1152x384xi1>
    %broadcast_in_dim3A_647 = vector.broadcast %jit3A_644 : f32 to vector<1152x384xf32>
    %select_n3A_648 = arith.select %broadcast_in_dim3A_646, %concatenate3A_643, %broadcast_in_dim3A_647 : vector<1152x384xi1>, vector<1152x384xf32>
    %add3A_649 = arith.addf %add3A_638, %select_n3A_648 : vector<1152x384xf32>
    %slice3A_650 = vector.extract_strided_slice %dot_general3A_568 {offsets = [0, 3072], sizes = [1152, 384], strides = [1, 1]} : vector<1152x3456xf32> to vector<1152x384xf32>
    %slice3A_651 = vector.extract_strided_slice %slice3A_650 {offsets = [25, 0], sizes = [1127, 384], strides = [1, 1]} : vector<1152x384xf32> to vector<1127x384xf32>
    %broadcast_in_dim3A_652 = arith.constant 0.000000e+00 : f32
    %broadcast_in_dim3A_653 = vector.broadcast %broadcast_in_dim3A_652 : f32 to vector<25x384xf32>
    %concatenate3A_654 = tpu.concatenate %slice3A_651, %broadcast_in_dim3A_653 in 0 : vector<1127x384xf32>, vector<25x384xf32> -> vector<1152x384xf32>
    %and3A_655 = arith.andi %le3A_75, %le3A_81 : vector<1152x1xi1>
    %jit3A_656 = arith.constant 0.000000e+00 : f32
    %broadcast_in_dim3A_657 = vector.shape_cast %and3A_655 : vector<1152x1xi1> to vector<1152x1xi1>
    %broadcast_in_dim3A_658 = vector.broadcast %broadcast_in_dim3A_657 : vector<1152x1xi1> to vector<1152x384xi1>
    %broadcast_in_dim3A_659 = vector.broadcast %jit3A_656 : f32 to vector<1152x384xf32>
    %select_n3A_660 = arith.select %broadcast_in_dim3A_658, %concatenate3A_654, %broadcast_in_dim3A_659 : vector<1152x384xi1>, vector<1152x384xf32>
    %add3A_661 = arith.addf %add3A_649, %select_n3A_660 : vector<1152x384xf32>
    %get3A_662 = arith.constant 2 : index
    %get3A_663 = arith.constant 0 : index
    %get3A_664 = arith.constant 0 : index
    %get3A_665 = vector.load %arg4[%get3A_662, %get3A_663, %get3A_664] : memref<3x1x384xf32, #tpu.memory_space<vmem>>, vector<1x1x384xf32>
    %get3A_666 = vector.shape_cast %get3A_665 : vector<1x1x384xf32> to vector<1x384xf32>
    %add3A_667 = vector.broadcast %get3A_666 : vector<1x384xf32> to vector<1152x384xf32>
    %add3A_668 = arith.addf %add3A_661, %add3A_667 : vector<1152x384xf32>
    %iota3A_669 = tpu.iota {dimensions = array<i32: 0>} : vector<384x8xi32>
    %jit3A_670 = arith.constant 48 : i32
    %div3A_671 = vector.broadcast %jit3A_670 : i32 to vector<384x8xi32>
    %div3A_672 = arith.divsi %iota3A_669, %div3A_671 : vector<384x8xi32>
    %sign3A_673 = arith.constant 0 : i32
    %sign3A_674 = vector.broadcast %sign3A_673 : i32 to vector<384x8xi32>
    %sign3A_675 = arith.cmpi sgt, %iota3A_669, %sign3A_674 : vector<384x8xi32>
    %sign3A_676 = arith.extui %sign3A_675 : vector<384x8xi1> to vector<384x8xi32>
    %sign3A_677 = arith.constant 0 : i32
    %sign3A_678 = vector.broadcast %sign3A_677 : i32 to vector<384x8xi32>
    %sign3A_679 = arith.cmpi slt, %iota3A_669, %sign3A_678 : vector<384x8xi32>
    %sign3A_680 = arith.extui %sign3A_679 : vector<384x8xi1> to vector<384x8xi32>
    %sign3A_681 = arith.subi %sign3A_676, %sign3A_680 : vector<384x8xi32>
    %sign3A_682 = arith.constant 0 : i32
    %sign3A_683 = arith.cmpi sgt, %jit3A_670, %sign3A_682 : i32
    %sign3A_684 = arith.extui %sign3A_683 : i1 to i32
    %sign3A_685 = arith.constant 0 : i32
    %sign3A_686 = arith.cmpi slt, %jit3A_670, %sign3A_685 : i32
    %sign3A_687 = arith.extui %sign3A_686 : i1 to i32
    %sign3A_688 = arith.subi %sign3A_684, %sign3A_687 : i32
    %ne3A_689 = vector.broadcast %sign3A_688 : i32 to vector<384x8xi32>
    %ne3A_690 = arith.cmpi ne, %sign3A_681, %ne3A_689 : vector<384x8xi32>
    %rem3A_691 = vector.broadcast %jit3A_670 : i32 to vector<384x8xi32>
    %rem3A_692 = arith.remsi %iota3A_669, %rem3A_691 : vector<384x8xi32>
    %ne3A_693 = arith.constant 0 : i32
    %ne3A_694 = vector.broadcast %ne3A_693 : i32 to vector<384x8xi32>
    %ne3A_695 = arith.cmpi ne, %rem3A_692, %ne3A_694 : vector<384x8xi32>
    %and3A_696 = arith.andi %ne3A_690, %ne3A_695 : vector<384x8xi1>
    %sub3A_697 = arith.constant 1 : i32
    %sub3A_698 = vector.broadcast %sub3A_697 : i32 to vector<384x8xi32>
    %sub3A_699 = arith.subi %div3A_672, %sub3A_698 : vector<384x8xi32>
    %select_n3A_700 = arith.select %and3A_696, %sub3A_699, %div3A_672 : vector<384x8xi1>, vector<384x8xi32>
    %iota3A_701 = tpu.iota {dimensions = array<i32: 1>} : vector<384x8xi32>
    %eq3A_702 = arith.cmpi eq, %select_n3A_700, %iota3A_701 : vector<384x8xi32>
    %convert_element_type3A_703 = arith.extui %eq3A_702 : vector<384x8xi1> to vector<384x8xi32>
    %convert_element_type3A_704 = arith.sitofp %convert_element_type3A_703 : vector<384x8xi32> to vector<384x8xf32>
    %slice3A_705 = vector.extract_strided_slice %add3A_668 {offsets = [0, 0], sizes = [576, 384], strides = [1, 1]} : vector<1152x384xf32> to vector<576x384xf32>
    %reduce_sum3A_706 = arith.constant dense<0.000000e+00> : vector<384xf32>
    %reduce_sum3A_707 = vector.multi_reduction <add>, %slice3A_705, %reduce_sum3A_706 [0] : vector<576x384xf32> to vector<384xf32>
    %broadcast_in_dim3A_708 = vector.shape_cast %reduce_sum3A_707 : vector<384xf32> to vector<1x384xf32>
    %mul3A_709 = arith.mulf %slice3A_705, %slice3A_705 : vector<576x384xf32>
    %reduce_sum3A_710 = arith.constant dense<0.000000e+00> : vector<384xf32>
    %reduce_sum3A_711 = vector.multi_reduction <add>, %mul3A_709, %reduce_sum3A_710 [0] : vector<576x384xf32> to vector<384xf32>
    %broadcast_in_dim3A_712 = vector.shape_cast %reduce_sum3A_711 : vector<384xf32> to vector<1x384xf32>
    %dot_general3A_713 = arith.constant dense<0.000000e+00> : vector<1x8xf32>
    %dot_general3A_714 = tpu.matmul %broadcast_in_dim3A_708, %convert_element_type3A_704, %dot_general3A_713 {dimension_numbers = #tpu.dot_dimension_numbers<[1], [0], [0], [1], [0, 0, 1, 1], [], []>, precision = #tpu.contract_precision<fp32>, transpose_lhs_hint = false} : vector<1x384xf32>, vector<384x8xf32>, vector<1x8xf32> -> vector<1x8xf32>
    %dot_general3A_715 = arith.constant dense<0.000000e+00> : vector<1x8xf32>
    %dot_general3A_716 = tpu.matmul %broadcast_in_dim3A_712, %convert_element_type3A_704, %dot_general3A_715 {dimension_numbers = #tpu.dot_dimension_numbers<[1], [0], [0], [1], [0, 0, 1, 1], [], []>, precision = #tpu.contract_precision<fp32>, transpose_lhs_hint = false} : vector<1x384xf32>, vector<384x8xf32>, vector<1x8xf32> -> vector<1x8xf32>
    %div3A_717 = arith.constant 2.764800e+04 : f32
    %div3A_718 = vector.broadcast %div3A_717 : f32 to vector<1x8xf32>
    %div3A_719 = arith.divf %dot_general3A_714, %div3A_718 : vector<1x8xf32>
    %div3A_720 = arith.constant 2.764800e+04 : f32
    %div3A_721 = vector.broadcast %div3A_720 : f32 to vector<1x8xf32>
    %div3A_722 = arith.divf %dot_general3A_716, %div3A_721 : vector<1x8xf32>
    %mul3A_723 = arith.mulf %div3A_719, %div3A_719 : vector<1x8xf32>
    %sub3A_724 = arith.subf %div3A_722, %mul3A_723 : vector<1x8xf32>
    %add3A_725 = arith.constant 9.99999974E-6 : f32
    %add3A_726 = vector.broadcast %add3A_725 : f32 to vector<1x8xf32>
    %add3A_727 = arith.addf %sub3A_724, %add3A_726 : vector<1x8xf32>
    %rsqrt3A_728 = math.rsqrt %add3A_727 : vector<1x8xf32>
    %dot_general3A_729 = arith.constant dense<0.000000e+00> : vector<1x384xf32>
    %dot_general3A_730 = tpu.matmul %div3A_719, %convert_element_type3A_704, %dot_general3A_729 {dimension_numbers = #tpu.dot_dimension_numbers<[1], [1], [0], [0], [0, 0, 1, 0], [], []>, precision = #tpu.contract_precision<fp32>, transpose_lhs_hint = false} : vector<1x8xf32>, vector<384x8xf32>, vector<1x384xf32> -> vector<1x384xf32>
    %dot_general3A_731 = arith.constant dense<0.000000e+00> : vector<1x384xf32>
    %dot_general3A_732 = tpu.matmul %rsqrt3A_728, %convert_element_type3A_704, %dot_general3A_731 {dimension_numbers = #tpu.dot_dimension_numbers<[1], [1], [0], [0], [0, 0, 1, 0], [], []>, precision = #tpu.contract_precision<fp32>, transpose_lhs_hint = false} : vector<1x8xf32>, vector<384x8xf32>, vector<1x384xf32> -> vector<1x384xf32>
    %sub3A_733 = vector.broadcast %dot_general3A_730 : vector<1x384xf32> to vector<576x384xf32>
    %sub3A_734 = arith.subf %slice3A_705, %sub3A_733 : vector<576x384xf32>
    %mul3A_735 = vector.broadcast %dot_general3A_732 : vector<1x384xf32> to vector<576x384xf32>
    %mul3A_736 = arith.mulf %sub3A_734, %mul3A_735 : vector<576x384xf32>
    %get3A_737 = arith.constant 2 : index
    %get3A_738 = arith.constant 0 : index
    %get3A_739 = arith.constant 0 : index
    %get3A_740 = vector.load %arg5[%get3A_737, %get3A_738, %get3A_739] : memref<3x1x384xf32, #tpu.memory_space<vmem>>, vector<1x1x384xf32>
    %get3A_741 = vector.shape_cast %get3A_740 : vector<1x1x384xf32> to vector<1x384xf32>
    %mul3A_742 = vector.broadcast %get3A_741 : vector<1x384xf32> to vector<576x384xf32>
    %mul3A_743 = arith.mulf %mul3A_736, %mul3A_742 : vector<576x384xf32>
    %get3A_744 = arith.constant 2 : index
    %get3A_745 = arith.constant 0 : index
    %get3A_746 = arith.constant 0 : index
    %get3A_747 = vector.load %arg6[%get3A_744, %get3A_745, %get3A_746] : memref<3x1x384xf32, #tpu.memory_space<vmem>>, vector<1x1x384xf32>
    %get3A_748 = vector.shape_cast %get3A_747 : vector<1x1x384xf32> to vector<1x384xf32>
    %add3A_749 = vector.broadcast %get3A_748 : vector<1x384xf32> to vector<576x384xf32>
    %add3A_750 = arith.addf %mul3A_743, %add3A_749 : vector<576x384xf32>
    %slice3A_751 = vector.extract_strided_slice %add3A_668 {offsets = [576, 0], sizes = [576, 384], strides = [1, 1]} : vector<1152x384xf32> to vector<576x384xf32>
    %reduce_sum3A_752 = arith.constant dense<0.000000e+00> : vector<384xf32>
    %reduce_sum3A_753 = vector.multi_reduction <add>, %slice3A_751, %reduce_sum3A_752 [0] : vector<576x384xf32> to vector<384xf32>
    %broadcast_in_dim3A_754 = vector.shape_cast %reduce_sum3A_753 : vector<384xf32> to vector<1x384xf32>
    %mul3A_755 = arith.mulf %slice3A_751, %slice3A_751 : vector<576x384xf32>
    %reduce_sum3A_756 = arith.constant dense<0.000000e+00> : vector<384xf32>
    %reduce_sum3A_757 = vector.multi_reduction <add>, %mul3A_755, %reduce_sum3A_756 [0] : vector<576x384xf32> to vector<384xf32>
    %broadcast_in_dim3A_758 = vector.shape_cast %reduce_sum3A_757 : vector<384xf32> to vector<1x384xf32>
    %dot_general3A_759 = arith.constant dense<0.000000e+00> : vector<1x8xf32>
    %dot_general3A_760 = tpu.matmul %broadcast_in_dim3A_754, %convert_element_type3A_704, %dot_general3A_759 {dimension_numbers = #tpu.dot_dimension_numbers<[1], [0], [0], [1], [0, 0, 1, 1], [], []>, precision = #tpu.contract_precision<fp32>, transpose_lhs_hint = false} : vector<1x384xf32>, vector<384x8xf32>, vector<1x8xf32> -> vector<1x8xf32>
    %dot_general3A_761 = arith.constant dense<0.000000e+00> : vector<1x8xf32>
    %dot_general3A_762 = tpu.matmul %broadcast_in_dim3A_758, %convert_element_type3A_704, %dot_general3A_761 {dimension_numbers = #tpu.dot_dimension_numbers<[1], [0], [0], [1], [0, 0, 1, 1], [], []>, precision = #tpu.contract_precision<fp32>, transpose_lhs_hint = false} : vector<1x384xf32>, vector<384x8xf32>, vector<1x8xf32> -> vector<1x8xf32>
    %div3A_763 = arith.constant 2.764800e+04 : f32
    %div3A_764 = vector.broadcast %div3A_763 : f32 to vector<1x8xf32>
    %div3A_765 = arith.divf %dot_general3A_760, %div3A_764 : vector<1x8xf32>
    %div3A_766 = arith.constant 2.764800e+04 : f32
    %div3A_767 = vector.broadcast %div3A_766 : f32 to vector<1x8xf32>
    %div3A_768 = arith.divf %dot_general3A_762, %div3A_767 : vector<1x8xf32>
    %mul3A_769 = arith.mulf %div3A_765, %div3A_765 : vector<1x8xf32>
    %sub3A_770 = arith.subf %div3A_768, %mul3A_769 : vector<1x8xf32>
    %add3A_771 = arith.constant 9.99999974E-6 : f32
    %add3A_772 = vector.broadcast %add3A_771 : f32 to vector<1x8xf32>
    %add3A_773 = arith.addf %sub3A_770, %add3A_772 : vector<1x8xf32>
    %rsqrt3A_774 = math.rsqrt %add3A_773 : vector<1x8xf32>
    %dot_general3A_775 = arith.constant dense<0.000000e+00> : vector<1x384xf32>
    %dot_general3A_776 = tpu.matmul %div3A_765, %convert_element_type3A_704, %dot_general3A_775 {dimension_numbers = #tpu.dot_dimension_numbers<[1], [1], [0], [0], [0, 0, 1, 0], [], []>, precision = #tpu.contract_precision<fp32>, transpose_lhs_hint = false} : vector<1x8xf32>, vector<384x8xf32>, vector<1x384xf32> -> vector<1x384xf32>
    %dot_general3A_777 = arith.constant dense<0.000000e+00> : vector<1x384xf32>
    %dot_general3A_778 = tpu.matmul %rsqrt3A_774, %convert_element_type3A_704, %dot_general3A_777 {dimension_numbers = #tpu.dot_dimension_numbers<[1], [1], [0], [0], [0, 0, 1, 0], [], []>, precision = #tpu.contract_precision<fp32>, transpose_lhs_hint = false} : vector<1x8xf32>, vector<384x8xf32>, vector<1x384xf32> -> vector<1x384xf32>
    %sub3A_779 = vector.broadcast %dot_general3A_776 : vector<1x384xf32> to vector<576x384xf32>
    %sub3A_780 = arith.subf %slice3A_751, %sub3A_779 : vector<576x384xf32>
    %mul3A_781 = vector.broadcast %dot_general3A_778 : vector<1x384xf32> to vector<576x384xf32>
    %mul3A_782 = arith.mulf %sub3A_780, %mul3A_781 : vector<576x384xf32>
    %get3A_783 = arith.constant 2 : index
    %get3A_784 = arith.constant 0 : index
    %get3A_785 = arith.constant 0 : index
    %get3A_786 = vector.load %arg5[%get3A_783, %get3A_784, %get3A_785] : memref<3x1x384xf32, #tpu.memory_space<vmem>>, vector<1x1x384xf32>
    %get3A_787 = vector.shape_cast %get3A_786 : vector<1x1x384xf32> to vector<1x384xf32>
    %mul3A_788 = vector.broadcast %get3A_787 : vector<1x384xf32> to vector<576x384xf32>
    %mul3A_789 = arith.mulf %mul3A_782, %mul3A_788 : vector<576x384xf32>
    %get3A_790 = arith.constant 2 : index
    %get3A_791 = arith.constant 0 : index
    %get3A_792 = arith.constant 0 : index
    %get3A_793 = vector.load %arg6[%get3A_790, %get3A_791, %get3A_792] : memref<3x1x384xf32, #tpu.memory_space<vmem>>, vector<1x1x384xf32>
    %get3A_794 = vector.shape_cast %get3A_793 : vector<1x1x384xf32> to vector<1x384xf32>
    %add3A_795 = vector.broadcast %get3A_794 : vector<1x384xf32> to vector<576x384xf32>
    %add3A_796 = arith.addf %mul3A_789, %add3A_795 : vector<576x384xf32>
    %concatenate3A_797 = tpu.concatenate %add3A_750, %add3A_796 in 0 : vector<576x384xf32>, vector<576x384xf32> -> vector<1152x384xf32>
    %sub3A_798 = arith.subf %concatenate3A_797, %reshape3A_7 : vector<1152x384xf32>
    %mul3A_799 = arith.mulf %sub3A_798, %sub3A_798 : vector<1152x384xf32>
    %slice3A_800 = vector.extract_strided_slice %mul3A_799 {offsets = [0, 0], sizes = [576, 384], strides = [1, 1]} : vector<1152x384xf32> to vector<576x384xf32>
    %reduce_sum3A_801 = arith.constant dense<0.000000e+00> : vector<576xf32>
    %reduce_sum3A_802 = vector.multi_reduction <add>, %slice3A_800, %reduce_sum3A_801 [1] : vector<576x384xf32> to vector<576xf32>
    %broadcast_in_dim3A_803 = vector.shape_cast %reduce_sum3A_802 : vector<576xf32> to vector<576x1xf32>
    %div3A_804 = arith.constant 3.840000e+02 : f32
    %div3A_805 = vector.broadcast %div3A_804 : f32 to vector<576x1xf32>
    %div3A_806 = arith.divf %broadcast_in_dim3A_803, %div3A_805 : vector<576x1xf32>
    %transpose3A = tpu.transpose %div3A_806, [1, 0] : vector<576x1xf32> -> vector<1x576xf32>
    %gt3A = vector.broadcast %transpose3A : vector<1x576xf32> to vector<576x576xf32>
    %gt3A_807 = vector.broadcast %div3A_806 : vector<576x1xf32> to vector<576x576xf32>
    %gt3A_808 = arith.cmpf ogt, %gt3A, %gt3A_807 : vector<576x576xf32>
    %eq3A_809 = vector.broadcast %transpose3A : vector<1x576xf32> to vector<576x576xf32>
    %eq3A_810 = vector.broadcast %div3A_806 : vector<576x1xf32> to vector<576x576xf32>
    %eq3A_811 = arith.cmpf oeq, %eq3A_809, %eq3A_810 : vector<576x576xf32>
    %iota3A_812 = tpu.iota {dimensions = array<i32: 1>} : vector<576x576xi32>
    %iota3A_813 = tpu.iota {dimensions = array<i32: 0>} : vector<576x576xi32>
    %lt3A_814 = arith.cmpi slt, %iota3A_812, %iota3A_813 : vector<576x576xi32>
    %and3A_815 = arith.andi %eq3A_811, %lt3A_814 : vector<576x576xi1>
    %or3A = arith.ori %gt3A_808, %and3A_815 : vector<576x576xi1>
    %convert_element_type3A_816 = arith.extui %or3A : vector<576x576xi1> to vector<576x576xi32>
    %convert_element_type3A_817 = arith.sitofp %convert_element_type3A_816 : vector<576x576xi32> to vector<576x576xf32>
    %reduce_sum3A_818 = arith.constant dense<0.000000e+00> : vector<576xf32>
    %reduce_sum3A_819 = vector.multi_reduction <add>, %convert_element_type3A_817, %reduce_sum3A_818 [1] : vector<576x576xf32> to vector<576xf32>
    %broadcast_in_dim3A_820 = vector.shape_cast %reduce_sum3A_819 : vector<576xf32> to vector<576x1xf32>
    %transpose3A_821 = tpu.transpose %broadcast_in_dim3A_820, [1, 0] : vector<576x1xf32> -> vector<1x576xf32>
    %swap3A = arith.constant 0 : index
    %swap3A_822 = arith.constant 0 : index
    %swap3A_823 = arith.constant 0 : index
    %swap3A_824 = vector.load %arg14[%swap3A, %swap3A_822, %swap3A_823] : memref<2x1x576xf32, #tpu.memory_space<vmem>>, vector<1x1x576xf32>
    %swap3A_825 = vector.shape_cast %swap3A_824 : vector<1x1x576xf32> to vector<1x576xf32>
    %swap3A_826 = vector.shape_cast %transpose3A : vector<1x576xf32> to vector<1x1x576xf32>
    tpu.vector_store %arg14[%swap3A, %swap3A_822, %swap3A_823], %swap3A_826 {strides = array<i32>} : memref<2x1x576xf32, #tpu.memory_space<vmem>>, vector<1x1x576xf32>,
    %swap3A_827 = arith.constant 0 : index
    %swap3A_828 = arith.constant 0 : index
    %swap3A_829 = arith.constant 0 : index
    %swap3A_830 = vector.load %arg15[%swap3A_827, %swap3A_828, %swap3A_829] : memref<2x1x576xf32, #tpu.memory_space<vmem>>, vector<1x1x576xf32>
    %swap3A_831 = vector.shape_cast %swap3A_830 : vector<1x1x576xf32> to vector<1x576xf32>
    %swap3A_832 = vector.shape_cast %transpose3A_821 : vector<1x576xf32> to vector<1x1x576xf32>
    tpu.vector_store %arg15[%swap3A_827, %swap3A_828, %swap3A_829], %swap3A_832 {strides = array<i32>} : memref<2x1x576xf32, #tpu.memory_space<vmem>>, vector<1x1x576xf32>,
    %lt3A_833 = arith.constant 1.720000e+02 : f32
    %lt3A_834 = vector.broadcast %lt3A_833 : f32 to vector<1x576xf32>
    %lt3A_835 = arith.cmpf olt, %transpose3A_821, %lt3A_834 : vector<1x576xf32>
    %convert_element_type3A_836 = arith.extui %lt3A_835 : vector<1x576xi1> to vector<1x576xi32>
    %convert_element_type3A_837 = arith.sitofp %convert_element_type3A_836 : vector<1x576xi32> to vector<1x576xf32>
    %swap3A_838 = arith.constant 0 : index
    %swap3A_839 = arith.constant 0 : index
    %swap3A_840 = arith.constant 0 : index
    %swap3A_841 = vector.load %arg16[%swap3A_838, %swap3A_839, %swap3A_840] : memref<2x1x576xf32, #tpu.memory_space<vmem>>, vector<1x1x576xf32>
    %swap3A_842 = vector.shape_cast %swap3A_841 : vector<1x1x576xf32> to vector<1x576xf32>
    %swap3A_843 = vector.shape_cast %convert_element_type3A_837 : vector<1x576xf32> to vector<1x1x576xf32>
    tpu.vector_store %arg16[%swap3A_838, %swap3A_839, %swap3A_840], %swap3A_843 {strides = array<i32>} : memref<2x1x576xf32, #tpu.memory_space<vmem>>, vector<1x1x576xf32>,
    %convert_element_type3A_844 = arith.fptosi %broadcast_in_dim3A_820 : vector<576x1xf32> to vector<576x1xi32>
    %iota3A_845 = tpu.iota {dimensions = array<i32: 1>} : vector<576x192xi32>
    %eq3A_846 = vector.broadcast %convert_element_type3A_844 : vector<576x1xi32> to vector<576x192xi32>
    %eq3A_847 = arith.cmpi eq, %eq3A_846, %iota3A_845 : vector<576x192xi32>
    %convert_element_type3A_848 = arith.extui %eq3A_847 : vector<576x192xi1> to vector<576x192xi32>
    %convert_element_type3A_849 = arith.sitofp %convert_element_type3A_848 : vector<576x192xi32> to vector<576x192xf32>
    %iota3A_850 = tpu.iota {dimensions = array<i32: 1>} : vector<1x576xi32>
    %convert_element_type3A_851 = arith.sitofp %iota3A_850 : vector<1x576xi32> to vector<1x576xf32>
    %dot_general3A_852 = arith.constant dense<0.000000e+00> : vector<1x192xf32>
    %dot_general3A_853 = tpu.matmul %convert_element_type3A_851, %convert_element_type3A_849, %dot_general3A_852 {dimension_numbers = #tpu.dot_dimension_numbers<[1], [0], [0], [1], [0, 0, 1, 1], [], []>, precision = #tpu.contract_precision<fp32>, transpose_lhs_hint = false} : vector<1x576xf32>, vector<576x192xf32>, vector<1x192xf32> -> vector<1x192xf32>
    %swap3A_854 = arith.constant 0 : index
    %swap3A_855 = arith.constant 0 : index
    %swap3A_856 = arith.constant 0 : index
    %swap3A_857 = vector.load %arg17[%swap3A_854, %swap3A_855, %swap3A_856] : memref<2x1x192xf32, #tpu.memory_space<vmem>>, vector<1x1x192xf32>
    %swap3A_858 = vector.shape_cast %swap3A_857 : vector<1x1x192xf32> to vector<1x192xf32>
    %swap3A_859 = vector.shape_cast %dot_general3A_853 : vector<1x192xf32> to vector<1x1x192xf32>
    tpu.vector_store %arg17[%swap3A_854, %swap3A_855, %swap3A_856], %swap3A_859 {strides = array<i32>} : memref<2x1x192xf32, #tpu.memory_space<vmem>>, vector<1x1x192xf32>,
    %slice3A_860 = vector.extract_strided_slice %mul3A_799 {offsets = [576, 0], sizes = [576, 384], strides = [1, 1]} : vector<1152x384xf32> to vector<576x384xf32>
    %reduce_sum3A_861 = arith.constant dense<0.000000e+00> : vector<576xf32>
    %reduce_sum3A_862 = vector.multi_reduction <add>, %slice3A_860, %reduce_sum3A_861 [1] : vector<576x384xf32> to vector<576xf32>
    %broadcast_in_dim3A_863 = vector.shape_cast %reduce_sum3A_862 : vector<576xf32> to vector<576x1xf32>
    %div3A_864 = arith.constant 3.840000e+02 : f32
    %div3A_865 = vector.broadcast %div3A_864 : f32 to vector<576x1xf32>
    %div3A_866 = arith.divf %broadcast_in_dim3A_863, %div3A_865 : vector<576x1xf32>
    %transpose3A_867 = tpu.transpose %div3A_866, [1, 0] : vector<576x1xf32> -> vector<1x576xf32>
    %gt3A_868 = vector.broadcast %transpose3A_867 : vector<1x576xf32> to vector<576x576xf32>
    %gt3A_869 = vector.broadcast %div3A_866 : vector<576x1xf32> to vector<576x576xf32>
    %gt3A_870 = arith.cmpf ogt, %gt3A_868, %gt3A_869 : vector<576x576xf32>
    %eq3A_871 = vector.broadcast %transpose3A_867 : vector<1x576xf32> to vector<576x576xf32>
    %eq3A_872 = vector.broadcast %div3A_866 : vector<576x1xf32> to vector<576x576xf32>
    %eq3A_873 = arith.cmpf oeq, %eq3A_871, %eq3A_872 : vector<576x576xf32>
    %iota3A_874 = tpu.iota {dimensions = array<i32: 1>} : vector<576x576xi32>
    %iota3A_875 = tpu.iota {dimensions = array<i32: 0>} : vector<576x576xi32>
    %lt3A_876 = arith.cmpi slt, %iota3A_874, %iota3A_875 : vector<576x576xi32>
    %and3A_877 = arith.andi %eq3A_873, %lt3A_876 : vector<576x576xi1>
    %or3A_878 = arith.ori %gt3A_870, %and3A_877 : vector<576x576xi1>
    %convert_element_type3A_879 = arith.extui %or3A_878 : vector<576x576xi1> to vector<576x576xi32>
    %convert_element_type3A_880 = arith.sitofp %convert_element_type3A_879 : vector<576x576xi32> to vector<576x576xf32>
    %reduce_sum3A_881 = arith.constant dense<0.000000e+00> : vector<576xf32>
    %reduce_sum3A_882 = vector.multi_reduction <add>, %convert_element_type3A_880, %reduce_sum3A_881 [1] : vector<576x576xf32> to vector<576xf32>
    %broadcast_in_dim3A_883 = vector.shape_cast %reduce_sum3A_882 : vector<576xf32> to vector<576x1xf32>
    %transpose3A_884 = tpu.transpose %broadcast_in_dim3A_883, [1, 0] : vector<576x1xf32> -> vector<1x576xf32>
    %swap3A_885 = arith.constant 1 : index
    %swap3A_886 = arith.constant 0 : index
    %swap3A_887 = arith.constant 0 : index
    %swap3A_888 = vector.load %arg14[%swap3A_885, %swap3A_886, %swap3A_887] : memref<2x1x576xf32, #tpu.memory_space<vmem>>, vector<1x1x576xf32>
    %swap3A_889 = vector.shape_cast %swap3A_888 : vector<1x1x576xf32> to vector<1x576xf32>
    %swap3A_890 = vector.shape_cast %transpose3A_867 : vector<1x576xf32> to vector<1x1x576xf32>
    tpu.vector_store %arg14[%swap3A_885, %swap3A_886, %swap3A_887], %swap3A_890 {strides = array<i32>} : memref<2x1x576xf32, #tpu.memory_space<vmem>>, vector<1x1x576xf32>,
    %swap3A_891 = arith.constant 1 : index
    %swap3A_892 = arith.constant 0 : index
    %swap3A_893 = arith.constant 0 : index
    %swap3A_894 = vector.load %arg15[%swap3A_891, %swap3A_892, %swap3A_893] : memref<2x1x576xf32, #tpu.memory_space<vmem>>, vector<1x1x576xf32>
    %swap3A_895 = vector.shape_cast %swap3A_894 : vector<1x1x576xf32> to vector<1x576xf32>
    %swap3A_896 = vector.shape_cast %transpose3A_884 : vector<1x576xf32> to vector<1x1x576xf32>
    tpu.vector_store %arg15[%swap3A_891, %swap3A_892, %swap3A_893], %swap3A_896 {strides = array<i32>} : memref<2x1x576xf32, #tpu.memory_space<vmem>>, vector<1x1x576xf32>,
    %lt3A_897 = arith.constant 1.720000e+02 : f32
    %lt3A_898 = vector.broadcast %lt3A_897 : f32 to vector<1x576xf32>
    %lt3A_899 = arith.cmpf olt, %transpose3A_884, %lt3A_898 : vector<1x576xf32>
    %convert_element_type3A_900 = arith.extui %lt3A_899 : vector<1x576xi1> to vector<1x576xi32>
    %convert_element_type3A_901 = arith.sitofp %convert_element_type3A_900 : vector<1x576xi32> to vector<1x576xf32>
    %swap3A_902 = arith.constant 1 : index
    %swap3A_903 = arith.constant 0 : index
    %swap3A_904 = arith.constant 0 : index
    %swap3A_905 = vector.load %arg16[%swap3A_902, %swap3A_903, %swap3A_904] : memref<2x1x576xf32, #tpu.memory_space<vmem>>, vector<1x1x576xf32>
    %swap3A_906 = vector.shape_cast %swap3A_905 : vector<1x1x576xf32> to vector<1x576xf32>
    %swap3A_907 = vector.shape_cast %convert_element_type3A_901 : vector<1x576xf32> to vector<1x1x576xf32>
    tpu.vector_store %arg16[%swap3A_902, %swap3A_903, %swap3A_904], %swap3A_907 {strides = array<i32>} : memref<2x1x576xf32, #tpu.memory_space<vmem>>, vector<1x1x576xf32>,
    %convert_element_type3A_908 = arith.fptosi %broadcast_in_dim3A_883 : vector<576x1xf32> to vector<576x1xi32>
    %iota3A_909 = tpu.iota {dimensions = array<i32: 1>} : vector<576x192xi32>
    %eq3A_910 = vector.broadcast %convert_element_type3A_908 : vector<576x1xi32> to vector<576x192xi32>
    %eq3A_911 = arith.cmpi eq, %eq3A_910, %iota3A_909 : vector<576x192xi32>
    %convert_element_type3A_912 = arith.extui %eq3A_911 : vector<576x192xi1> to vector<576x192xi32>
    %convert_element_type3A_913 = arith.sitofp %convert_element_type3A_912 : vector<576x192xi32> to vector<576x192xf32>
    %iota3A_914 = tpu.iota {dimensions = array<i32: 1>} : vector<1x576xi32>
    %convert_element_type3A_915 = arith.sitofp %iota3A_914 : vector<1x576xi32> to vector<1x576xf32>
    %dot_general3A_916 = arith.constant dense<0.000000e+00> : vector<1x192xf32>
    %dot_general3A_917 = tpu.matmul %convert_element_type3A_915, %convert_element_type3A_913, %dot_general3A_916 {dimension_numbers = #tpu.dot_dimension_numbers<[1], [0], [0], [1], [0, 0, 1, 1], [], []>, precision = #tpu.contract_precision<fp32>, transpose_lhs_hint = false} : vector<1x576xf32>, vector<576x192xf32>, vector<1x192xf32> -> vector<1x192xf32>
    %swap3A_918 = arith.constant 1 : index
    %swap3A_919 = arith.constant 0 : index
    %swap3A_920 = arith.constant 0 : index
    %swap3A_921 = vector.load %arg17[%swap3A_918, %swap3A_919, %swap3A_920] : memref<2x1x192xf32, #tpu.memory_space<vmem>>, vector<1x1x192xf32>
    %swap3A_922 = vector.shape_cast %swap3A_921 : vector<1x1x192xf32> to vector<1x192xf32>
    %swap3A_923 = vector.shape_cast %dot_general3A_917 : vector<1x192xf32> to vector<1x1x192xf32>
    tpu.vector_store %arg17[%swap3A_918, %swap3A_919, %swap3A_920], %swap3A_923 {strides = array<i32>} : memref<2x1x192xf32, #tpu.memory_space<vmem>>, vector<1x1x192xf32>,
    %get3A_924 = arith.constant 0 : index
    %get3A_925 = arith.constant 0 : index
    %get3A_926 = vector.load %arg7[%get3A_924, %get3A_925] : memref<1x384xf32, #tpu.memory_space<vmem>>, vector<1x384xf32>
    %get3A_927 = arith.constant 0 : index
    %get3A_928 = arith.constant 0 : index
    %get3A_929 = vector.load %arg8[%get3A_927, %get3A_928] : memref<1x384xf32, #tpu.memory_space<vmem>>, vector<1x384xf32>
    %reduce_sum3A_930 = arith.constant dense<0.000000e+00> : vector<1152xf32>
    %reduce_sum3A_931 = vector.multi_reduction <add>, %reshape3A, %reduce_sum3A_930 [1] : vector<1152x384xf32> to vector<1152xf32>
    %broadcast_in_dim3A_932 = vector.shape_cast %reduce_sum3A_931 : vector<1152xf32> to vector<1152x1xf32>
    %div3A_933 = arith.constant 3.840000e+02 : f32
    %div3A_934 = vector.broadcast %div3A_933 : f32 to vector<1152x1xf32>
    %div3A_935 = arith.divf %broadcast_in_dim3A_932, %div3A_934 : vector<1152x1xf32>
    %sub3A_936 = vector.broadcast %div3A_935 : vector<1152x1xf32> to vector<1152x384xf32>
    %sub3A_937 = arith.subf %reshape3A, %sub3A_936 : vector<1152x384xf32>
    %integer_pow3A = arith.mulf %sub3A_937, %sub3A_937 : vector<1152x384xf32>
    %reduce_sum3A_938 = arith.constant dense<0.000000e+00> : vector<1152xf32>
    %reduce_sum3A_939 = vector.multi_reduction <add>, %integer_pow3A, %reduce_sum3A_938 [1] : vector<1152x384xf32> to vector<1152xf32>
    %broadcast_in_dim3A_940 = vector.shape_cast %reduce_sum3A_939 : vector<1152xf32> to vector<1152x1xf32>
    %div3A_941 = arith.constant 3.840000e+02 : f32
    %div3A_942 = vector.broadcast %div3A_941 : f32 to vector<1152x1xf32>
    %div3A_943 = arith.divf %broadcast_in_dim3A_940, %div3A_942 : vector<1152x1xf32>
    %sub3A_944 = vector.broadcast %div3A_935 : vector<1152x1xf32> to vector<1152x384xf32>
    %sub3A_945 = arith.subf %reshape3A, %sub3A_944 : vector<1152x384xf32>
    %add3A_946 = arith.constant 9.99999974E-6 : f32
    %add3A_947 = vector.broadcast %add3A_946 : f32 to vector<1152x1xf32>
    %add3A_948 = arith.addf %div3A_943, %add3A_947 : vector<1152x1xf32>
    %rsqrt3A_949 = math.rsqrt %add3A_948 : vector<1152x1xf32>
    %mul3A_950 = vector.broadcast %rsqrt3A_949 : vector<1152x1xf32> to vector<1152x384xf32>
    %mul3A_951 = arith.mulf %sub3A_945, %mul3A_950 : vector<1152x384xf32>
    %mul3A_952 = vector.broadcast %get3A_926 : vector<1x384xf32> to vector<1152x384xf32>
    %mul3A_953 = arith.mulf %mul3A_951, %mul3A_952 : vector<1152x384xf32>
    %add3A_954 = vector.broadcast %get3A_929 : vector<1x384xf32> to vector<1152x384xf32>
    %add3A_955 = arith.addf %mul3A_953, %add3A_954 : vector<1152x384xf32>
    %get3A_956 = arith.constant 0 : index
    %get3A_957 = arith.constant 0 : index
    %get3A_958 = vector.load %arg9[%get3A_956, %get3A_957] : memref<384x384xbf16, #tpu.memory_space<vmem>>, vector<384x384xbf16>
    %convert_element_type3A_959 = arith.truncf %add3A_955 : vector<1152x384xf32> to vector<1152x384xbf16>
    %dot_general3A_960 = arith.constant dense<0.000000e+00> : vector<1152x384xf32>
    %dot_general3A_961 = tpu.matmul %convert_element_type3A_959, %get3A_958, %dot_general3A_960 {dimension_numbers = #tpu.dot_dimension_numbers<[1], [0], [0], [1], [0, 0, 1, 1], [], []>, transpose_lhs_hint = false} : vector<1152x384xbf16>, vector<384x384xbf16>, vector<1152x384xf32> -> vector<1152x384xf32>
    %get3A_962 = arith.constant 0 : index
    %get3A_963 = arith.constant 0 : index
    %get3A_964 = vector.load %arg10[%get3A_962, %get3A_963] : memref<1x384xf32, #tpu.memory_space<vmem>>, vector<1x384xf32>
    %add3A_965 = vector.broadcast %get3A_964 : vector<1x384xf32> to vector<1152x384xf32>
    %add3A_966 = arith.addf %dot_general3A_961, %add3A_965 : vector<1152x384xf32>
    %logistic3A_967 = arith.negf %add3A_966 : vector<1152x384xf32>
    %logistic3A_968 = math.exp %logistic3A_967 : vector<1152x384xf32>
    %logistic3A_969 = arith.constant 1.000000e+00 : f32
    %logistic3A_970 = vector.broadcast %logistic3A_969 : f32 to vector<1152x384xf32>
    %logistic3A_971 = arith.addf %logistic3A_970, %logistic3A_968 : vector<1152x384xf32>
    %logistic3A_972 = arith.divf %logistic3A_970, %logistic3A_971 : vector<1152x384xf32>
    %mul3A_973 = arith.mulf %add3A_966, %logistic3A_972 : vector<1152x384xf32>
    %get3A_974 = arith.constant 0 : index
    %get3A_975 = arith.constant 0 : index
    %get3A_976 = vector.load %arg11[%get3A_974, %get3A_975] : memref<384x384xbf16, #tpu.memory_space<vmem>>, vector<384x384xbf16>
    %convert_element_type3A_977 = arith.truncf %mul3A_973 : vector<1152x384xf32> to vector<1152x384xbf16>
    %dot_general3A_978 = arith.constant dense<0.000000e+00> : vector<1152x384xf32>
    %dot_general3A_979 = tpu.matmul %convert_element_type3A_977, %get3A_976, %dot_general3A_978 {dimension_numbers = #tpu.dot_dimension_numbers<[1], [0], [0], [1], [0, 0, 1, 1], [], []>, transpose_lhs_hint = false} : vector<1152x384xbf16>, vector<384x384xbf16>, vector<1152x384xf32> -> vector<1152x384xf32>
    %get3A_980 = arith.constant 0 : index
    %get3A_981 = arith.constant 0 : index
    %get3A_982 = vector.load %arg12[%get3A_980, %get3A_981] : memref<1x384xf32, #tpu.memory_space<vmem>>, vector<1x384xf32>
    %add3A_983 = vector.broadcast %get3A_982 : vector<1x384xf32> to vector<1152x384xf32>
    %add3A_984 = arith.addf %dot_general3A_979, %add3A_983 : vector<1152x384xf32>
    %add3A_985 = arith.addf %reshape3A, %add3A_984 : vector<1152x384xf32>
    %reshape3A_986 = vector.shape_cast %add3A_985 : vector<1152x384xf32> to vector<2x576x384xf32>
    %swap3A_987 = arith.constant 0 : index
    %swap3A_988 = arith.constant 0 : index
    %swap3A_989 = arith.constant 0 : index
    %swap3A_990 = vector.load %arg13[%swap3A_987, %swap3A_988, %swap3A_989] : memref<2x576x384xf32, #tpu.memory_space<vmem>>, vector<2x576x384xf32>
    tpu.vector_store %arg13[%swap3A_987, %swap3A_988, %swap3A_989], %reshape3A_986 {strides = array<i32>} : memref<2x576x384xf32, #tpu.memory_space<vmem>>, vector<2x576x384xf32>,
    return
  }
  func.func @transform_0(%arg0: i32) -> (i32, i32, i32) {
    %c0_i32 = arith.constant 0 : i32
    %c0_i32_0 = arith.constant 0 : i32
    %c0_i32_1 = arith.constant 0 : i32
    return %arg0, %c0_i32, %c0_i32_0 : i32, i32, i32
  }
  func.func @transform_1(%arg0: i32) -> (i32, i32, i32) {
    %c0_i32 = arith.constant 0 : i32
    %c0_i32_0 = arith.constant 0 : i32
    %c0_i32_1 = arith.constant 0 : i32
    return %arg0, %c0_i32, %c0_i32_0 : i32, i32, i32
  }
  func.func @transform_2(%arg0: i32) -> (i32, i32, i32) {
    %c0_i32 = arith.constant 0 : i32
    %c0_i32_0 = arith.constant 0 : i32
    %c0_i32_1 = arith.constant 0 : i32
    %c0_i32_2 = arith.constant 0 : i32
    return %c0_i32, %c0_i32_0, %c0_i32_1 : i32, i32, i32
  }
  func.func @transform_3(%arg0: i32) -> (i32, i32, i32) {
    %c0_i32 = arith.constant 0 : i32
    %c0_i32_0 = arith.constant 0 : i32
    %c0_i32_1 = arith.constant 0 : i32
    %c0_i32_2 = arith.constant 0 : i32
    return %c0_i32, %c0_i32_0, %c0_i32_1 : i32, i32, i32
  }
  func.func @transform_4(%arg0: i32) -> (i32, i32, i32) {
    %c0_i32 = arith.constant 0 : i32
    %c0_i32_0 = arith.constant 0 : i32
    %c0_i32_1 = arith.constant 0 : i32
    %c0_i32_2 = arith.constant 0 : i32
    return %c0_i32, %c0_i32_0, %c0_i32_1 : i32, i32, i32
  }
  func.func @transform_5(%arg0: i32) -> (i32, i32, i32) {
    %c0_i32 = arith.constant 0 : i32
    %c0_i32_0 = arith.constant 0 : i32
    %c0_i32_1 = arith.constant 0 : i32
    %c0_i32_2 = arith.constant 0 : i32
    return %c0_i32, %c0_i32_0, %c0_i32_1 : i32, i32, i32
  }
  func.func @transform_6(%arg0: i32) -> (i32, i32) {
    %c0_i32 = arith.constant 0 : i32
    %c0_i32_0 = arith.constant 0 : i32
    %c0_i32_1 = arith.constant 0 : i32
    return %c0_i32, %c0_i32_0 : i32, i32
  }
  func.func @transform_7(%arg0: i32) -> (i32, i32) {
    %c0_i32 = arith.constant 0 : i32
    %c0_i32_0 = arith.constant 0 : i32
    %c0_i32_1 = arith.constant 0 : i32
    return %c0_i32, %c0_i32_0 : i32, i32
  }
  func.func @transform_8(%arg0: i32) -> (i32, i32) {
    %c0_i32 = arith.constant 0 : i32
    %c0_i32_0 = arith.constant 0 : i32
    %c0_i32_1 = arith.constant 0 : i32
    return %c0_i32, %c0_i32_0 : i32, i32
  }
  func.func @transform_9(%arg0: i32) -> (i32, i32) {
    %c0_i32 = arith.constant 0 : i32
    %c0_i32_0 = arith.constant 0 : i32
    %c0_i32_1 = arith.constant 0 : i32
    return %c0_i32, %c0_i32_0 : i32, i32
  }
  func.func @transform_10(%arg0: i32) -> (i32, i32) {
    %c0_i32 = arith.constant 0 : i32
    %c0_i32_0 = arith.constant 0 : i32
    %c0_i32_1 = arith.constant 0 : i32
    return %c0_i32, %c0_i32_0 : i32, i32
  }
  func.func @transform_11(%arg0: i32) -> (i32, i32) {
    %c0_i32 = arith.constant 0 : i32
    %c0_i32_0 = arith.constant 0 : i32
    %c0_i32_1 = arith.constant 0 : i32
    return %c0_i32, %c0_i32_0 : i32, i32
  }
  func.func @transform_12(%arg0: i32) -> (i32, i32, i32) {
    %c0_i32 = arith.constant 0 : i32
    %c0_i32_0 = arith.constant 0 : i32
    %c0_i32_1 = arith.constant 0 : i32
    return %arg0, %c0_i32, %c0_i32_0 : i32, i32, i32
  }
  func.func @transform_13(%arg0: i32) -> (i32, i32, i32) {
    %c0_i32 = arith.constant 0 : i32
    %c0_i32_0 = arith.constant 0 : i32
    %c0_i32_1 = arith.constant 0 : i32
    return %arg0, %c0_i32, %c0_i32_0 : i32, i32, i32
  }
  func.func @transform_14(%arg0: i32) -> (i32, i32, i32) {
    %c0_i32 = arith.constant 0 : i32
    %c0_i32_0 = arith.constant 0 : i32
    %c0_i32_1 = arith.constant 0 : i32
    return %arg0, %c0_i32, %c0_i32_0 : i32, i32, i32
  }
  func.func @transform_15(%arg0: i32) -> (i32, i32, i32) {
    %c0_i32 = arith.constant 0 : i32
    %c0_i32_0 = arith.constant 0 : i32
    %c0_i32_1 = arith.constant 0 : i32
    return %arg0, %c0_i32, %c0_i32_0 : i32, i32, i32
  }
  func.func @transform_16(%arg0: i32) -> (i32, i32, i32) {
    %c0_i32 = arith.constant 0 : i32
    %c0_i32_0 = arith.constant 0 : i32
    %c0_i32_1 = arith.constant 0 : i32
    return %arg0, %c0_i32, %c0_i32_0 : i32, i32, i32
  }
}

module attributes {stable_mosaic.version = 14 : i64} {
  func.func @_kernel_b(%arg0: i32, %arg1: memref<2x192x384xf32, #tpu.memory_space<vmem>>, %arg2: memref<2x576x384xf32, #tpu.memory_space<vmem>>, %arg3: memref<2x1x576xf32, #tpu.memory_space<vmem>>, %arg4: memref<384x128xbf16, #tpu.memory_space<vmem>>, %arg5: memref<1x128xf32, #tpu.memory_space<vmem>>, %arg6: memref<2x128x384xbf16, #tpu.memory_space<vmem>>, %arg7: memref<2x1x384xf32, #tpu.memory_space<vmem>>, %arg8: memref<2x128x128xbf16, #tpu.memory_space<vmem>>, %arg9: memref<2x1x128xf32, #tpu.memory_space<vmem>>, %arg10: memref<2x1x128xf32, #tpu.memory_space<vmem>>, %arg11: memref<2x1x128xf32, #tpu.memory_space<vmem>>, %arg12: memref<2x1x128xf32, #tpu.memory_space<vmem>>, %arg13: memref<2x1x128xf32, #tpu.memory_space<vmem>>, %arg14: memref<2x128x512xbf16, #tpu.memory_space<vmem>>, %arg15: memref<2x1x512xf32, #tpu.memory_space<vmem>>, %arg16: memref<2x512x128xbf16, #tpu.memory_space<vmem>>, %arg17: memref<2x1x128xf32, #tpu.memory_space<vmem>>, %arg18: memref<128x384xbf16, #tpu.memory_space<vmem>>, %arg19: memref<1x384xf32, #tpu.memory_space<vmem>>, %arg20: memref<2x576x384xf32, #tpu.memory_space<vmem>>) attributes {dimension_semantics = [#tpu.dimension_semantics<arbitrary>], iteration_bounds = array<i64: 16>, scalar_prefetch = 0 : i64, scratch_operands = 0 : i64, tpu.core_type = #tpu.core_type<tc>, window_params = [{transform_indices = @transform_0, window_bounds = array<i64: 2, 192, 384>}, {transform_indices = @transform_1, window_bounds = array<i64: 2, 576, 384>}, {transform_indices = @transform_2, window_bounds = array<i64: 2, 1, 576>}, {pipeline_mode = #tpu.pipeline_mode<synchronous>, transform_indices = @transform_3, window_bounds = array<i64: 384, 128>}, {pipeline_mode = #tpu.pipeline_mode<synchronous>, transform_indices = @transform_4, window_bounds = array<i64: 1, 128>}, {pipeline_mode = #tpu.pipeline_mode<synchronous>, transform_indices = @transform_5, window_bounds = array<i64: 2, 128, 384>}, {pipeline_mode = #tpu.pipeline_mode<synchronous>, transform_indices = @transform_6, window_bounds = array<i64: 2, 1, 384>}, {pipeline_mode = #tpu.pipeline_mode<synchronous>, transform_indices = @transform_7, window_bounds = array<i64: 2, 128, 128>}, {pipeline_mode = #tpu.pipeline_mode<synchronous>, transform_indices = @transform_8, window_bounds = array<i64: 2, 1, 128>}, {pipeline_mode = #tpu.pipeline_mode<synchronous>, transform_indices = @transform_9, window_bounds = array<i64: 2, 1, 128>}, {pipeline_mode = #tpu.pipeline_mode<synchronous>, transform_indices = @transform_10, window_bounds = array<i64: 2, 1, 128>}, {pipeline_mode = #tpu.pipeline_mode<synchronous>, transform_indices = @transform_11, window_bounds = array<i64: 2, 1, 128>}, {pipeline_mode = #tpu.pipeline_mode<synchronous>, transform_indices = @transform_12, window_bounds = array<i64: 2, 1, 128>}, {pipeline_mode = #tpu.pipeline_mode<synchronous>, transform_indices = @transform_13, window_bounds = array<i64: 2, 128, 512>}, {pipeline_mode = #tpu.pipeline_mode<synchronous>, transform_indices = @transform_14, window_bounds = array<i64: 2, 1, 512>}, {pipeline_mode = #tpu.pipeline_mode<synchronous>, transform_indices = @transform_15, window_bounds = array<i64: 2, 512, 128>}, {pipeline_mode = #tpu.pipeline_mode<synchronous>, transform_indices = @transform_16, window_bounds = array<i64: 2, 1, 128>}, {pipeline_mode = #tpu.pipeline_mode<synchronous>, transform_indices = @transform_17, window_bounds = array<i64: 128, 384>}, {pipeline_mode = #tpu.pipeline_mode<synchronous>, transform_indices = @transform_18, window_bounds = array<i64: 1, 384>}, {transform_indices = @transform_19, window_bounds = array<i64: 2, 576, 384>}]} {
    %iota3A = tpu.iota {dimensions = array<i32: 1>} : vector<1x192xi32>
    %ge3A = arith.constant 172 : i32
    %ge3A_0 = vector.broadcast %ge3A : i32 to vector<1x192xi32>
    %ge3A_1 = arith.cmpi sge, %iota3A, %ge3A_0 : vector<1x192xi32>
    %jit3A = arith.constant -1.000000e+30 : f32
    %jit3A_2 = arith.constant 0.000000e+00 : f32
    %broadcast_in_dim3A = vector.broadcast %jit3A : f32 to vector<1x192xf32>
    %broadcast_in_dim3A_3 = vector.broadcast %jit3A_2 : f32 to vector<1x192xf32>
    %select_n3A = arith.select %ge3A_1, %broadcast_in_dim3A, %broadcast_in_dim3A_3 : vector<1x192xi1>, vector<1x192xf32>
    %get3A = arith.constant 0 : index
    %get3A_4 = arith.constant 0 : index
    %get3A_5 = arith.constant 0 : index
    %get3A_6 = vector.load %arg1[%get3A, %get3A_4, %get3A_5] : memref<2x192x384xf32, #tpu.memory_space<vmem>>, vector<1x192x384xf32>
    %get3A_7 = vector.shape_cast %get3A_6 : vector<1x192x384xf32> to vector<192x384xf32>
    %get3A_8 = arith.constant 0 : index
    %get3A_9 = arith.constant 0 : index
    %get3A_10 = vector.load %arg4[%get3A_8, %get3A_9] : memref<384x128xbf16, #tpu.memory_space<vmem>>, vector<384x128xbf16>
    %convert_element_type3A = arith.truncf %get3A_7 : vector<192x384xf32> to vector<192x384xbf16>
    %dot_general3A = arith.constant dense<0.000000e+00> : vector<192x128xf32>
    %dot_general3A_11 = tpu.matmul %convert_element_type3A, %get3A_10, %dot_general3A {dimension_numbers = #tpu.dot_dimension_numbers<[1], [0], [0], [1], [0, 0, 1, 1], [], []>, transpose_lhs_hint = false} : vector<192x384xbf16>, vector<384x128xbf16>, vector<192x128xf32> -> vector<192x128xf32>
    %get3A_12 = arith.constant 0 : index
    %get3A_13 = arith.constant 0 : index
    %get3A_14 = vector.load %arg5[%get3A_12, %get3A_13] : memref<1x128xf32, #tpu.memory_space<vmem>>, vector<1x128xf32>
    %add3A = vector.broadcast %get3A_14 : vector<1x128xf32> to vector<192x128xf32>
    %add3A_15 = arith.addf %dot_general3A_11, %add3A : vector<192x128xf32>
    %get3A_16 = arith.constant 0 : index
    %get3A_17 = arith.constant 0 : index
    %get3A_18 = arith.constant 0 : index
    %get3A_19 = vector.load %arg10[%get3A_16, %get3A_17, %get3A_18] : memref<2x1x128xf32, #tpu.memory_space<vmem>>, vector<1x1x128xf32>
    %get3A_20 = vector.shape_cast %get3A_19 : vector<1x1x128xf32> to vector<1x128xf32>
    %get3A_21 = arith.constant 0 : index
    %get3A_22 = arith.constant 0 : index
    %get3A_23 = arith.constant 0 : index
    %get3A_24 = vector.load %arg11[%get3A_21, %get3A_22, %get3A_23] : memref<2x1x128xf32, #tpu.memory_space<vmem>>, vector<1x1x128xf32>
    %get3A_25 = vector.shape_cast %get3A_24 : vector<1x1x128xf32> to vector<1x128xf32>
    %reduce_sum3A = arith.constant dense<0.000000e+00> : vector<192xf32>
    %reduce_sum3A_26 = vector.multi_reduction <add>, %add3A_15, %reduce_sum3A [1] : vector<192x128xf32> to vector<192xf32>
    %broadcast_in_dim3A_27 = vector.shape_cast %reduce_sum3A_26 : vector<192xf32> to vector<192x1xf32>
    %div3A = arith.constant 1.280000e+02 : f32
    %div3A_28 = vector.broadcast %div3A : f32 to vector<192x1xf32>
    %div3A_29 = arith.divf %broadcast_in_dim3A_27, %div3A_28 : vector<192x1xf32>
    %sub3A = vector.broadcast %div3A_29 : vector<192x1xf32> to vector<192x128xf32>
    %sub3A_30 = arith.subf %add3A_15, %sub3A : vector<192x128xf32>
    %integer_pow3A = arith.mulf %sub3A_30, %sub3A_30 : vector<192x128xf32>
    %reduce_sum3A_31 = arith.constant dense<0.000000e+00> : vector<192xf32>
    %reduce_sum3A_32 = vector.multi_reduction <add>, %integer_pow3A, %reduce_sum3A_31 [1] : vector<192x128xf32> to vector<192xf32>
    %broadcast_in_dim3A_33 = vector.shape_cast %reduce_sum3A_32 : vector<192xf32> to vector<192x1xf32>
    %div3A_34 = arith.constant 1.280000e+02 : f32
    %div3A_35 = vector.broadcast %div3A_34 : f32 to vector<192x1xf32>
    %div3A_36 = arith.divf %broadcast_in_dim3A_33, %div3A_35 : vector<192x1xf32>
    %sub3A_37 = vector.broadcast %div3A_29 : vector<192x1xf32> to vector<192x128xf32>
    %sub3A_38 = arith.subf %add3A_15, %sub3A_37 : vector<192x128xf32>
    %add3A_39 = arith.constant 9.99999974E-6 : f32
    %add3A_40 = vector.broadcast %add3A_39 : f32 to vector<192x1xf32>
    %add3A_41 = arith.addf %div3A_36, %add3A_40 : vector<192x1xf32>
    %rsqrt3A = math.rsqrt %add3A_41 : vector<192x1xf32>
    %mul3A = vector.broadcast %rsqrt3A : vector<192x1xf32> to vector<192x128xf32>
    %mul3A_42 = arith.mulf %sub3A_38, %mul3A : vector<192x128xf32>
    %mul3A_43 = vector.broadcast %get3A_20 : vector<1x128xf32> to vector<192x128xf32>
    %mul3A_44 = arith.mulf %mul3A_42, %mul3A_43 : vector<192x128xf32>
    %add3A_45 = vector.broadcast %get3A_25 : vector<1x128xf32> to vector<192x128xf32>
    %add3A_46 = arith.addf %mul3A_44, %add3A_45 : vector<192x128xf32>
    %get3A_47 = arith.constant 0 : index
    %get3A_48 = arith.constant 0 : index
    %get3A_49 = arith.constant 0 : index
    %get3A_50 = vector.load %arg6[%get3A_47, %get3A_48, %get3A_49] : memref<2x128x384xbf16, #tpu.memory_space<vmem>>, vector<1x128x384xbf16>
    %get3A_51 = vector.shape_cast %get3A_50 : vector<1x128x384xbf16> to vector<128x384xbf16>
    %convert_element_type3A_52 = arith.truncf %add3A_46 : vector<192x128xf32> to vector<192x128xbf16>
    %dot_general3A_53 = arith.constant dense<0.000000e+00> : vector<192x384xf32>
    %dot_general3A_54 = tpu.matmul %convert_element_type3A_52, %get3A_51, %dot_general3A_53 {dimension_numbers = #tpu.dot_dimension_numbers<[1], [0], [0], [1], [0, 0, 1, 1], [], []>, transpose_lhs_hint = false} : vector<192x128xbf16>, vector<128x384xbf16>, vector<192x384xf32> -> vector<192x384xf32>
    %get3A_55 = arith.constant 0 : index
    %get3A_56 = arith.constant 0 : index
    %get3A_57 = arith.constant 0 : index
    %get3A_58 = vector.load %arg7[%get3A_55, %get3A_56, %get3A_57] : memref<2x1x384xf32, #tpu.memory_space<vmem>>, vector<1x1x384xf32>
    %get3A_59 = vector.shape_cast %get3A_58 : vector<1x1x384xf32> to vector<1x384xf32>
    %add3A_60 = vector.broadcast %get3A_59 : vector<1x384xf32> to vector<192x384xf32>
    %add3A_61 = arith.addf %dot_general3A_54, %add3A_60 : vector<192x384xf32>
    %slice3A = vector.extract_strided_slice %add3A_61 {offsets = [0, 0], sizes = [192, 32], strides = [1, 1]} : vector<192x384xf32> to vector<192x32xf32>
    %slice3A_62 = vector.extract_strided_slice %add3A_61 {offsets = [0, 128], sizes = [192, 32], strides = [1, 1]} : vector<192x384xf32> to vector<192x32xf32>
    %slice3A_63 = vector.extract_strided_slice %add3A_61 {offsets = [0, 256], sizes = [192, 32], strides = [1, 1]} : vector<192x384xf32> to vector<192x32xf32>
    %convert_element_type3A_64 = arith.truncf %slice3A : vector<192x32xf32> to vector<192x32xbf16>
    %convert_element_type3A_65 = arith.truncf %slice3A_62 : vector<192x32xf32> to vector<192x32xbf16>
    %dot_general3A_66 = arith.constant dense<0.000000e+00> : vector<192x192xf32>
    %dot_general3A_67 = tpu.matmul %convert_element_type3A_64, %convert_element_type3A_65, %dot_general3A_66 {dimension_numbers = #tpu.dot_dimension_numbers<[1], [1], [0], [0], [0, 0, 1, 0], [], []>, transpose_lhs_hint = false} : vector<192x32xbf16>, vector<192x32xbf16>, vector<192x192xf32> -> vector<192x192xf32>
    %div3A_68 = arith.constant 5.65685415 : f32
    %div3A_69 = vector.broadcast %div3A_68 : f32 to vector<192x192xf32>
    %div3A_70 = arith.divf %dot_general3A_67, %div3A_69 : vector<192x192xf32>
    %add3A_71 = vector.broadcast %select_n3A : vector<1x192xf32> to vector<192x192xf32>
    %add3A_72 = arith.addf %div3A_70, %add3A_71 : vector<192x192xf32>
    %reduce_max3A = arith.constant dense<0xFF800000> : vector<192xf32>
    %reduce_max3A_73 = vector.multi_reduction <maximumf>, %add3A_72, %reduce_max3A [1] : vector<192x192xf32> to vector<192xf32>
    %broadcast_in_dim3A_74 = vector.shape_cast %reduce_max3A_73 : vector<192xf32> to vector<192x1xf32>
    %sub3A_75 = vector.broadcast %broadcast_in_dim3A_74 : vector<192x1xf32> to vector<192x192xf32>
    %sub3A_76 = arith.subf %add3A_72, %sub3A_75 : vector<192x192xf32>
    %exp3A = math.exp %sub3A_76 : vector<192x192xf32>
    %reduce_sum3A_77 = arith.constant dense<0.000000e+00> : vector<192xf32>
    %reduce_sum3A_78 = vector.multi_reduction <add>, %exp3A, %reduce_sum3A_77 [1] : vector<192x192xf32> to vector<192xf32>
    %broadcast_in_dim3A_79 = vector.shape_cast %reduce_sum3A_78 : vector<192xf32> to vector<192x1xf32>
    %div3A_80 = vector.broadcast %broadcast_in_dim3A_79 : vector<192x1xf32> to vector<192x192xf32>
    %div3A_81 = arith.divf %exp3A, %div3A_80 : vector<192x192xf32>
    %convert_element_type3A_82 = arith.truncf %div3A_81 : vector<192x192xf32> to vector<192x192xbf16>
    %convert_element_type3A_83 = arith.truncf %slice3A_63 : vector<192x32xf32> to vector<192x32xbf16>
    %dot_general3A_84 = arith.constant dense<0.000000e+00> : vector<192x32xf32>
    %dot_general3A_85 = tpu.matmul %convert_element_type3A_82, %convert_element_type3A_83, %dot_general3A_84 {dimension_numbers = #tpu.dot_dimension_numbers<[1], [0], [0], [1], [0, 0, 1, 1], [], []>, transpose_lhs_hint = false} : vector<192x192xbf16>, vector<192x32xbf16>, vector<192x32xf32> -> vector<192x32xf32>
    %slice3A_86 = vector.extract_strided_slice %add3A_61 {offsets = [0, 32], sizes = [192, 32], strides = [1, 1]} : vector<192x384xf32> to vector<192x32xf32>
    %slice3A_87 = vector.extract_strided_slice %add3A_61 {offsets = [0, 160], sizes = [192, 32], strides = [1, 1]} : vector<192x384xf32> to vector<192x32xf32>
    %slice3A_88 = vector.extract_strided_slice %add3A_61 {offsets = [0, 288], sizes = [192, 32], strides = [1, 1]} : vector<192x384xf32> to vector<192x32xf32>
    %convert_element_type3A_89 = arith.truncf %slice3A_86 : vector<192x32xf32> to vector<192x32xbf16>
    %convert_element_type3A_90 = arith.truncf %slice3A_87 : vector<192x32xf32> to vector<192x32xbf16>
    %dot_general3A_91 = arith.constant dense<0.000000e+00> : vector<192x192xf32>
    %dot_general3A_92 = tpu.matmul %convert_element_type3A_89, %convert_element_type3A_90, %dot_general3A_91 {dimension_numbers = #tpu.dot_dimension_numbers<[1], [1], [0], [0], [0, 0, 1, 0], [], []>, transpose_lhs_hint = false} : vector<192x32xbf16>, vector<192x32xbf16>, vector<192x192xf32> -> vector<192x192xf32>
    %div3A_93 = arith.constant 5.65685415 : f32
    %div3A_94 = vector.broadcast %div3A_93 : f32 to vector<192x192xf32>
    %div3A_95 = arith.divf %dot_general3A_92, %div3A_94 : vector<192x192xf32>
    %add3A_96 = vector.broadcast %select_n3A : vector<1x192xf32> to vector<192x192xf32>
    %add3A_97 = arith.addf %div3A_95, %add3A_96 : vector<192x192xf32>
    %reduce_max3A_98 = arith.constant dense<0xFF800000> : vector<192xf32>
    %reduce_max3A_99 = vector.multi_reduction <maximumf>, %add3A_97, %reduce_max3A_98 [1] : vector<192x192xf32> to vector<192xf32>
    %broadcast_in_dim3A_100 = vector.shape_cast %reduce_max3A_99 : vector<192xf32> to vector<192x1xf32>
    %sub3A_101 = vector.broadcast %broadcast_in_dim3A_100 : vector<192x1xf32> to vector<192x192xf32>
    %sub3A_102 = arith.subf %add3A_97, %sub3A_101 : vector<192x192xf32>
    %exp3A_103 = math.exp %sub3A_102 : vector<192x192xf32>
    %reduce_sum3A_104 = arith.constant dense<0.000000e+00> : vector<192xf32>
    %reduce_sum3A_105 = vector.multi_reduction <add>, %exp3A_103, %reduce_sum3A_104 [1] : vector<192x192xf32> to vector<192xf32>
    %broadcast_in_dim3A_106 = vector.shape_cast %reduce_sum3A_105 : vector<192xf32> to vector<192x1xf32>
    %div3A_107 = vector.broadcast %broadcast_in_dim3A_106 : vector<192x1xf32> to vector<192x192xf32>
    %div3A_108 = arith.divf %exp3A_103, %div3A_107 : vector<192x192xf32>
    %convert_element_type3A_109 = arith.truncf %div3A_108 : vector<192x192xf32> to vector<192x192xbf16>
    %convert_element_type3A_110 = arith.truncf %slice3A_88 : vector<192x32xf32> to vector<192x32xbf16>
    %dot_general3A_111 = arith.constant dense<0.000000e+00> : vector<192x32xf32>
    %dot_general3A_112 = tpu.matmul %convert_element_type3A_109, %convert_element_type3A_110, %dot_general3A_111 {dimension_numbers = #tpu.dot_dimension_numbers<[1], [0], [0], [1], [0, 0, 1, 1], [], []>, transpose_lhs_hint = false} : vector<192x192xbf16>, vector<192x32xbf16>, vector<192x32xf32> -> vector<192x32xf32>
    %slice3A_113 = vector.extract_strided_slice %add3A_61 {offsets = [0, 64], sizes = [192, 32], strides = [1, 1]} : vector<192x384xf32> to vector<192x32xf32>
    %slice3A_114 = vector.extract_strided_slice %add3A_61 {offsets = [0, 192], sizes = [192, 32], strides = [1, 1]} : vector<192x384xf32> to vector<192x32xf32>
    %slice3A_115 = vector.extract_strided_slice %add3A_61 {offsets = [0, 320], sizes = [192, 32], strides = [1, 1]} : vector<192x384xf32> to vector<192x32xf32>
    %convert_element_type3A_116 = arith.truncf %slice3A_113 : vector<192x32xf32> to vector<192x32xbf16>
    %convert_element_type3A_117 = arith.truncf %slice3A_114 : vector<192x32xf32> to vector<192x32xbf16>
    %dot_general3A_118 = arith.constant dense<0.000000e+00> : vector<192x192xf32>
    %dot_general3A_119 = tpu.matmul %convert_element_type3A_116, %convert_element_type3A_117, %dot_general3A_118 {dimension_numbers = #tpu.dot_dimension_numbers<[1], [1], [0], [0], [0, 0, 1, 0], [], []>, transpose_lhs_hint = false} : vector<192x32xbf16>, vector<192x32xbf16>, vector<192x192xf32> -> vector<192x192xf32>
    %div3A_120 = arith.constant 5.65685415 : f32
    %div3A_121 = vector.broadcast %div3A_120 : f32 to vector<192x192xf32>
    %div3A_122 = arith.divf %dot_general3A_119, %div3A_121 : vector<192x192xf32>
    %add3A_123 = vector.broadcast %select_n3A : vector<1x192xf32> to vector<192x192xf32>
    %add3A_124 = arith.addf %div3A_122, %add3A_123 : vector<192x192xf32>
    %reduce_max3A_125 = arith.constant dense<0xFF800000> : vector<192xf32>
    %reduce_max3A_126 = vector.multi_reduction <maximumf>, %add3A_124, %reduce_max3A_125 [1] : vector<192x192xf32> to vector<192xf32>
    %broadcast_in_dim3A_127 = vector.shape_cast %reduce_max3A_126 : vector<192xf32> to vector<192x1xf32>
    %sub3A_128 = vector.broadcast %broadcast_in_dim3A_127 : vector<192x1xf32> to vector<192x192xf32>
    %sub3A_129 = arith.subf %add3A_124, %sub3A_128 : vector<192x192xf32>
    %exp3A_130 = math.exp %sub3A_129 : vector<192x192xf32>
    %reduce_sum3A_131 = arith.constant dense<0.000000e+00> : vector<192xf32>
    %reduce_sum3A_132 = vector.multi_reduction <add>, %exp3A_130, %reduce_sum3A_131 [1] : vector<192x192xf32> to vector<192xf32>
    %broadcast_in_dim3A_133 = vector.shape_cast %reduce_sum3A_132 : vector<192xf32> to vector<192x1xf32>
    %div3A_134 = vector.broadcast %broadcast_in_dim3A_133 : vector<192x1xf32> to vector<192x192xf32>
    %div3A_135 = arith.divf %exp3A_130, %div3A_134 : vector<192x192xf32>
    %convert_element_type3A_136 = arith.truncf %div3A_135 : vector<192x192xf32> to vector<192x192xbf16>
    %convert_element_type3A_137 = arith.truncf %slice3A_115 : vector<192x32xf32> to vector<192x32xbf16>
    %dot_general3A_138 = arith.constant dense<0.000000e+00> : vector<192x32xf32>
    %dot_general3A_139 = tpu.matmul %convert_element_type3A_136, %convert_element_type3A_137, %dot_general3A_138 {dimension_numbers = #tpu.dot_dimension_numbers<[1], [0], [0], [1], [0, 0, 1, 1], [], []>, transpose_lhs_hint = false} : vector<192x192xbf16>, vector<192x32xbf16>, vector<192x32xf32> -> vector<192x32xf32>
    %slice3A_140 = vector.extract_strided_slice %add3A_61 {offsets = [0, 96], sizes = [192, 32], strides = [1, 1]} : vector<192x384xf32> to vector<192x32xf32>
    %slice3A_141 = vector.extract_strided_slice %add3A_61 {offsets = [0, 224], sizes = [192, 32], strides = [1, 1]} : vector<192x384xf32> to vector<192x32xf32>
    %slice3A_142 = vector.extract_strided_slice %add3A_61 {offsets = [0, 352], sizes = [192, 32], strides = [1, 1]} : vector<192x384xf32> to vector<192x32xf32>
    %convert_element_type3A_143 = arith.truncf %slice3A_140 : vector<192x32xf32> to vector<192x32xbf16>
    %convert_element_type3A_144 = arith.truncf %slice3A_141 : vector<192x32xf32> to vector<192x32xbf16>
    %dot_general3A_145 = arith.constant dense<0.000000e+00> : vector<192x192xf32>
    %dot_general3A_146 = tpu.matmul %convert_element_type3A_143, %convert_element_type3A_144, %dot_general3A_145 {dimension_numbers = #tpu.dot_dimension_numbers<[1], [1], [0], [0], [0, 0, 1, 0], [], []>, transpose_lhs_hint = false} : vector<192x32xbf16>, vector<192x32xbf16>, vector<192x192xf32> -> vector<192x192xf32>
    %div3A_147 = arith.constant 5.65685415 : f32
    %div3A_148 = vector.broadcast %div3A_147 : f32 to vector<192x192xf32>
    %div3A_149 = arith.divf %dot_general3A_146, %div3A_148 : vector<192x192xf32>
    %add3A_150 = vector.broadcast %select_n3A : vector<1x192xf32> to vector<192x192xf32>
    %add3A_151 = arith.addf %div3A_149, %add3A_150 : vector<192x192xf32>
    %reduce_max3A_152 = arith.constant dense<0xFF800000> : vector<192xf32>
    %reduce_max3A_153 = vector.multi_reduction <maximumf>, %add3A_151, %reduce_max3A_152 [1] : vector<192x192xf32> to vector<192xf32>
    %broadcast_in_dim3A_154 = vector.shape_cast %reduce_max3A_153 : vector<192xf32> to vector<192x1xf32>
    %sub3A_155 = vector.broadcast %broadcast_in_dim3A_154 : vector<192x1xf32> to vector<192x192xf32>
    %sub3A_156 = arith.subf %add3A_151, %sub3A_155 : vector<192x192xf32>
    %exp3A_157 = math.exp %sub3A_156 : vector<192x192xf32>
    %reduce_sum3A_158 = arith.constant dense<0.000000e+00> : vector<192xf32>
    %reduce_sum3A_159 = vector.multi_reduction <add>, %exp3A_157, %reduce_sum3A_158 [1] : vector<192x192xf32> to vector<192xf32>
    %broadcast_in_dim3A_160 = vector.shape_cast %reduce_sum3A_159 : vector<192xf32> to vector<192x1xf32>
    %div3A_161 = vector.broadcast %broadcast_in_dim3A_160 : vector<192x1xf32> to vector<192x192xf32>
    %div3A_162 = arith.divf %exp3A_157, %div3A_161 : vector<192x192xf32>
    %convert_element_type3A_163 = arith.truncf %div3A_162 : vector<192x192xf32> to vector<192x192xbf16>
    %convert_element_type3A_164 = arith.truncf %slice3A_142 : vector<192x32xf32> to vector<192x32xbf16>
    %dot_general3A_165 = arith.constant dense<0.000000e+00> : vector<192x32xf32>
    %dot_general3A_166 = tpu.matmul %convert_element_type3A_163, %convert_element_type3A_164, %dot_general3A_165 {dimension_numbers = #tpu.dot_dimension_numbers<[1], [0], [0], [1], [0, 0, 1, 1], [], []>, transpose_lhs_hint = false} : vector<192x192xbf16>, vector<192x32xbf16>, vector<192x32xf32> -> vector<192x32xf32>
    %concatenate3A = tpu.concatenate %dot_general3A_85, %dot_general3A_112, %dot_general3A_139, %dot_general3A_166 in 1 : vector<192x32xf32>, vector<192x32xf32>, vector<192x32xf32>, vector<192x32xf32> -> vector<192x128xf32>
    %get3A_167 = arith.constant 0 : index
    %get3A_168 = arith.constant 0 : index
    %get3A_169 = arith.constant 0 : index
    %get3A_170 = vector.load %arg8[%get3A_167, %get3A_168, %get3A_169] : memref<2x128x128xbf16, #tpu.memory_space<vmem>>, vector<1x128x128xbf16>
    %get3A_171 = vector.shape_cast %get3A_170 : vector<1x128x128xbf16> to vector<128x128xbf16>
    %convert_element_type3A_172 = arith.truncf %concatenate3A : vector<192x128xf32> to vector<192x128xbf16>
    %dot_general3A_173 = arith.constant dense<0.000000e+00> : vector<192x128xf32>
    %dot_general3A_174 = tpu.matmul %convert_element_type3A_172, %get3A_171, %dot_general3A_173 {dimension_numbers = #tpu.dot_dimension_numbers<[1], [0], [0], [1], [0, 0, 1, 1], [], []>, transpose_lhs_hint = false} : vector<192x128xbf16>, vector<128x128xbf16>, vector<192x128xf32> -> vector<192x128xf32>
    %add3A_175 = arith.addf %add3A_15, %dot_general3A_174 : vector<192x128xf32>
    %get3A_176 = arith.constant 0 : index
    %get3A_177 = arith.constant 0 : index
    %get3A_178 = arith.constant 0 : index
    %get3A_179 = vector.load %arg9[%get3A_176, %get3A_177, %get3A_178] : memref<2x1x128xf32, #tpu.memory_space<vmem>>, vector<1x1x128xf32>
    %get3A_180 = vector.shape_cast %get3A_179 : vector<1x1x128xf32> to vector<1x128xf32>
    %add3A_181 = vector.broadcast %get3A_180 : vector<1x128xf32> to vector<192x128xf32>
    %add3A_182 = arith.addf %add3A_175, %add3A_181 : vector<192x128xf32>
    %get3A_183 = arith.constant 0 : index
    %get3A_184 = arith.constant 0 : index
    %get3A_185 = arith.constant 0 : index
    %get3A_186 = vector.load %arg12[%get3A_183, %get3A_184, %get3A_185] : memref<2x1x128xf32, #tpu.memory_space<vmem>>, vector<1x1x128xf32>
    %get3A_187 = vector.shape_cast %get3A_186 : vector<1x1x128xf32> to vector<1x128xf32>
    %get3A_188 = arith.constant 0 : index
    %get3A_189 = arith.constant 0 : index
    %get3A_190 = arith.constant 0 : index
    %get3A_191 = vector.load %arg13[%get3A_188, %get3A_189, %get3A_190] : memref<2x1x128xf32, #tpu.memory_space<vmem>>, vector<1x1x128xf32>
    %get3A_192 = vector.shape_cast %get3A_191 : vector<1x1x128xf32> to vector<1x128xf32>
    %reduce_sum3A_193 = arith.constant dense<0.000000e+00> : vector<192xf32>
    %reduce_sum3A_194 = vector.multi_reduction <add>, %add3A_182, %reduce_sum3A_193 [1] : vector<192x128xf32> to vector<192xf32>
    %broadcast_in_dim3A_195 = vector.shape_cast %reduce_sum3A_194 : vector<192xf32> to vector<192x1xf32>
    %div3A_196 = arith.constant 1.280000e+02 : f32
    %div3A_197 = vector.broadcast %div3A_196 : f32 to vector<192x1xf32>
    %div3A_198 = arith.divf %broadcast_in_dim3A_195, %div3A_197 : vector<192x1xf32>
    %sub3A_199 = vector.broadcast %div3A_198 : vector<192x1xf32> to vector<192x128xf32>
    %sub3A_200 = arith.subf %add3A_182, %sub3A_199 : vector<192x128xf32>
    %integer_pow3A_201 = arith.mulf %sub3A_200, %sub3A_200 : vector<192x128xf32>
    %reduce_sum3A_202 = arith.constant dense<0.000000e+00> : vector<192xf32>
    %reduce_sum3A_203 = vector.multi_reduction <add>, %integer_pow3A_201, %reduce_sum3A_202 [1] : vector<192x128xf32> to vector<192xf32>
    %broadcast_in_dim3A_204 = vector.shape_cast %reduce_sum3A_203 : vector<192xf32> to vector<192x1xf32>
    %div3A_205 = arith.constant 1.280000e+02 : f32
    %div3A_206 = vector.broadcast %div3A_205 : f32 to vector<192x1xf32>
    %div3A_207 = arith.divf %broadcast_in_dim3A_204, %div3A_206 : vector<192x1xf32>
    %sub3A_208 = vector.broadcast %div3A_198 : vector<192x1xf32> to vector<192x128xf32>
    %sub3A_209 = arith.subf %add3A_182, %sub3A_208 : vector<192x128xf32>
    %add3A_210 = arith.constant 9.99999974E-6 : f32
    %add3A_211 = vector.broadcast %add3A_210 : f32 to vector<192x1xf32>
    %add3A_212 = arith.addf %div3A_207, %add3A_211 : vector<192x1xf32>
    %rsqrt3A_213 = math.rsqrt %add3A_212 : vector<192x1xf32>
    %mul3A_214 = vector.broadcast %rsqrt3A_213 : vector<192x1xf32> to vector<192x128xf32>
    %mul3A_215 = arith.mulf %sub3A_209, %mul3A_214 : vector<192x128xf32>
    %mul3A_216 = vector.broadcast %get3A_187 : vector<1x128xf32> to vector<192x128xf32>
    %mul3A_217 = arith.mulf %mul3A_215, %mul3A_216 : vector<192x128xf32>
    %add3A_218 = vector.broadcast %get3A_192 : vector<1x128xf32> to vector<192x128xf32>
    %add3A_219 = arith.addf %mul3A_217, %add3A_218 : vector<192x128xf32>
    %get3A_220 = arith.constant 0 : index
    %get3A_221 = arith.constant 0 : index
    %get3A_222 = arith.constant 0 : index
    %get3A_223 = vector.load %arg14[%get3A_220, %get3A_221, %get3A_222] : memref<2x128x512xbf16, #tpu.memory_space<vmem>>, vector<1x128x512xbf16>
    %get3A_224 = vector.shape_cast %get3A_223 : vector<1x128x512xbf16> to vector<128x512xbf16>
    %convert_element_type3A_225 = arith.truncf %add3A_219 : vector<192x128xf32> to vector<192x128xbf16>
    %dot_general3A_226 = arith.constant dense<0.000000e+00> : vector<192x512xf32>
    %dot_general3A_227 = tpu.matmul %convert_element_type3A_225, %get3A_224, %dot_general3A_226 {dimension_numbers = #tpu.dot_dimension_numbers<[1], [0], [0], [1], [0, 0, 1, 1], [], []>, transpose_lhs_hint = false} : vector<192x128xbf16>, vector<128x512xbf16>, vector<192x512xf32> -> vector<192x512xf32>
    %get3A_228 = arith.constant 0 : index
    %get3A_229 = arith.constant 0 : index
    %get3A_230 = arith.constant 0 : index
    %get3A_231 = vector.load %arg15[%get3A_228, %get3A_229, %get3A_230] : memref<2x1x512xf32, #tpu.memory_space<vmem>>, vector<1x1x512xf32>
    %get3A_232 = vector.shape_cast %get3A_231 : vector<1x1x512xf32> to vector<1x512xf32>
    %add3A_233 = vector.broadcast %get3A_232 : vector<1x512xf32> to vector<192x512xf32>
    %add3A_234 = arith.addf %dot_general3A_227, %add3A_233 : vector<192x512xf32>
    %mul3A_235 = arith.constant 5.000000e-01 : f32
    %mul3A_236 = vector.broadcast %mul3A_235 : f32 to vector<192x512xf32>
    %mul3A_237 = arith.mulf %mul3A_236, %add3A_234 : vector<192x512xf32>
    %mul3A_238 = arith.constant 4.471500e-02 : f32
    %mul3A_239 = vector.broadcast %mul3A_238 : f32 to vector<192x512xf32>
    %mul3A_240 = arith.mulf %mul3A_239, %add3A_234 : vector<192x512xf32>
    %mul3A_241 = arith.mulf %mul3A_240, %add3A_234 : vector<192x512xf32>
    %mul3A_242 = arith.mulf %mul3A_241, %add3A_234 : vector<192x512xf32>
    %add3A_243 = arith.addf %add3A_234, %mul3A_242 : vector<192x512xf32>
    %mul3A_244 = arith.constant 0.797884583 : f32
    %mul3A_245 = vector.broadcast %mul3A_244 : f32 to vector<192x512xf32>
    %mul3A_246 = arith.mulf %mul3A_245, %add3A_243 : vector<192x512xf32>
    %tanh3A = math.tanh %mul3A_246 : vector<192x512xf32>
    %add3A_247 = arith.constant 1.000000e+00 : f32
    %add3A_248 = vector.broadcast %add3A_247 : f32 to vector<192x512xf32>
    %add3A_249 = arith.addf %add3A_248, %tanh3A : vector<192x512xf32>
    %mul3A_250 = arith.mulf %mul3A_237, %add3A_249 : vector<192x512xf32>
    %get3A_251 = arith.constant 0 : index
    %get3A_252 = arith.constant 0 : index
    %get3A_253 = arith.constant 0 : index
    %get3A_254 = vector.load %arg16[%get3A_251, %get3A_252, %get3A_253] : memref<2x512x128xbf16, #tpu.memory_space<vmem>>, vector<1x512x128xbf16>
    %get3A_255 = vector.shape_cast %get3A_254 : vector<1x512x128xbf16> to vector<512x128xbf16>
    %convert_element_type3A_256 = arith.truncf %mul3A_250 : vector<192x512xf32> to vector<192x512xbf16>
    %dot_general3A_257 = arith.constant dense<0.000000e+00> : vector<192x128xf32>
    %dot_general3A_258 = tpu.matmul %convert_element_type3A_256, %get3A_255, %dot_general3A_257 {dimension_numbers = #tpu.dot_dimension_numbers<[1], [0], [0], [1], [0, 0, 1, 1], [], []>, transpose_lhs_hint = false} : vector<192x512xbf16>, vector<512x128xbf16>, vector<192x128xf32> -> vector<192x128xf32>
    %add3A_259 = arith.addf %add3A_182, %dot_general3A_258 : vector<192x128xf32>
    %get3A_260 = arith.constant 0 : index
    %get3A_261 = arith.constant 0 : index
    %get3A_262 = arith.constant 0 : index
    %get3A_263 = vector.load %arg17[%get3A_260, %get3A_261, %get3A_262] : memref<2x1x128xf32, #tpu.memory_space<vmem>>, vector<1x1x128xf32>
    %get3A_264 = vector.shape_cast %get3A_263 : vector<1x1x128xf32> to vector<1x128xf32>
    %add3A_265 = vector.broadcast %get3A_264 : vector<1x128xf32> to vector<192x128xf32>
    %add3A_266 = arith.addf %add3A_259, %add3A_265 : vector<192x128xf32>
    %get3A_267 = arith.constant 1 : index
    %get3A_268 = arith.constant 0 : index
    %get3A_269 = arith.constant 0 : index
    %get3A_270 = vector.load %arg10[%get3A_267, %get3A_268, %get3A_269] : memref<2x1x128xf32, #tpu.memory_space<vmem>>, vector<1x1x128xf32>
    %get3A_271 = vector.shape_cast %get3A_270 : vector<1x1x128xf32> to vector<1x128xf32>
    %get3A_272 = arith.constant 1 : index
    %get3A_273 = arith.constant 0 : index
    %get3A_274 = arith.constant 0 : index
    %get3A_275 = vector.load %arg11[%get3A_272, %get3A_273, %get3A_274] : memref<2x1x128xf32, #tpu.memory_space<vmem>>, vector<1x1x128xf32>
    %get3A_276 = vector.shape_cast %get3A_275 : vector<1x1x128xf32> to vector<1x128xf32>
    %reduce_sum3A_277 = arith.constant dense<0.000000e+00> : vector<192xf32>
    %reduce_sum3A_278 = vector.multi_reduction <add>, %add3A_266, %reduce_sum3A_277 [1] : vector<192x128xf32> to vector<192xf32>
    %broadcast_in_dim3A_279 = vector.shape_cast %reduce_sum3A_278 : vector<192xf32> to vector<192x1xf32>
    %div3A_280 = arith.constant 1.280000e+02 : f32
    %div3A_281 = vector.broadcast %div3A_280 : f32 to vector<192x1xf32>
    %div3A_282 = arith.divf %broadcast_in_dim3A_279, %div3A_281 : vector<192x1xf32>
    %sub3A_283 = vector.broadcast %div3A_282 : vector<192x1xf32> to vector<192x128xf32>
    %sub3A_284 = arith.subf %add3A_266, %sub3A_283 : vector<192x128xf32>
    %integer_pow3A_285 = arith.mulf %sub3A_284, %sub3A_284 : vector<192x128xf32>
    %reduce_sum3A_286 = arith.constant dense<0.000000e+00> : vector<192xf32>
    %reduce_sum3A_287 = vector.multi_reduction <add>, %integer_pow3A_285, %reduce_sum3A_286 [1] : vector<192x128xf32> to vector<192xf32>
    %broadcast_in_dim3A_288 = vector.shape_cast %reduce_sum3A_287 : vector<192xf32> to vector<192x1xf32>
    %div3A_289 = arith.constant 1.280000e+02 : f32
    %div3A_290 = vector.broadcast %div3A_289 : f32 to vector<192x1xf32>
    %div3A_291 = arith.divf %broadcast_in_dim3A_288, %div3A_290 : vector<192x1xf32>
    %sub3A_292 = vector.broadcast %div3A_282 : vector<192x1xf32> to vector<192x128xf32>
    %sub3A_293 = arith.subf %add3A_266, %sub3A_292 : vector<192x128xf32>
    %add3A_294 = arith.constant 9.99999974E-6 : f32
    %add3A_295 = vector.broadcast %add3A_294 : f32 to vector<192x1xf32>
    %add3A_296 = arith.addf %div3A_291, %add3A_295 : vector<192x1xf32>
    %rsqrt3A_297 = math.rsqrt %add3A_296 : vector<192x1xf32>
    %mul3A_298 = vector.broadcast %rsqrt3A_297 : vector<192x1xf32> to vector<192x128xf32>
    %mul3A_299 = arith.mulf %sub3A_293, %mul3A_298 : vector<192x128xf32>
    %mul3A_300 = vector.broadcast %get3A_271 : vector<1x128xf32> to vector<192x128xf32>
    %mul3A_301 = arith.mulf %mul3A_299, %mul3A_300 : vector<192x128xf32>
    %add3A_302 = vector.broadcast %get3A_276 : vector<1x128xf32> to vector<192x128xf32>
    %add3A_303 = arith.addf %mul3A_301, %add3A_302 : vector<192x128xf32>
    %get3A_304 = arith.constant 1 : index
    %get3A_305 = arith.constant 0 : index
    %get3A_306 = arith.constant 0 : index
    %get3A_307 = vector.load %arg6[%get3A_304, %get3A_305, %get3A_306] : memref<2x128x384xbf16, #tpu.memory_space<vmem>>, vector<1x128x384xbf16>
    %get3A_308 = vector.shape_cast %get3A_307 : vector<1x128x384xbf16> to vector<128x384xbf16>
    %convert_element_type3A_309 = arith.truncf %add3A_303 : vector<192x128xf32> to vector<192x128xbf16>
    %dot_general3A_310 = arith.constant dense<0.000000e+00> : vector<192x384xf32>
    %dot_general3A_311 = tpu.matmul %convert_element_type3A_309, %get3A_308, %dot_general3A_310 {dimension_numbers = #tpu.dot_dimension_numbers<[1], [0], [0], [1], [0, 0, 1, 1], [], []>, transpose_lhs_hint = false} : vector<192x128xbf16>, vector<128x384xbf16>, vector<192x384xf32> -> vector<192x384xf32>
    %get3A_312 = arith.constant 1 : index
    %get3A_313 = arith.constant 0 : index
    %get3A_314 = arith.constant 0 : index
    %get3A_315 = vector.load %arg7[%get3A_312, %get3A_313, %get3A_314] : memref<2x1x384xf32, #tpu.memory_space<vmem>>, vector<1x1x384xf32>
    %get3A_316 = vector.shape_cast %get3A_315 : vector<1x1x384xf32> to vector<1x384xf32>
    %add3A_317 = vector.broadcast %get3A_316 : vector<1x384xf32> to vector<192x384xf32>
    %add3A_318 = arith.addf %dot_general3A_311, %add3A_317 : vector<192x384xf32>
    %slice3A_319 = vector.extract_strided_slice %add3A_318 {offsets = [0, 0], sizes = [192, 32], strides = [1, 1]} : vector<192x384xf32> to vector<192x32xf32>
    %slice3A_320 = vector.extract_strided_slice %add3A_318 {offsets = [0, 128], sizes = [192, 32], strides = [1, 1]} : vector<192x384xf32> to vector<192x32xf32>
    %slice3A_321 = vector.extract_strided_slice %add3A_318 {offsets = [0, 256], sizes = [192, 32], strides = [1, 1]} : vector<192x384xf32> to vector<192x32xf32>
    %convert_element_type3A_322 = arith.truncf %slice3A_319 : vector<192x32xf32> to vector<192x32xbf16>
    %convert_element_type3A_323 = arith.truncf %slice3A_320 : vector<192x32xf32> to vector<192x32xbf16>
    %dot_general3A_324 = arith.constant dense<0.000000e+00> : vector<192x192xf32>
    %dot_general3A_325 = tpu.matmul %convert_element_type3A_322, %convert_element_type3A_323, %dot_general3A_324 {dimension_numbers = #tpu.dot_dimension_numbers<[1], [1], [0], [0], [0, 0, 1, 0], [], []>, transpose_lhs_hint = false} : vector<192x32xbf16>, vector<192x32xbf16>, vector<192x192xf32> -> vector<192x192xf32>
    %div3A_326 = arith.constant 5.65685415 : f32
    %div3A_327 = vector.broadcast %div3A_326 : f32 to vector<192x192xf32>
    %div3A_328 = arith.divf %dot_general3A_325, %div3A_327 : vector<192x192xf32>
    %add3A_329 = vector.broadcast %select_n3A : vector<1x192xf32> to vector<192x192xf32>
    %add3A_330 = arith.addf %div3A_328, %add3A_329 : vector<192x192xf32>
    %reduce_max3A_331 = arith.constant dense<0xFF800000> : vector<192xf32>
    %reduce_max3A_332 = vector.multi_reduction <maximumf>, %add3A_330, %reduce_max3A_331 [1] : vector<192x192xf32> to vector<192xf32>
    %broadcast_in_dim3A_333 = vector.shape_cast %reduce_max3A_332 : vector<192xf32> to vector<192x1xf32>
    %sub3A_334 = vector.broadcast %broadcast_in_dim3A_333 : vector<192x1xf32> to vector<192x192xf32>
    %sub3A_335 = arith.subf %add3A_330, %sub3A_334 : vector<192x192xf32>
    %exp3A_336 = math.exp %sub3A_335 : vector<192x192xf32>
    %reduce_sum3A_337 = arith.constant dense<0.000000e+00> : vector<192xf32>
    %reduce_sum3A_338 = vector.multi_reduction <add>, %exp3A_336, %reduce_sum3A_337 [1] : vector<192x192xf32> to vector<192xf32>
    %broadcast_in_dim3A_339 = vector.shape_cast %reduce_sum3A_338 : vector<192xf32> to vector<192x1xf32>
    %div3A_340 = vector.broadcast %broadcast_in_dim3A_339 : vector<192x1xf32> to vector<192x192xf32>
    %div3A_341 = arith.divf %exp3A_336, %div3A_340 : vector<192x192xf32>
    %convert_element_type3A_342 = arith.truncf %div3A_341 : vector<192x192xf32> to vector<192x192xbf16>
    %convert_element_type3A_343 = arith.truncf %slice3A_321 : vector<192x32xf32> to vector<192x32xbf16>
    %dot_general3A_344 = arith.constant dense<0.000000e+00> : vector<192x32xf32>
    %dot_general3A_345 = tpu.matmul %convert_element_type3A_342, %convert_element_type3A_343, %dot_general3A_344 {dimension_numbers = #tpu.dot_dimension_numbers<[1], [0], [0], [1], [0, 0, 1, 1], [], []>, transpose_lhs_hint = false} : vector<192x192xbf16>, vector<192x32xbf16>, vector<192x32xf32> -> vector<192x32xf32>
    %slice3A_346 = vector.extract_strided_slice %add3A_318 {offsets = [0, 32], sizes = [192, 32], strides = [1, 1]} : vector<192x384xf32> to vector<192x32xf32>
    %slice3A_347 = vector.extract_strided_slice %add3A_318 {offsets = [0, 160], sizes = [192, 32], strides = [1, 1]} : vector<192x384xf32> to vector<192x32xf32>
    %slice3A_348 = vector.extract_strided_slice %add3A_318 {offsets = [0, 288], sizes = [192, 32], strides = [1, 1]} : vector<192x384xf32> to vector<192x32xf32>
    %convert_element_type3A_349 = arith.truncf %slice3A_346 : vector<192x32xf32> to vector<192x32xbf16>
    %convert_element_type3A_350 = arith.truncf %slice3A_347 : vector<192x32xf32> to vector<192x32xbf16>
    %dot_general3A_351 = arith.constant dense<0.000000e+00> : vector<192x192xf32>
    %dot_general3A_352 = tpu.matmul %convert_element_type3A_349, %convert_element_type3A_350, %dot_general3A_351 {dimension_numbers = #tpu.dot_dimension_numbers<[1], [1], [0], [0], [0, 0, 1, 0], [], []>, transpose_lhs_hint = false} : vector<192x32xbf16>, vector<192x32xbf16>, vector<192x192xf32> -> vector<192x192xf32>
    %div3A_353 = arith.constant 5.65685415 : f32
    %div3A_354 = vector.broadcast %div3A_353 : f32 to vector<192x192xf32>
    %div3A_355 = arith.divf %dot_general3A_352, %div3A_354 : vector<192x192xf32>
    %add3A_356 = vector.broadcast %select_n3A : vector<1x192xf32> to vector<192x192xf32>
    %add3A_357 = arith.addf %div3A_355, %add3A_356 : vector<192x192xf32>
    %reduce_max3A_358 = arith.constant dense<0xFF800000> : vector<192xf32>
    %reduce_max3A_359 = vector.multi_reduction <maximumf>, %add3A_357, %reduce_max3A_358 [1] : vector<192x192xf32> to vector<192xf32>
    %broadcast_in_dim3A_360 = vector.shape_cast %reduce_max3A_359 : vector<192xf32> to vector<192x1xf32>
    %sub3A_361 = vector.broadcast %broadcast_in_dim3A_360 : vector<192x1xf32> to vector<192x192xf32>
    %sub3A_362 = arith.subf %add3A_357, %sub3A_361 : vector<192x192xf32>
    %exp3A_363 = math.exp %sub3A_362 : vector<192x192xf32>
    %reduce_sum3A_364 = arith.constant dense<0.000000e+00> : vector<192xf32>
    %reduce_sum3A_365 = vector.multi_reduction <add>, %exp3A_363, %reduce_sum3A_364 [1] : vector<192x192xf32> to vector<192xf32>
    %broadcast_in_dim3A_366 = vector.shape_cast %reduce_sum3A_365 : vector<192xf32> to vector<192x1xf32>
    %div3A_367 = vector.broadcast %broadcast_in_dim3A_366 : vector<192x1xf32> to vector<192x192xf32>
    %div3A_368 = arith.divf %exp3A_363, %div3A_367 : vector<192x192xf32>
    %convert_element_type3A_369 = arith.truncf %div3A_368 : vector<192x192xf32> to vector<192x192xbf16>
    %convert_element_type3A_370 = arith.truncf %slice3A_348 : vector<192x32xf32> to vector<192x32xbf16>
    %dot_general3A_371 = arith.constant dense<0.000000e+00> : vector<192x32xf32>
    %dot_general3A_372 = tpu.matmul %convert_element_type3A_369, %convert_element_type3A_370, %dot_general3A_371 {dimension_numbers = #tpu.dot_dimension_numbers<[1], [0], [0], [1], [0, 0, 1, 1], [], []>, transpose_lhs_hint = false} : vector<192x192xbf16>, vector<192x32xbf16>, vector<192x32xf32> -> vector<192x32xf32>
    %slice3A_373 = vector.extract_strided_slice %add3A_318 {offsets = [0, 64], sizes = [192, 32], strides = [1, 1]} : vector<192x384xf32> to vector<192x32xf32>
    %slice3A_374 = vector.extract_strided_slice %add3A_318 {offsets = [0, 192], sizes = [192, 32], strides = [1, 1]} : vector<192x384xf32> to vector<192x32xf32>
    %slice3A_375 = vector.extract_strided_slice %add3A_318 {offsets = [0, 320], sizes = [192, 32], strides = [1, 1]} : vector<192x384xf32> to vector<192x32xf32>
    %convert_element_type3A_376 = arith.truncf %slice3A_373 : vector<192x32xf32> to vector<192x32xbf16>
    %convert_element_type3A_377 = arith.truncf %slice3A_374 : vector<192x32xf32> to vector<192x32xbf16>
    %dot_general3A_378 = arith.constant dense<0.000000e+00> : vector<192x192xf32>
    %dot_general3A_379 = tpu.matmul %convert_element_type3A_376, %convert_element_type3A_377, %dot_general3A_378 {dimension_numbers = #tpu.dot_dimension_numbers<[1], [1], [0], [0], [0, 0, 1, 0], [], []>, transpose_lhs_hint = false} : vector<192x32xbf16>, vector<192x32xbf16>, vector<192x192xf32> -> vector<192x192xf32>
    %div3A_380 = arith.constant 5.65685415 : f32
    %div3A_381 = vector.broadcast %div3A_380 : f32 to vector<192x192xf32>
    %div3A_382 = arith.divf %dot_general3A_379, %div3A_381 : vector<192x192xf32>
    %add3A_383 = vector.broadcast %select_n3A : vector<1x192xf32> to vector<192x192xf32>
    %add3A_384 = arith.addf %div3A_382, %add3A_383 : vector<192x192xf32>
    %reduce_max3A_385 = arith.constant dense<0xFF800000> : vector<192xf32>
    %reduce_max3A_386 = vector.multi_reduction <maximumf>, %add3A_384, %reduce_max3A_385 [1] : vector<192x192xf32> to vector<192xf32>
    %broadcast_in_dim3A_387 = vector.shape_cast %reduce_max3A_386 : vector<192xf32> to vector<192x1xf32>
    %sub3A_388 = vector.broadcast %broadcast_in_dim3A_387 : vector<192x1xf32> to vector<192x192xf32>
    %sub3A_389 = arith.subf %add3A_384, %sub3A_388 : vector<192x192xf32>
    %exp3A_390 = math.exp %sub3A_389 : vector<192x192xf32>
    %reduce_sum3A_391 = arith.constant dense<0.000000e+00> : vector<192xf32>
    %reduce_sum3A_392 = vector.multi_reduction <add>, %exp3A_390, %reduce_sum3A_391 [1] : vector<192x192xf32> to vector<192xf32>
    %broadcast_in_dim3A_393 = vector.shape_cast %reduce_sum3A_392 : vector<192xf32> to vector<192x1xf32>
    %div3A_394 = vector.broadcast %broadcast_in_dim3A_393 : vector<192x1xf32> to vector<192x192xf32>
    %div3A_395 = arith.divf %exp3A_390, %div3A_394 : vector<192x192xf32>
    %convert_element_type3A_396 = arith.truncf %div3A_395 : vector<192x192xf32> to vector<192x192xbf16>
    %convert_element_type3A_397 = arith.truncf %slice3A_375 : vector<192x32xf32> to vector<192x32xbf16>
    %dot_general3A_398 = arith.constant dense<0.000000e+00> : vector<192x32xf32>
    %dot_general3A_399 = tpu.matmul %convert_element_type3A_396, %convert_element_type3A_397, %dot_general3A_398 {dimension_numbers = #tpu.dot_dimension_numbers<[1], [0], [0], [1], [0, 0, 1, 1], [], []>, transpose_lhs_hint = false} : vector<192x192xbf16>, vector<192x32xbf16>, vector<192x32xf32> -> vector<192x32xf32>
    %slice3A_400 = vector.extract_strided_slice %add3A_318 {offsets = [0, 96], sizes = [192, 32], strides = [1, 1]} : vector<192x384xf32> to vector<192x32xf32>
    %slice3A_401 = vector.extract_strided_slice %add3A_318 {offsets = [0, 224], sizes = [192, 32], strides = [1, 1]} : vector<192x384xf32> to vector<192x32xf32>
    %slice3A_402 = vector.extract_strided_slice %add3A_318 {offsets = [0, 352], sizes = [192, 32], strides = [1, 1]} : vector<192x384xf32> to vector<192x32xf32>
    %convert_element_type3A_403 = arith.truncf %slice3A_400 : vector<192x32xf32> to vector<192x32xbf16>
    %convert_element_type3A_404 = arith.truncf %slice3A_401 : vector<192x32xf32> to vector<192x32xbf16>
    %dot_general3A_405 = arith.constant dense<0.000000e+00> : vector<192x192xf32>
    %dot_general3A_406 = tpu.matmul %convert_element_type3A_403, %convert_element_type3A_404, %dot_general3A_405 {dimension_numbers = #tpu.dot_dimension_numbers<[1], [1], [0], [0], [0, 0, 1, 0], [], []>, transpose_lhs_hint = false} : vector<192x32xbf16>, vector<192x32xbf16>, vector<192x192xf32> -> vector<192x192xf32>
    %div3A_407 = arith.constant 5.65685415 : f32
    %div3A_408 = vector.broadcast %div3A_407 : f32 to vector<192x192xf32>
    %div3A_409 = arith.divf %dot_general3A_406, %div3A_408 : vector<192x192xf32>
    %add3A_410 = vector.broadcast %select_n3A : vector<1x192xf32> to vector<192x192xf32>
    %add3A_411 = arith.addf %div3A_409, %add3A_410 : vector<192x192xf32>
    %reduce_max3A_412 = arith.constant dense<0xFF800000> : vector<192xf32>
    %reduce_max3A_413 = vector.multi_reduction <maximumf>, %add3A_411, %reduce_max3A_412 [1] : vector<192x192xf32> to vector<192xf32>
    %broadcast_in_dim3A_414 = vector.shape_cast %reduce_max3A_413 : vector<192xf32> to vector<192x1xf32>
    %sub3A_415 = vector.broadcast %broadcast_in_dim3A_414 : vector<192x1xf32> to vector<192x192xf32>
    %sub3A_416 = arith.subf %add3A_411, %sub3A_415 : vector<192x192xf32>
    %exp3A_417 = math.exp %sub3A_416 : vector<192x192xf32>
    %reduce_sum3A_418 = arith.constant dense<0.000000e+00> : vector<192xf32>
    %reduce_sum3A_419 = vector.multi_reduction <add>, %exp3A_417, %reduce_sum3A_418 [1] : vector<192x192xf32> to vector<192xf32>
    %broadcast_in_dim3A_420 = vector.shape_cast %reduce_sum3A_419 : vector<192xf32> to vector<192x1xf32>
    %div3A_421 = vector.broadcast %broadcast_in_dim3A_420 : vector<192x1xf32> to vector<192x192xf32>
    %div3A_422 = arith.divf %exp3A_417, %div3A_421 : vector<192x192xf32>
    %convert_element_type3A_423 = arith.truncf %div3A_422 : vector<192x192xf32> to vector<192x192xbf16>
    %convert_element_type3A_424 = arith.truncf %slice3A_402 : vector<192x32xf32> to vector<192x32xbf16>
    %dot_general3A_425 = arith.constant dense<0.000000e+00> : vector<192x32xf32>
    %dot_general3A_426 = tpu.matmul %convert_element_type3A_423, %convert_element_type3A_424, %dot_general3A_425 {dimension_numbers = #tpu.dot_dimension_numbers<[1], [0], [0], [1], [0, 0, 1, 1], [], []>, transpose_lhs_hint = false} : vector<192x192xbf16>, vector<192x32xbf16>, vector<192x32xf32> -> vector<192x32xf32>
    %concatenate3A_427 = tpu.concatenate %dot_general3A_345, %dot_general3A_372, %dot_general3A_399, %dot_general3A_426 in 1 : vector<192x32xf32>, vector<192x32xf32>, vector<192x32xf32>, vector<192x32xf32> -> vector<192x128xf32>
    %get3A_428 = arith.constant 1 : index
    %get3A_429 = arith.constant 0 : index
    %get3A_430 = arith.constant 0 : index
    %get3A_431 = vector.load %arg8[%get3A_428, %get3A_429, %get3A_430] : memref<2x128x128xbf16, #tpu.memory_space<vmem>>, vector<1x128x128xbf16>
    %get3A_432 = vector.shape_cast %get3A_431 : vector<1x128x128xbf16> to vector<128x128xbf16>
    %convert_element_type3A_433 = arith.truncf %concatenate3A_427 : vector<192x128xf32> to vector<192x128xbf16>
    %dot_general3A_434 = arith.constant dense<0.000000e+00> : vector<192x128xf32>
    %dot_general3A_435 = tpu.matmul %convert_element_type3A_433, %get3A_432, %dot_general3A_434 {dimension_numbers = #tpu.dot_dimension_numbers<[1], [0], [0], [1], [0, 0, 1, 1], [], []>, transpose_lhs_hint = false} : vector<192x128xbf16>, vector<128x128xbf16>, vector<192x128xf32> -> vector<192x128xf32>
    %add3A_436 = arith.addf %add3A_266, %dot_general3A_435 : vector<192x128xf32>
    %get3A_437 = arith.constant 1 : index
    %get3A_438 = arith.constant 0 : index
    %get3A_439 = arith.constant 0 : index
    %get3A_440 = vector.load %arg9[%get3A_437, %get3A_438, %get3A_439] : memref<2x1x128xf32, #tpu.memory_space<vmem>>, vector<1x1x128xf32>
    %get3A_441 = vector.shape_cast %get3A_440 : vector<1x1x128xf32> to vector<1x128xf32>
    %add3A_442 = vector.broadcast %get3A_441 : vector<1x128xf32> to vector<192x128xf32>
    %add3A_443 = arith.addf %add3A_436, %add3A_442 : vector<192x128xf32>
    %get3A_444 = arith.constant 1 : index
    %get3A_445 = arith.constant 0 : index
    %get3A_446 = arith.constant 0 : index
    %get3A_447 = vector.load %arg12[%get3A_444, %get3A_445, %get3A_446] : memref<2x1x128xf32, #tpu.memory_space<vmem>>, vector<1x1x128xf32>
    %get3A_448 = vector.shape_cast %get3A_447 : vector<1x1x128xf32> to vector<1x128xf32>
    %get3A_449 = arith.constant 1 : index
    %get3A_450 = arith.constant 0 : index
    %get3A_451 = arith.constant 0 : index
    %get3A_452 = vector.load %arg13[%get3A_449, %get3A_450, %get3A_451] : memref<2x1x128xf32, #tpu.memory_space<vmem>>, vector<1x1x128xf32>
    %get3A_453 = vector.shape_cast %get3A_452 : vector<1x1x128xf32> to vector<1x128xf32>
    %reduce_sum3A_454 = arith.constant dense<0.000000e+00> : vector<192xf32>
    %reduce_sum3A_455 = vector.multi_reduction <add>, %add3A_443, %reduce_sum3A_454 [1] : vector<192x128xf32> to vector<192xf32>
    %broadcast_in_dim3A_456 = vector.shape_cast %reduce_sum3A_455 : vector<192xf32> to vector<192x1xf32>
    %div3A_457 = arith.constant 1.280000e+02 : f32
    %div3A_458 = vector.broadcast %div3A_457 : f32 to vector<192x1xf32>
    %div3A_459 = arith.divf %broadcast_in_dim3A_456, %div3A_458 : vector<192x1xf32>
    %sub3A_460 = vector.broadcast %div3A_459 : vector<192x1xf32> to vector<192x128xf32>
    %sub3A_461 = arith.subf %add3A_443, %sub3A_460 : vector<192x128xf32>
    %integer_pow3A_462 = arith.mulf %sub3A_461, %sub3A_461 : vector<192x128xf32>
    %reduce_sum3A_463 = arith.constant dense<0.000000e+00> : vector<192xf32>
    %reduce_sum3A_464 = vector.multi_reduction <add>, %integer_pow3A_462, %reduce_sum3A_463 [1] : vector<192x128xf32> to vector<192xf32>
    %broadcast_in_dim3A_465 = vector.shape_cast %reduce_sum3A_464 : vector<192xf32> to vector<192x1xf32>
    %div3A_466 = arith.constant 1.280000e+02 : f32
    %div3A_467 = vector.broadcast %div3A_466 : f32 to vector<192x1xf32>
    %div3A_468 = arith.divf %broadcast_in_dim3A_465, %div3A_467 : vector<192x1xf32>
    %sub3A_469 = vector.broadcast %div3A_459 : vector<192x1xf32> to vector<192x128xf32>
    %sub3A_470 = arith.subf %add3A_443, %sub3A_469 : vector<192x128xf32>
    %add3A_471 = arith.constant 9.99999974E-6 : f32
    %add3A_472 = vector.broadcast %add3A_471 : f32 to vector<192x1xf32>
    %add3A_473 = arith.addf %div3A_468, %add3A_472 : vector<192x1xf32>
    %rsqrt3A_474 = math.rsqrt %add3A_473 : vector<192x1xf32>
    %mul3A_475 = vector.broadcast %rsqrt3A_474 : vector<192x1xf32> to vector<192x128xf32>
    %mul3A_476 = arith.mulf %sub3A_470, %mul3A_475 : vector<192x128xf32>
    %mul3A_477 = vector.broadcast %get3A_448 : vector<1x128xf32> to vector<192x128xf32>
    %mul3A_478 = arith.mulf %mul3A_476, %mul3A_477 : vector<192x128xf32>
    %add3A_479 = vector.broadcast %get3A_453 : vector<1x128xf32> to vector<192x128xf32>
    %add3A_480 = arith.addf %mul3A_478, %add3A_479 : vector<192x128xf32>
    %get3A_481 = arith.constant 1 : index
    %get3A_482 = arith.constant 0 : index
    %get3A_483 = arith.constant 0 : index
    %get3A_484 = vector.load %arg14[%get3A_481, %get3A_482, %get3A_483] : memref<2x128x512xbf16, #tpu.memory_space<vmem>>, vector<1x128x512xbf16>
    %get3A_485 = vector.shape_cast %get3A_484 : vector<1x128x512xbf16> to vector<128x512xbf16>
    %convert_element_type3A_486 = arith.truncf %add3A_480 : vector<192x128xf32> to vector<192x128xbf16>
    %dot_general3A_487 = arith.constant dense<0.000000e+00> : vector<192x512xf32>
    %dot_general3A_488 = tpu.matmul %convert_element_type3A_486, %get3A_485, %dot_general3A_487 {dimension_numbers = #tpu.dot_dimension_numbers<[1], [0], [0], [1], [0, 0, 1, 1], [], []>, transpose_lhs_hint = false} : vector<192x128xbf16>, vector<128x512xbf16>, vector<192x512xf32> -> vector<192x512xf32>
    %get3A_489 = arith.constant 1 : index
    %get3A_490 = arith.constant 0 : index
    %get3A_491 = arith.constant 0 : index
    %get3A_492 = vector.load %arg15[%get3A_489, %get3A_490, %get3A_491] : memref<2x1x512xf32, #tpu.memory_space<vmem>>, vector<1x1x512xf32>
    %get3A_493 = vector.shape_cast %get3A_492 : vector<1x1x512xf32> to vector<1x512xf32>
    %add3A_494 = vector.broadcast %get3A_493 : vector<1x512xf32> to vector<192x512xf32>
    %add3A_495 = arith.addf %dot_general3A_488, %add3A_494 : vector<192x512xf32>
    %mul3A_496 = arith.constant 5.000000e-01 : f32
    %mul3A_497 = vector.broadcast %mul3A_496 : f32 to vector<192x512xf32>
    %mul3A_498 = arith.mulf %mul3A_497, %add3A_495 : vector<192x512xf32>
    %mul3A_499 = arith.constant 4.471500e-02 : f32
    %mul3A_500 = vector.broadcast %mul3A_499 : f32 to vector<192x512xf32>
    %mul3A_501 = arith.mulf %mul3A_500, %add3A_495 : vector<192x512xf32>
    %mul3A_502 = arith.mulf %mul3A_501, %add3A_495 : vector<192x512xf32>
    %mul3A_503 = arith.mulf %mul3A_502, %add3A_495 : vector<192x512xf32>
    %add3A_504 = arith.addf %add3A_495, %mul3A_503 : vector<192x512xf32>
    %mul3A_505 = arith.constant 0.797884583 : f32
    %mul3A_506 = vector.broadcast %mul3A_505 : f32 to vector<192x512xf32>
    %mul3A_507 = arith.mulf %mul3A_506, %add3A_504 : vector<192x512xf32>
    %tanh3A_508 = math.tanh %mul3A_507 : vector<192x512xf32>
    %add3A_509 = arith.constant 1.000000e+00 : f32
    %add3A_510 = vector.broadcast %add3A_509 : f32 to vector<192x512xf32>
    %add3A_511 = arith.addf %add3A_510, %tanh3A_508 : vector<192x512xf32>
    %mul3A_512 = arith.mulf %mul3A_498, %add3A_511 : vector<192x512xf32>
    %get3A_513 = arith.constant 1 : index
    %get3A_514 = arith.constant 0 : index
    %get3A_515 = arith.constant 0 : index
    %get3A_516 = vector.load %arg16[%get3A_513, %get3A_514, %get3A_515] : memref<2x512x128xbf16, #tpu.memory_space<vmem>>, vector<1x512x128xbf16>
    %get3A_517 = vector.shape_cast %get3A_516 : vector<1x512x128xbf16> to vector<512x128xbf16>
    %convert_element_type3A_518 = arith.truncf %mul3A_512 : vector<192x512xf32> to vector<192x512xbf16>
    %dot_general3A_519 = arith.constant dense<0.000000e+00> : vector<192x128xf32>
    %dot_general3A_520 = tpu.matmul %convert_element_type3A_518, %get3A_517, %dot_general3A_519 {dimension_numbers = #tpu.dot_dimension_numbers<[1], [0], [0], [1], [0, 0, 1, 1], [], []>, transpose_lhs_hint = false} : vector<192x512xbf16>, vector<512x128xbf16>, vector<192x128xf32> -> vector<192x128xf32>
    %add3A_521 = arith.addf %add3A_443, %dot_general3A_520 : vector<192x128xf32>
    %get3A_522 = arith.constant 1 : index
    %get3A_523 = arith.constant 0 : index
    %get3A_524 = arith.constant 0 : index
    %get3A_525 = vector.load %arg17[%get3A_522, %get3A_523, %get3A_524] : memref<2x1x128xf32, #tpu.memory_space<vmem>>, vector<1x1x128xf32>
    %get3A_526 = vector.shape_cast %get3A_525 : vector<1x1x128xf32> to vector<1x128xf32>
    %add3A_527 = vector.broadcast %get3A_526 : vector<1x128xf32> to vector<192x128xf32>
    %add3A_528 = arith.addf %add3A_521, %add3A_527 : vector<192x128xf32>
    %get3A_529 = arith.constant 0 : index
    %get3A_530 = arith.constant 0 : index
    %get3A_531 = vector.load %arg18[%get3A_529, %get3A_530] : memref<128x384xbf16, #tpu.memory_space<vmem>>, vector<128x384xbf16>
    %convert_element_type3A_532 = arith.truncf %add3A_528 : vector<192x128xf32> to vector<192x128xbf16>
    %dot_general3A_533 = arith.constant dense<0.000000e+00> : vector<192x384xf32>
    %dot_general3A_534 = tpu.matmul %convert_element_type3A_532, %get3A_531, %dot_general3A_533 {dimension_numbers = #tpu.dot_dimension_numbers<[1], [0], [0], [1], [0, 0, 1, 1], [], []>, transpose_lhs_hint = false} : vector<192x128xbf16>, vector<128x384xbf16>, vector<192x384xf32> -> vector<192x384xf32>
    %get3A_535 = arith.constant 0 : index
    %get3A_536 = arith.constant 0 : index
    %get3A_537 = vector.load %arg19[%get3A_535, %get3A_536] : memref<1x384xf32, #tpu.memory_space<vmem>>, vector<1x384xf32>
    %add3A_538 = vector.broadcast %get3A_537 : vector<1x384xf32> to vector<192x384xf32>
    %add3A_539 = arith.addf %dot_general3A_534, %add3A_538 : vector<192x384xf32>
    %get3A_540 = arith.constant 0 : index
    %get3A_541 = arith.constant 0 : index
    %get3A_542 = arith.constant 0 : index
    %get3A_543 = vector.load %arg3[%get3A_540, %get3A_541, %get3A_542] : memref<2x1x576xf32, #tpu.memory_space<vmem>>, vector<1x1x576xf32>
    %get3A_544 = vector.shape_cast %get3A_543 : vector<1x1x576xf32> to vector<1x576xf32>
    %convert_element_type3A_545 = arith.fptosi %get3A_544 : vector<1x576xf32> to vector<1x576xi32>
    %iota3A_546 = tpu.iota {dimensions = array<i32: 0>} : vector<192x576xi32>
    %eq3A = vector.broadcast %convert_element_type3A_545 : vector<1x576xi32> to vector<192x576xi32>
    %eq3A_547 = arith.cmpi eq, %iota3A_546, %eq3A : vector<192x576xi32>
    %lt3A = arith.constant 172 : i32
    %lt3A_548 = vector.broadcast %lt3A : i32 to vector<192x576xi32>
    %lt3A_549 = arith.cmpi slt, %iota3A_546, %lt3A_548 : vector<192x576xi32>
    %and3A = arith.andi %eq3A_547, %lt3A_549 : vector<192x576xi1>
    %convert_element_type3A_550 = arith.extui %and3A : vector<192x576xi1> to vector<192x576xi32>
    %convert_element_type3A_551 = arith.sitofp %convert_element_type3A_550 : vector<192x576xi32> to vector<192x576xf32>
    %dot_general3A_552 = arith.constant dense<0.000000e+00> : vector<576x384xf32>
    %dot_general3A_553 = tpu.matmul %convert_element_type3A_551, %add3A_539, %dot_general3A_552 {dimension_numbers = #tpu.dot_dimension_numbers<[0], [0], [1], [1], [0, 1, 1, 1], [], []>, precision = #tpu.contract_precision<fp32>, transpose_lhs_hint = false} : vector<192x576xf32>, vector<192x384xf32>, vector<576x384xf32> -> vector<576x384xf32>
    %transpose3A = tpu.transpose %get3A_544, [1, 0] : vector<1x576xf32> -> vector<576x1xf32>
    %lt3A_554 = arith.constant 1.720000e+02 : f32
    %lt3A_555 = vector.broadcast %lt3A_554 : f32 to vector<576x1xf32>
    %lt3A_556 = arith.cmpf olt, %transpose3A, %lt3A_555 : vector<576x1xf32>
    %get3A_557 = arith.constant 0 : index
    %get3A_558 = arith.constant 0 : index
    %get3A_559 = arith.constant 0 : index
    %get3A_560 = vector.load %arg2[%get3A_557, %get3A_558, %get3A_559] : memref<2x576x384xf32, #tpu.memory_space<vmem>>, vector<1x576x384xf32>
    %get3A_561 = vector.shape_cast %get3A_560 : vector<1x576x384xf32> to vector<576x384xf32>
    %broadcast_in_dim3A_562 = vector.shape_cast %lt3A_556 : vector<576x1xi1> to vector<576x1xi1>
    %broadcast_in_dim3A_563 = vector.broadcast %broadcast_in_dim3A_562 : vector<576x1xi1> to vector<576x384xi1>
    %select_n3A_564 = arith.select %broadcast_in_dim3A_563, %dot_general3A_553, %get3A_561 : vector<576x384xi1>, vector<576x384xf32>
    %swap3A = arith.constant 0 : index
    %swap3A_565 = arith.constant 0 : index
    %swap3A_566 = arith.constant 0 : index
    %swap3A_567 = vector.load %arg20[%swap3A, %swap3A_565, %swap3A_566] : memref<2x576x384xf32, #tpu.memory_space<vmem>>, vector<1x576x384xf32>
    %swap3A_568 = vector.shape_cast %swap3A_567 : vector<1x576x384xf32> to vector<576x384xf32>
    %swap3A_569 = vector.shape_cast %select_n3A_564 : vector<576x384xf32> to vector<1x576x384xf32>
    tpu.vector_store %arg20[%swap3A, %swap3A_565, %swap3A_566], %swap3A_569 {strides = array<i32>} : memref<2x576x384xf32, #tpu.memory_space<vmem>>, vector<1x576x384xf32>,
    %get3A_570 = arith.constant 1 : index
    %get3A_571 = arith.constant 0 : index
    %get3A_572 = arith.constant 0 : index
    %get3A_573 = vector.load %arg1[%get3A_570, %get3A_571, %get3A_572] : memref<2x192x384xf32, #tpu.memory_space<vmem>>, vector<1x192x384xf32>
    %get3A_574 = vector.shape_cast %get3A_573 : vector<1x192x384xf32> to vector<192x384xf32>
    %get3A_575 = arith.constant 0 : index
    %get3A_576 = arith.constant 0 : index
    %get3A_577 = vector.load %arg4[%get3A_575, %get3A_576] : memref<384x128xbf16, #tpu.memory_space<vmem>>, vector<384x128xbf16>
    %convert_element_type3A_578 = arith.truncf %get3A_574 : vector<192x384xf32> to vector<192x384xbf16>
    %dot_general3A_579 = arith.constant dense<0.000000e+00> : vector<192x128xf32>
    %dot_general3A_580 = tpu.matmul %convert_element_type3A_578, %get3A_577, %dot_general3A_579 {dimension_numbers = #tpu.dot_dimension_numbers<[1], [0], [0], [1], [0, 0, 1, 1], [], []>, transpose_lhs_hint = false} : vector<192x384xbf16>, vector<384x128xbf16>, vector<192x128xf32> -> vector<192x128xf32>
    %get3A_581 = arith.constant 0 : index
    %get3A_582 = arith.constant 0 : index
    %get3A_583 = vector.load %arg5[%get3A_581, %get3A_582] : memref<1x128xf32, #tpu.memory_space<vmem>>, vector<1x128xf32>
    %add3A_584 = vector.broadcast %get3A_583 : vector<1x128xf32> to vector<192x128xf32>
    %add3A_585 = arith.addf %dot_general3A_580, %add3A_584 : vector<192x128xf32>
    %get3A_586 = arith.constant 0 : index
    %get3A_587 = arith.constant 0 : index
    %get3A_588 = arith.constant 0 : index
    %get3A_589 = vector.load %arg10[%get3A_586, %get3A_587, %get3A_588] : memref<2x1x128xf32, #tpu.memory_space<vmem>>, vector<1x1x128xf32>
    %get3A_590 = vector.shape_cast %get3A_589 : vector<1x1x128xf32> to vector<1x128xf32>
    %get3A_591 = arith.constant 0 : index
    %get3A_592 = arith.constant 0 : index
    %get3A_593 = arith.constant 0 : index
    %get3A_594 = vector.load %arg11[%get3A_591, %get3A_592, %get3A_593] : memref<2x1x128xf32, #tpu.memory_space<vmem>>, vector<1x1x128xf32>
    %get3A_595 = vector.shape_cast %get3A_594 : vector<1x1x128xf32> to vector<1x128xf32>
    %reduce_sum3A_596 = arith.constant dense<0.000000e+00> : vector<192xf32>
    %reduce_sum3A_597 = vector.multi_reduction <add>, %add3A_585, %reduce_sum3A_596 [1] : vector<192x128xf32> to vector<192xf32>
    %broadcast_in_dim3A_598 = vector.shape_cast %reduce_sum3A_597 : vector<192xf32> to vector<192x1xf32>
    %div3A_599 = arith.constant 1.280000e+02 : f32
    %div3A_600 = vector.broadcast %div3A_599 : f32 to vector<192x1xf32>
    %div3A_601 = arith.divf %broadcast_in_dim3A_598, %div3A_600 : vector<192x1xf32>
    %sub3A_602 = vector.broadcast %div3A_601 : vector<192x1xf32> to vector<192x128xf32>
    %sub3A_603 = arith.subf %add3A_585, %sub3A_602 : vector<192x128xf32>
    %integer_pow3A_604 = arith.mulf %sub3A_603, %sub3A_603 : vector<192x128xf32>
    %reduce_sum3A_605 = arith.constant dense<0.000000e+00> : vector<192xf32>
    %reduce_sum3A_606 = vector.multi_reduction <add>, %integer_pow3A_604, %reduce_sum3A_605 [1] : vector<192x128xf32> to vector<192xf32>
    %broadcast_in_dim3A_607 = vector.shape_cast %reduce_sum3A_606 : vector<192xf32> to vector<192x1xf32>
    %div3A_608 = arith.constant 1.280000e+02 : f32
    %div3A_609 = vector.broadcast %div3A_608 : f32 to vector<192x1xf32>
    %div3A_610 = arith.divf %broadcast_in_dim3A_607, %div3A_609 : vector<192x1xf32>
    %sub3A_611 = vector.broadcast %div3A_601 : vector<192x1xf32> to vector<192x128xf32>
    %sub3A_612 = arith.subf %add3A_585, %sub3A_611 : vector<192x128xf32>
    %add3A_613 = arith.constant 9.99999974E-6 : f32
    %add3A_614 = vector.broadcast %add3A_613 : f32 to vector<192x1xf32>
    %add3A_615 = arith.addf %div3A_610, %add3A_614 : vector<192x1xf32>
    %rsqrt3A_616 = math.rsqrt %add3A_615 : vector<192x1xf32>
    %mul3A_617 = vector.broadcast %rsqrt3A_616 : vector<192x1xf32> to vector<192x128xf32>
    %mul3A_618 = arith.mulf %sub3A_612, %mul3A_617 : vector<192x128xf32>
    %mul3A_619 = vector.broadcast %get3A_590 : vector<1x128xf32> to vector<192x128xf32>
    %mul3A_620 = arith.mulf %mul3A_618, %mul3A_619 : vector<192x128xf32>
    %add3A_621 = vector.broadcast %get3A_595 : vector<1x128xf32> to vector<192x128xf32>
    %add3A_622 = arith.addf %mul3A_620, %add3A_621 : vector<192x128xf32>
    %get3A_623 = arith.constant 0 : index
    %get3A_624 = arith.constant 0 : index
    %get3A_625 = arith.constant 0 : index
    %get3A_626 = vector.load %arg6[%get3A_623, %get3A_624, %get3A_625] : memref<2x128x384xbf16, #tpu.memory_space<vmem>>, vector<1x128x384xbf16>
    %get3A_627 = vector.shape_cast %get3A_626 : vector<1x128x384xbf16> to vector<128x384xbf16>
    %convert_element_type3A_628 = arith.truncf %add3A_622 : vector<192x128xf32> to vector<192x128xbf16>
    %dot_general3A_629 = arith.constant dense<0.000000e+00> : vector<192x384xf32>
    %dot_general3A_630 = tpu.matmul %convert_element_type3A_628, %get3A_627, %dot_general3A_629 {dimension_numbers = #tpu.dot_dimension_numbers<[1], [0], [0], [1], [0, 0, 1, 1], [], []>, transpose_lhs_hint = false} : vector<192x128xbf16>, vector<128x384xbf16>, vector<192x384xf32> -> vector<192x384xf32>
    %get3A_631 = arith.constant 0 : index
    %get3A_632 = arith.constant 0 : index
    %get3A_633 = arith.constant 0 : index
    %get3A_634 = vector.load %arg7[%get3A_631, %get3A_632, %get3A_633] : memref<2x1x384xf32, #tpu.memory_space<vmem>>, vector<1x1x384xf32>
    %get3A_635 = vector.shape_cast %get3A_634 : vector<1x1x384xf32> to vector<1x384xf32>
    %add3A_636 = vector.broadcast %get3A_635 : vector<1x384xf32> to vector<192x384xf32>
    %add3A_637 = arith.addf %dot_general3A_630, %add3A_636 : vector<192x384xf32>
    %slice3A_638 = vector.extract_strided_slice %add3A_637 {offsets = [0, 0], sizes = [192, 32], strides = [1, 1]} : vector<192x384xf32> to vector<192x32xf32>
    %slice3A_639 = vector.extract_strided_slice %add3A_637 {offsets = [0, 128], sizes = [192, 32], strides = [1, 1]} : vector<192x384xf32> to vector<192x32xf32>
    %slice3A_640 = vector.extract_strided_slice %add3A_637 {offsets = [0, 256], sizes = [192, 32], strides = [1, 1]} : vector<192x384xf32> to vector<192x32xf32>
    %convert_element_type3A_641 = arith.truncf %slice3A_638 : vector<192x32xf32> to vector<192x32xbf16>
    %convert_element_type3A_642 = arith.truncf %slice3A_639 : vector<192x32xf32> to vector<192x32xbf16>
    %dot_general3A_643 = arith.constant dense<0.000000e+00> : vector<192x192xf32>
    %dot_general3A_644 = tpu.matmul %convert_element_type3A_641, %convert_element_type3A_642, %dot_general3A_643 {dimension_numbers = #tpu.dot_dimension_numbers<[1], [1], [0], [0], [0, 0, 1, 0], [], []>, transpose_lhs_hint = false} : vector<192x32xbf16>, vector<192x32xbf16>, vector<192x192xf32> -> vector<192x192xf32>
    %div3A_645 = arith.constant 5.65685415 : f32
    %div3A_646 = vector.broadcast %div3A_645 : f32 to vector<192x192xf32>
    %div3A_647 = arith.divf %dot_general3A_644, %div3A_646 : vector<192x192xf32>
    %add3A_648 = vector.broadcast %select_n3A : vector<1x192xf32> to vector<192x192xf32>
    %add3A_649 = arith.addf %div3A_647, %add3A_648 : vector<192x192xf32>
    %reduce_max3A_650 = arith.constant dense<0xFF800000> : vector<192xf32>
    %reduce_max3A_651 = vector.multi_reduction <maximumf>, %add3A_649, %reduce_max3A_650 [1] : vector<192x192xf32> to vector<192xf32>
    %broadcast_in_dim3A_652 = vector.shape_cast %reduce_max3A_651 : vector<192xf32> to vector<192x1xf32>
    %sub3A_653 = vector.broadcast %broadcast_in_dim3A_652 : vector<192x1xf32> to vector<192x192xf32>
    %sub3A_654 = arith.subf %add3A_649, %sub3A_653 : vector<192x192xf32>
    %exp3A_655 = math.exp %sub3A_654 : vector<192x192xf32>
    %reduce_sum3A_656 = arith.constant dense<0.000000e+00> : vector<192xf32>
    %reduce_sum3A_657 = vector.multi_reduction <add>, %exp3A_655, %reduce_sum3A_656 [1] : vector<192x192xf32> to vector<192xf32>
    %broadcast_in_dim3A_658 = vector.shape_cast %reduce_sum3A_657 : vector<192xf32> to vector<192x1xf32>
    %div3A_659 = vector.broadcast %broadcast_in_dim3A_658 : vector<192x1xf32> to vector<192x192xf32>
    %div3A_660 = arith.divf %exp3A_655, %div3A_659 : vector<192x192xf32>
    %convert_element_type3A_661 = arith.truncf %div3A_660 : vector<192x192xf32> to vector<192x192xbf16>
    %convert_element_type3A_662 = arith.truncf %slice3A_640 : vector<192x32xf32> to vector<192x32xbf16>
    %dot_general3A_663 = arith.constant dense<0.000000e+00> : vector<192x32xf32>
    %dot_general3A_664 = tpu.matmul %convert_element_type3A_661, %convert_element_type3A_662, %dot_general3A_663 {dimension_numbers = #tpu.dot_dimension_numbers<[1], [0], [0], [1], [0, 0, 1, 1], [], []>, transpose_lhs_hint = false} : vector<192x192xbf16>, vector<192x32xbf16>, vector<192x32xf32> -> vector<192x32xf32>
    %slice3A_665 = vector.extract_strided_slice %add3A_637 {offsets = [0, 32], sizes = [192, 32], strides = [1, 1]} : vector<192x384xf32> to vector<192x32xf32>
    %slice3A_666 = vector.extract_strided_slice %add3A_637 {offsets = [0, 160], sizes = [192, 32], strides = [1, 1]} : vector<192x384xf32> to vector<192x32xf32>
    %slice3A_667 = vector.extract_strided_slice %add3A_637 {offsets = [0, 288], sizes = [192, 32], strides = [1, 1]} : vector<192x384xf32> to vector<192x32xf32>
    %convert_element_type3A_668 = arith.truncf %slice3A_665 : vector<192x32xf32> to vector<192x32xbf16>
    %convert_element_type3A_669 = arith.truncf %slice3A_666 : vector<192x32xf32> to vector<192x32xbf16>
    %dot_general3A_670 = arith.constant dense<0.000000e+00> : vector<192x192xf32>
    %dot_general3A_671 = tpu.matmul %convert_element_type3A_668, %convert_element_type3A_669, %dot_general3A_670 {dimension_numbers = #tpu.dot_dimension_numbers<[1], [1], [0], [0], [0, 0, 1, 0], [], []>, transpose_lhs_hint = false} : vector<192x32xbf16>, vector<192x32xbf16>, vector<192x192xf32> -> vector<192x192xf32>
    %div3A_672 = arith.constant 5.65685415 : f32
    %div3A_673 = vector.broadcast %div3A_672 : f32 to vector<192x192xf32>
    %div3A_674 = arith.divf %dot_general3A_671, %div3A_673 : vector<192x192xf32>
    %add3A_675 = vector.broadcast %select_n3A : vector<1x192xf32> to vector<192x192xf32>
    %add3A_676 = arith.addf %div3A_674, %add3A_675 : vector<192x192xf32>
    %reduce_max3A_677 = arith.constant dense<0xFF800000> : vector<192xf32>
    %reduce_max3A_678 = vector.multi_reduction <maximumf>, %add3A_676, %reduce_max3A_677 [1] : vector<192x192xf32> to vector<192xf32>
    %broadcast_in_dim3A_679 = vector.shape_cast %reduce_max3A_678 : vector<192xf32> to vector<192x1xf32>
    %sub3A_680 = vector.broadcast %broadcast_in_dim3A_679 : vector<192x1xf32> to vector<192x192xf32>
    %sub3A_681 = arith.subf %add3A_676, %sub3A_680 : vector<192x192xf32>
    %exp3A_682 = math.exp %sub3A_681 : vector<192x192xf32>
    %reduce_sum3A_683 = arith.constant dense<0.000000e+00> : vector<192xf32>
    %reduce_sum3A_684 = vector.multi_reduction <add>, %exp3A_682, %reduce_sum3A_683 [1] : vector<192x192xf32> to vector<192xf32>
    %broadcast_in_dim3A_685 = vector.shape_cast %reduce_sum3A_684 : vector<192xf32> to vector<192x1xf32>
    %div3A_686 = vector.broadcast %broadcast_in_dim3A_685 : vector<192x1xf32> to vector<192x192xf32>
    %div3A_687 = arith.divf %exp3A_682, %div3A_686 : vector<192x192xf32>
    %convert_element_type3A_688 = arith.truncf %div3A_687 : vector<192x192xf32> to vector<192x192xbf16>
    %convert_element_type3A_689 = arith.truncf %slice3A_667 : vector<192x32xf32> to vector<192x32xbf16>
    %dot_general3A_690 = arith.constant dense<0.000000e+00> : vector<192x32xf32>
    %dot_general3A_691 = tpu.matmul %convert_element_type3A_688, %convert_element_type3A_689, %dot_general3A_690 {dimension_numbers = #tpu.dot_dimension_numbers<[1], [0], [0], [1], [0, 0, 1, 1], [], []>, transpose_lhs_hint = false} : vector<192x192xbf16>, vector<192x32xbf16>, vector<192x32xf32> -> vector<192x32xf32>
    %slice3A_692 = vector.extract_strided_slice %add3A_637 {offsets = [0, 64], sizes = [192, 32], strides = [1, 1]} : vector<192x384xf32> to vector<192x32xf32>
    %slice3A_693 = vector.extract_strided_slice %add3A_637 {offsets = [0, 192], sizes = [192, 32], strides = [1, 1]} : vector<192x384xf32> to vector<192x32xf32>
    %slice3A_694 = vector.extract_strided_slice %add3A_637 {offsets = [0, 320], sizes = [192, 32], strides = [1, 1]} : vector<192x384xf32> to vector<192x32xf32>
    %convert_element_type3A_695 = arith.truncf %slice3A_692 : vector<192x32xf32> to vector<192x32xbf16>
    %convert_element_type3A_696 = arith.truncf %slice3A_693 : vector<192x32xf32> to vector<192x32xbf16>
    %dot_general3A_697 = arith.constant dense<0.000000e+00> : vector<192x192xf32>
    %dot_general3A_698 = tpu.matmul %convert_element_type3A_695, %convert_element_type3A_696, %dot_general3A_697 {dimension_numbers = #tpu.dot_dimension_numbers<[1], [1], [0], [0], [0, 0, 1, 0], [], []>, transpose_lhs_hint = false} : vector<192x32xbf16>, vector<192x32xbf16>, vector<192x192xf32> -> vector<192x192xf32>
    %div3A_699 = arith.constant 5.65685415 : f32
    %div3A_700 = vector.broadcast %div3A_699 : f32 to vector<192x192xf32>
    %div3A_701 = arith.divf %dot_general3A_698, %div3A_700 : vector<192x192xf32>
    %add3A_702 = vector.broadcast %select_n3A : vector<1x192xf32> to vector<192x192xf32>
    %add3A_703 = arith.addf %div3A_701, %add3A_702 : vector<192x192xf32>
    %reduce_max3A_704 = arith.constant dense<0xFF800000> : vector<192xf32>
    %reduce_max3A_705 = vector.multi_reduction <maximumf>, %add3A_703, %reduce_max3A_704 [1] : vector<192x192xf32> to vector<192xf32>
    %broadcast_in_dim3A_706 = vector.shape_cast %reduce_max3A_705 : vector<192xf32> to vector<192x1xf32>
    %sub3A_707 = vector.broadcast %broadcast_in_dim3A_706 : vector<192x1xf32> to vector<192x192xf32>
    %sub3A_708 = arith.subf %add3A_703, %sub3A_707 : vector<192x192xf32>
    %exp3A_709 = math.exp %sub3A_708 : vector<192x192xf32>
    %reduce_sum3A_710 = arith.constant dense<0.000000e+00> : vector<192xf32>
    %reduce_sum3A_711 = vector.multi_reduction <add>, %exp3A_709, %reduce_sum3A_710 [1] : vector<192x192xf32> to vector<192xf32>
    %broadcast_in_dim3A_712 = vector.shape_cast %reduce_sum3A_711 : vector<192xf32> to vector<192x1xf32>
    %div3A_713 = vector.broadcast %broadcast_in_dim3A_712 : vector<192x1xf32> to vector<192x192xf32>
    %div3A_714 = arith.divf %exp3A_709, %div3A_713 : vector<192x192xf32>
    %convert_element_type3A_715 = arith.truncf %div3A_714 : vector<192x192xf32> to vector<192x192xbf16>
    %convert_element_type3A_716 = arith.truncf %slice3A_694 : vector<192x32xf32> to vector<192x32xbf16>
    %dot_general3A_717 = arith.constant dense<0.000000e+00> : vector<192x32xf32>
    %dot_general3A_718 = tpu.matmul %convert_element_type3A_715, %convert_element_type3A_716, %dot_general3A_717 {dimension_numbers = #tpu.dot_dimension_numbers<[1], [0], [0], [1], [0, 0, 1, 1], [], []>, transpose_lhs_hint = false} : vector<192x192xbf16>, vector<192x32xbf16>, vector<192x32xf32> -> vector<192x32xf32>
    %slice3A_719 = vector.extract_strided_slice %add3A_637 {offsets = [0, 96], sizes = [192, 32], strides = [1, 1]} : vector<192x384xf32> to vector<192x32xf32>
    %slice3A_720 = vector.extract_strided_slice %add3A_637 {offsets = [0, 224], sizes = [192, 32], strides = [1, 1]} : vector<192x384xf32> to vector<192x32xf32>
    %slice3A_721 = vector.extract_strided_slice %add3A_637 {offsets = [0, 352], sizes = [192, 32], strides = [1, 1]} : vector<192x384xf32> to vector<192x32xf32>
    %convert_element_type3A_722 = arith.truncf %slice3A_719 : vector<192x32xf32> to vector<192x32xbf16>
    %convert_element_type3A_723 = arith.truncf %slice3A_720 : vector<192x32xf32> to vector<192x32xbf16>
    %dot_general3A_724 = arith.constant dense<0.000000e+00> : vector<192x192xf32>
    %dot_general3A_725 = tpu.matmul %convert_element_type3A_722, %convert_element_type3A_723, %dot_general3A_724 {dimension_numbers = #tpu.dot_dimension_numbers<[1], [1], [0], [0], [0, 0, 1, 0], [], []>, transpose_lhs_hint = false} : vector<192x32xbf16>, vector<192x32xbf16>, vector<192x192xf32> -> vector<192x192xf32>
    %div3A_726 = arith.constant 5.65685415 : f32
    %div3A_727 = vector.broadcast %div3A_726 : f32 to vector<192x192xf32>
    %div3A_728 = arith.divf %dot_general3A_725, %div3A_727 : vector<192x192xf32>
    %add3A_729 = vector.broadcast %select_n3A : vector<1x192xf32> to vector<192x192xf32>
    %add3A_730 = arith.addf %div3A_728, %add3A_729 : vector<192x192xf32>
    %reduce_max3A_731 = arith.constant dense<0xFF800000> : vector<192xf32>
    %reduce_max3A_732 = vector.multi_reduction <maximumf>, %add3A_730, %reduce_max3A_731 [1] : vector<192x192xf32> to vector<192xf32>
    %broadcast_in_dim3A_733 = vector.shape_cast %reduce_max3A_732 : vector<192xf32> to vector<192x1xf32>
    %sub3A_734 = vector.broadcast %broadcast_in_dim3A_733 : vector<192x1xf32> to vector<192x192xf32>
    %sub3A_735 = arith.subf %add3A_730, %sub3A_734 : vector<192x192xf32>
    %exp3A_736 = math.exp %sub3A_735 : vector<192x192xf32>
    %reduce_sum3A_737 = arith.constant dense<0.000000e+00> : vector<192xf32>
    %reduce_sum3A_738 = vector.multi_reduction <add>, %exp3A_736, %reduce_sum3A_737 [1] : vector<192x192xf32> to vector<192xf32>
    %broadcast_in_dim3A_739 = vector.shape_cast %reduce_sum3A_738 : vector<192xf32> to vector<192x1xf32>
    %div3A_740 = vector.broadcast %broadcast_in_dim3A_739 : vector<192x1xf32> to vector<192x192xf32>
    %div3A_741 = arith.divf %exp3A_736, %div3A_740 : vector<192x192xf32>
    %convert_element_type3A_742 = arith.truncf %div3A_741 : vector<192x192xf32> to vector<192x192xbf16>
    %convert_element_type3A_743 = arith.truncf %slice3A_721 : vector<192x32xf32> to vector<192x32xbf16>
    %dot_general3A_744 = arith.constant dense<0.000000e+00> : vector<192x32xf32>
    %dot_general3A_745 = tpu.matmul %convert_element_type3A_742, %convert_element_type3A_743, %dot_general3A_744 {dimension_numbers = #tpu.dot_dimension_numbers<[1], [0], [0], [1], [0, 0, 1, 1], [], []>, transpose_lhs_hint = false} : vector<192x192xbf16>, vector<192x32xbf16>, vector<192x32xf32> -> vector<192x32xf32>
    %concatenate3A_746 = tpu.concatenate %dot_general3A_664, %dot_general3A_691, %dot_general3A_718, %dot_general3A_745 in 1 : vector<192x32xf32>, vector<192x32xf32>, vector<192x32xf32>, vector<192x32xf32> -> vector<192x128xf32>
    %get3A_747 = arith.constant 0 : index
    %get3A_748 = arith.constant 0 : index
    %get3A_749 = arith.constant 0 : index
    %get3A_750 = vector.load %arg8[%get3A_747, %get3A_748, %get3A_749] : memref<2x128x128xbf16, #tpu.memory_space<vmem>>, vector<1x128x128xbf16>
    %get3A_751 = vector.shape_cast %get3A_750 : vector<1x128x128xbf16> to vector<128x128xbf16>
    %convert_element_type3A_752 = arith.truncf %concatenate3A_746 : vector<192x128xf32> to vector<192x128xbf16>
    %dot_general3A_753 = arith.constant dense<0.000000e+00> : vector<192x128xf32>
    %dot_general3A_754 = tpu.matmul %convert_element_type3A_752, %get3A_751, %dot_general3A_753 {dimension_numbers = #tpu.dot_dimension_numbers<[1], [0], [0], [1], [0, 0, 1, 1], [], []>, transpose_lhs_hint = false} : vector<192x128xbf16>, vector<128x128xbf16>, vector<192x128xf32> -> vector<192x128xf32>
    %add3A_755 = arith.addf %add3A_585, %dot_general3A_754 : vector<192x128xf32>
    %get3A_756 = arith.constant 0 : index
    %get3A_757 = arith.constant 0 : index
    %get3A_758 = arith.constant 0 : index
    %get3A_759 = vector.load %arg9[%get3A_756, %get3A_757, %get3A_758] : memref<2x1x128xf32, #tpu.memory_space<vmem>>, vector<1x1x128xf32>
    %get3A_760 = vector.shape_cast %get3A_759 : vector<1x1x128xf32> to vector<1x128xf32>
    %add3A_761 = vector.broadcast %get3A_760 : vector<1x128xf32> to vector<192x128xf32>
    %add3A_762 = arith.addf %add3A_755, %add3A_761 : vector<192x128xf32>
    %get3A_763 = arith.constant 0 : index
    %get3A_764 = arith.constant 0 : index
    %get3A_765 = arith.constant 0 : index
    %get3A_766 = vector.load %arg12[%get3A_763, %get3A_764, %get3A_765] : memref<2x1x128xf32, #tpu.memory_space<vmem>>, vector<1x1x128xf32>
    %get3A_767 = vector.shape_cast %get3A_766 : vector<1x1x128xf32> to vector<1x128xf32>
    %get3A_768 = arith.constant 0 : index
    %get3A_769 = arith.constant 0 : index
    %get3A_770 = arith.constant 0 : index
    %get3A_771 = vector.load %arg13[%get3A_768, %get3A_769, %get3A_770] : memref<2x1x128xf32, #tpu.memory_space<vmem>>, vector<1x1x128xf32>
    %get3A_772 = vector.shape_cast %get3A_771 : vector<1x1x128xf32> to vector<1x128xf32>
    %reduce_sum3A_773 = arith.constant dense<0.000000e+00> : vector<192xf32>
    %reduce_sum3A_774 = vector.multi_reduction <add>, %add3A_762, %reduce_sum3A_773 [1] : vector<192x128xf32> to vector<192xf32>
    %broadcast_in_dim3A_775 = vector.shape_cast %reduce_sum3A_774 : vector<192xf32> to vector<192x1xf32>
    %div3A_776 = arith.constant 1.280000e+02 : f32
    %div3A_777 = vector.broadcast %div3A_776 : f32 to vector<192x1xf32>
    %div3A_778 = arith.divf %broadcast_in_dim3A_775, %div3A_777 : vector<192x1xf32>
    %sub3A_779 = vector.broadcast %div3A_778 : vector<192x1xf32> to vector<192x128xf32>
    %sub3A_780 = arith.subf %add3A_762, %sub3A_779 : vector<192x128xf32>
    %integer_pow3A_781 = arith.mulf %sub3A_780, %sub3A_780 : vector<192x128xf32>
    %reduce_sum3A_782 = arith.constant dense<0.000000e+00> : vector<192xf32>
    %reduce_sum3A_783 = vector.multi_reduction <add>, %integer_pow3A_781, %reduce_sum3A_782 [1] : vector<192x128xf32> to vector<192xf32>
    %broadcast_in_dim3A_784 = vector.shape_cast %reduce_sum3A_783 : vector<192xf32> to vector<192x1xf32>
    %div3A_785 = arith.constant 1.280000e+02 : f32
    %div3A_786 = vector.broadcast %div3A_785 : f32 to vector<192x1xf32>
    %div3A_787 = arith.divf %broadcast_in_dim3A_784, %div3A_786 : vector<192x1xf32>
    %sub3A_788 = vector.broadcast %div3A_778 : vector<192x1xf32> to vector<192x128xf32>
    %sub3A_789 = arith.subf %add3A_762, %sub3A_788 : vector<192x128xf32>
    %add3A_790 = arith.constant 9.99999974E-6 : f32
    %add3A_791 = vector.broadcast %add3A_790 : f32 to vector<192x1xf32>
    %add3A_792 = arith.addf %div3A_787, %add3A_791 : vector<192x1xf32>
    %rsqrt3A_793 = math.rsqrt %add3A_792 : vector<192x1xf32>
    %mul3A_794 = vector.broadcast %rsqrt3A_793 : vector<192x1xf32> to vector<192x128xf32>
    %mul3A_795 = arith.mulf %sub3A_789, %mul3A_794 : vector<192x128xf32>
    %mul3A_796 = vector.broadcast %get3A_767 : vector<1x128xf32> to vector<192x128xf32>
    %mul3A_797 = arith.mulf %mul3A_795, %mul3A_796 : vector<192x128xf32>
    %add3A_798 = vector.broadcast %get3A_772 : vector<1x128xf32> to vector<192x128xf32>
    %add3A_799 = arith.addf %mul3A_797, %add3A_798 : vector<192x128xf32>
    %get3A_800 = arith.constant 0 : index
    %get3A_801 = arith.constant 0 : index
    %get3A_802 = arith.constant 0 : index
    %get3A_803 = vector.load %arg14[%get3A_800, %get3A_801, %get3A_802] : memref<2x128x512xbf16, #tpu.memory_space<vmem>>, vector<1x128x512xbf16>
    %get3A_804 = vector.shape_cast %get3A_803 : vector<1x128x512xbf16> to vector<128x512xbf16>
    %convert_element_type3A_805 = arith.truncf %add3A_799 : vector<192x128xf32> to vector<192x128xbf16>
    %dot_general3A_806 = arith.constant dense<0.000000e+00> : vector<192x512xf32>
    %dot_general3A_807 = tpu.matmul %convert_element_type3A_805, %get3A_804, %dot_general3A_806 {dimension_numbers = #tpu.dot_dimension_numbers<[1], [0], [0], [1], [0, 0, 1, 1], [], []>, transpose_lhs_hint = false} : vector<192x128xbf16>, vector<128x512xbf16>, vector<192x512xf32> -> vector<192x512xf32>
    %get3A_808 = arith.constant 0 : index
    %get3A_809 = arith.constant 0 : index
    %get3A_810 = arith.constant 0 : index
    %get3A_811 = vector.load %arg15[%get3A_808, %get3A_809, %get3A_810] : memref<2x1x512xf32, #tpu.memory_space<vmem>>, vector<1x1x512xf32>
    %get3A_812 = vector.shape_cast %get3A_811 : vector<1x1x512xf32> to vector<1x512xf32>
    %add3A_813 = vector.broadcast %get3A_812 : vector<1x512xf32> to vector<192x512xf32>
    %add3A_814 = arith.addf %dot_general3A_807, %add3A_813 : vector<192x512xf32>
    %mul3A_815 = arith.constant 5.000000e-01 : f32
    %mul3A_816 = vector.broadcast %mul3A_815 : f32 to vector<192x512xf32>
    %mul3A_817 = arith.mulf %mul3A_816, %add3A_814 : vector<192x512xf32>
    %mul3A_818 = arith.constant 4.471500e-02 : f32
    %mul3A_819 = vector.broadcast %mul3A_818 : f32 to vector<192x512xf32>
    %mul3A_820 = arith.mulf %mul3A_819, %add3A_814 : vector<192x512xf32>
    %mul3A_821 = arith.mulf %mul3A_820, %add3A_814 : vector<192x512xf32>
    %mul3A_822 = arith.mulf %mul3A_821, %add3A_814 : vector<192x512xf32>
    %add3A_823 = arith.addf %add3A_814, %mul3A_822 : vector<192x512xf32>
    %mul3A_824 = arith.constant 0.797884583 : f32
    %mul3A_825 = vector.broadcast %mul3A_824 : f32 to vector<192x512xf32>
    %mul3A_826 = arith.mulf %mul3A_825, %add3A_823 : vector<192x512xf32>
    %tanh3A_827 = math.tanh %mul3A_826 : vector<192x512xf32>
    %add3A_828 = arith.constant 1.000000e+00 : f32
    %add3A_829 = vector.broadcast %add3A_828 : f32 to vector<192x512xf32>
    %add3A_830 = arith.addf %add3A_829, %tanh3A_827 : vector<192x512xf32>
    %mul3A_831 = arith.mulf %mul3A_817, %add3A_830 : vector<192x512xf32>
    %get3A_832 = arith.constant 0 : index
    %get3A_833 = arith.constant 0 : index
    %get3A_834 = arith.constant 0 : index
    %get3A_835 = vector.load %arg16[%get3A_832, %get3A_833, %get3A_834] : memref<2x512x128xbf16, #tpu.memory_space<vmem>>, vector<1x512x128xbf16>
    %get3A_836 = vector.shape_cast %get3A_835 : vector<1x512x128xbf16> to vector<512x128xbf16>
    %convert_element_type3A_837 = arith.truncf %mul3A_831 : vector<192x512xf32> to vector<192x512xbf16>
    %dot_general3A_838 = arith.constant dense<0.000000e+00> : vector<192x128xf32>
    %dot_general3A_839 = tpu.matmul %convert_element_type3A_837, %get3A_836, %dot_general3A_838 {dimension_numbers = #tpu.dot_dimension_numbers<[1], [0], [0], [1], [0, 0, 1, 1], [], []>, transpose_lhs_hint = false} : vector<192x512xbf16>, vector<512x128xbf16>, vector<192x128xf32> -> vector<192x128xf32>
    %add3A_840 = arith.addf %add3A_762, %dot_general3A_839 : vector<192x128xf32>
    %get3A_841 = arith.constant 0 : index
    %get3A_842 = arith.constant 0 : index
    %get3A_843 = arith.constant 0 : index
    %get3A_844 = vector.load %arg17[%get3A_841, %get3A_842, %get3A_843] : memref<2x1x128xf32, #tpu.memory_space<vmem>>, vector<1x1x128xf32>
    %get3A_845 = vector.shape_cast %get3A_844 : vector<1x1x128xf32> to vector<1x128xf32>
    %add3A_846 = vector.broadcast %get3A_845 : vector<1x128xf32> to vector<192x128xf32>
    %add3A_847 = arith.addf %add3A_840, %add3A_846 : vector<192x128xf32>
    %get3A_848 = arith.constant 1 : index
    %get3A_849 = arith.constant 0 : index
    %get3A_850 = arith.constant 0 : index
    %get3A_851 = vector.load %arg10[%get3A_848, %get3A_849, %get3A_850] : memref<2x1x128xf32, #tpu.memory_space<vmem>>, vector<1x1x128xf32>
    %get3A_852 = vector.shape_cast %get3A_851 : vector<1x1x128xf32> to vector<1x128xf32>
    %get3A_853 = arith.constant 1 : index
    %get3A_854 = arith.constant 0 : index
    %get3A_855 = arith.constant 0 : index
    %get3A_856 = vector.load %arg11[%get3A_853, %get3A_854, %get3A_855] : memref<2x1x128xf32, #tpu.memory_space<vmem>>, vector<1x1x128xf32>
    %get3A_857 = vector.shape_cast %get3A_856 : vector<1x1x128xf32> to vector<1x128xf32>
    %reduce_sum3A_858 = arith.constant dense<0.000000e+00> : vector<192xf32>
    %reduce_sum3A_859 = vector.multi_reduction <add>, %add3A_847, %reduce_sum3A_858 [1] : vector<192x128xf32> to vector<192xf32>
    %broadcast_in_dim3A_860 = vector.shape_cast %reduce_sum3A_859 : vector<192xf32> to vector<192x1xf32>
    %div3A_861 = arith.constant 1.280000e+02 : f32
    %div3A_862 = vector.broadcast %div3A_861 : f32 to vector<192x1xf32>
    %div3A_863 = arith.divf %broadcast_in_dim3A_860, %div3A_862 : vector<192x1xf32>
    %sub3A_864 = vector.broadcast %div3A_863 : vector<192x1xf32> to vector<192x128xf32>
    %sub3A_865 = arith.subf %add3A_847, %sub3A_864 : vector<192x128xf32>
    %integer_pow3A_866 = arith.mulf %sub3A_865, %sub3A_865 : vector<192x128xf32>
    %reduce_sum3A_867 = arith.constant dense<0.000000e+00> : vector<192xf32>
    %reduce_sum3A_868 = vector.multi_reduction <add>, %integer_pow3A_866, %reduce_sum3A_867 [1] : vector<192x128xf32> to vector<192xf32>
    %broadcast_in_dim3A_869 = vector.shape_cast %reduce_sum3A_868 : vector<192xf32> to vector<192x1xf32>
    %div3A_870 = arith.constant 1.280000e+02 : f32
    %div3A_871 = vector.broadcast %div3A_870 : f32 to vector<192x1xf32>
    %div3A_872 = arith.divf %broadcast_in_dim3A_869, %div3A_871 : vector<192x1xf32>
    %sub3A_873 = vector.broadcast %div3A_863 : vector<192x1xf32> to vector<192x128xf32>
    %sub3A_874 = arith.subf %add3A_847, %sub3A_873 : vector<192x128xf32>
    %add3A_875 = arith.constant 9.99999974E-6 : f32
    %add3A_876 = vector.broadcast %add3A_875 : f32 to vector<192x1xf32>
    %add3A_877 = arith.addf %div3A_872, %add3A_876 : vector<192x1xf32>
    %rsqrt3A_878 = math.rsqrt %add3A_877 : vector<192x1xf32>
    %mul3A_879 = vector.broadcast %rsqrt3A_878 : vector<192x1xf32> to vector<192x128xf32>
    %mul3A_880 = arith.mulf %sub3A_874, %mul3A_879 : vector<192x128xf32>
    %mul3A_881 = vector.broadcast %get3A_852 : vector<1x128xf32> to vector<192x128xf32>
    %mul3A_882 = arith.mulf %mul3A_880, %mul3A_881 : vector<192x128xf32>
    %add3A_883 = vector.broadcast %get3A_857 : vector<1x128xf32> to vector<192x128xf32>
    %add3A_884 = arith.addf %mul3A_882, %add3A_883 : vector<192x128xf32>
    %get3A_885 = arith.constant 1 : index
    %get3A_886 = arith.constant 0 : index
    %get3A_887 = arith.constant 0 : index
    %get3A_888 = vector.load %arg6[%get3A_885, %get3A_886, %get3A_887] : memref<2x128x384xbf16, #tpu.memory_space<vmem>>, vector<1x128x384xbf16>
    %get3A_889 = vector.shape_cast %get3A_888 : vector<1x128x384xbf16> to vector<128x384xbf16>
    %convert_element_type3A_890 = arith.truncf %add3A_884 : vector<192x128xf32> to vector<192x128xbf16>
    %dot_general3A_891 = arith.constant dense<0.000000e+00> : vector<192x384xf32>
    %dot_general3A_892 = tpu.matmul %convert_element_type3A_890, %get3A_889, %dot_general3A_891 {dimension_numbers = #tpu.dot_dimension_numbers<[1], [0], [0], [1], [0, 0, 1, 1], [], []>, transpose_lhs_hint = false} : vector<192x128xbf16>, vector<128x384xbf16>, vector<192x384xf32> -> vector<192x384xf32>
    %get3A_893 = arith.constant 1 : index
    %get3A_894 = arith.constant 0 : index
    %get3A_895 = arith.constant 0 : index
    %get3A_896 = vector.load %arg7[%get3A_893, %get3A_894, %get3A_895] : memref<2x1x384xf32, #tpu.memory_space<vmem>>, vector<1x1x384xf32>
    %get3A_897 = vector.shape_cast %get3A_896 : vector<1x1x384xf32> to vector<1x384xf32>
    %add3A_898 = vector.broadcast %get3A_897 : vector<1x384xf32> to vector<192x384xf32>
    %add3A_899 = arith.addf %dot_general3A_892, %add3A_898 : vector<192x384xf32>
    %slice3A_900 = vector.extract_strided_slice %add3A_899 {offsets = [0, 0], sizes = [192, 32], strides = [1, 1]} : vector<192x384xf32> to vector<192x32xf32>
    %slice3A_901 = vector.extract_strided_slice %add3A_899 {offsets = [0, 128], sizes = [192, 32], strides = [1, 1]} : vector<192x384xf32> to vector<192x32xf32>
    %slice3A_902 = vector.extract_strided_slice %add3A_899 {offsets = [0, 256], sizes = [192, 32], strides = [1, 1]} : vector<192x384xf32> to vector<192x32xf32>
    %convert_element_type3A_903 = arith.truncf %slice3A_900 : vector<192x32xf32> to vector<192x32xbf16>
    %convert_element_type3A_904 = arith.truncf %slice3A_901 : vector<192x32xf32> to vector<192x32xbf16>
    %dot_general3A_905 = arith.constant dense<0.000000e+00> : vector<192x192xf32>
    %dot_general3A_906 = tpu.matmul %convert_element_type3A_903, %convert_element_type3A_904, %dot_general3A_905 {dimension_numbers = #tpu.dot_dimension_numbers<[1], [1], [0], [0], [0, 0, 1, 0], [], []>, transpose_lhs_hint = false} : vector<192x32xbf16>, vector<192x32xbf16>, vector<192x192xf32> -> vector<192x192xf32>
    %div3A_907 = arith.constant 5.65685415 : f32
    %div3A_908 = vector.broadcast %div3A_907 : f32 to vector<192x192xf32>
    %div3A_909 = arith.divf %dot_general3A_906, %div3A_908 : vector<192x192xf32>
    %add3A_910 = vector.broadcast %select_n3A : vector<1x192xf32> to vector<192x192xf32>
    %add3A_911 = arith.addf %div3A_909, %add3A_910 : vector<192x192xf32>
    %reduce_max3A_912 = arith.constant dense<0xFF800000> : vector<192xf32>
    %reduce_max3A_913 = vector.multi_reduction <maximumf>, %add3A_911, %reduce_max3A_912 [1] : vector<192x192xf32> to vector<192xf32>
    %broadcast_in_dim3A_914 = vector.shape_cast %reduce_max3A_913 : vector<192xf32> to vector<192x1xf32>
    %sub3A_915 = vector.broadcast %broadcast_in_dim3A_914 : vector<192x1xf32> to vector<192x192xf32>
    %sub3A_916 = arith.subf %add3A_911, %sub3A_915 : vector<192x192xf32>
    %exp3A_917 = math.exp %sub3A_916 : vector<192x192xf32>
    %reduce_sum3A_918 = arith.constant dense<0.000000e+00> : vector<192xf32>
    %reduce_sum3A_919 = vector.multi_reduction <add>, %exp3A_917, %reduce_sum3A_918 [1] : vector<192x192xf32> to vector<192xf32>
    %broadcast_in_dim3A_920 = vector.shape_cast %reduce_sum3A_919 : vector<192xf32> to vector<192x1xf32>
    %div3A_921 = vector.broadcast %broadcast_in_dim3A_920 : vector<192x1xf32> to vector<192x192xf32>
    %div3A_922 = arith.divf %exp3A_917, %div3A_921 : vector<192x192xf32>
    %convert_element_type3A_923 = arith.truncf %div3A_922 : vector<192x192xf32> to vector<192x192xbf16>
    %convert_element_type3A_924 = arith.truncf %slice3A_902 : vector<192x32xf32> to vector<192x32xbf16>
    %dot_general3A_925 = arith.constant dense<0.000000e+00> : vector<192x32xf32>
    %dot_general3A_926 = tpu.matmul %convert_element_type3A_923, %convert_element_type3A_924, %dot_general3A_925 {dimension_numbers = #tpu.dot_dimension_numbers<[1], [0], [0], [1], [0, 0, 1, 1], [], []>, transpose_lhs_hint = false} : vector<192x192xbf16>, vector<192x32xbf16>, vector<192x32xf32> -> vector<192x32xf32>
    %slice3A_927 = vector.extract_strided_slice %add3A_899 {offsets = [0, 32], sizes = [192, 32], strides = [1, 1]} : vector<192x384xf32> to vector<192x32xf32>
    %slice3A_928 = vector.extract_strided_slice %add3A_899 {offsets = [0, 160], sizes = [192, 32], strides = [1, 1]} : vector<192x384xf32> to vector<192x32xf32>
    %slice3A_929 = vector.extract_strided_slice %add3A_899 {offsets = [0, 288], sizes = [192, 32], strides = [1, 1]} : vector<192x384xf32> to vector<192x32xf32>
    %convert_element_type3A_930 = arith.truncf %slice3A_927 : vector<192x32xf32> to vector<192x32xbf16>
    %convert_element_type3A_931 = arith.truncf %slice3A_928 : vector<192x32xf32> to vector<192x32xbf16>
    %dot_general3A_932 = arith.constant dense<0.000000e+00> : vector<192x192xf32>
    %dot_general3A_933 = tpu.matmul %convert_element_type3A_930, %convert_element_type3A_931, %dot_general3A_932 {dimension_numbers = #tpu.dot_dimension_numbers<[1], [1], [0], [0], [0, 0, 1, 0], [], []>, transpose_lhs_hint = false} : vector<192x32xbf16>, vector<192x32xbf16>, vector<192x192xf32> -> vector<192x192xf32>
    %div3A_934 = arith.constant 5.65685415 : f32
    %div3A_935 = vector.broadcast %div3A_934 : f32 to vector<192x192xf32>
    %div3A_936 = arith.divf %dot_general3A_933, %div3A_935 : vector<192x192xf32>
    %add3A_937 = vector.broadcast %select_n3A : vector<1x192xf32> to vector<192x192xf32>
    %add3A_938 = arith.addf %div3A_936, %add3A_937 : vector<192x192xf32>
    %reduce_max3A_939 = arith.constant dense<0xFF800000> : vector<192xf32>
    %reduce_max3A_940 = vector.multi_reduction <maximumf>, %add3A_938, %reduce_max3A_939 [1] : vector<192x192xf32> to vector<192xf32>
    %broadcast_in_dim3A_941 = vector.shape_cast %reduce_max3A_940 : vector<192xf32> to vector<192x1xf32>
    %sub3A_942 = vector.broadcast %broadcast_in_dim3A_941 : vector<192x1xf32> to vector<192x192xf32>
    %sub3A_943 = arith.subf %add3A_938, %sub3A_942 : vector<192x192xf32>
    %exp3A_944 = math.exp %sub3A_943 : vector<192x192xf32>
    %reduce_sum3A_945 = arith.constant dense<0.000000e+00> : vector<192xf32>
    %reduce_sum3A_946 = vector.multi_reduction <add>, %exp3A_944, %reduce_sum3A_945 [1] : vector<192x192xf32> to vector<192xf32>
    %broadcast_in_dim3A_947 = vector.shape_cast %reduce_sum3A_946 : vector<192xf32> to vector<192x1xf32>
    %div3A_948 = vector.broadcast %broadcast_in_dim3A_947 : vector<192x1xf32> to vector<192x192xf32>
    %div3A_949 = arith.divf %exp3A_944, %div3A_948 : vector<192x192xf32>
    %convert_element_type3A_950 = arith.truncf %div3A_949 : vector<192x192xf32> to vector<192x192xbf16>
    %convert_element_type3A_951 = arith.truncf %slice3A_929 : vector<192x32xf32> to vector<192x32xbf16>
    %dot_general3A_952 = arith.constant dense<0.000000e+00> : vector<192x32xf32>
    %dot_general3A_953 = tpu.matmul %convert_element_type3A_950, %convert_element_type3A_951, %dot_general3A_952 {dimension_numbers = #tpu.dot_dimension_numbers<[1], [0], [0], [1], [0, 0, 1, 1], [], []>, transpose_lhs_hint = false} : vector<192x192xbf16>, vector<192x32xbf16>, vector<192x32xf32> -> vector<192x32xf32>
    %slice3A_954 = vector.extract_strided_slice %add3A_899 {offsets = [0, 64], sizes = [192, 32], strides = [1, 1]} : vector<192x384xf32> to vector<192x32xf32>
    %slice3A_955 = vector.extract_strided_slice %add3A_899 {offsets = [0, 192], sizes = [192, 32], strides = [1, 1]} : vector<192x384xf32> to vector<192x32xf32>
    %slice3A_956 = vector.extract_strided_slice %add3A_899 {offsets = [0, 320], sizes = [192, 32], strides = [1, 1]} : vector<192x384xf32> to vector<192x32xf32>
    %convert_element_type3A_957 = arith.truncf %slice3A_954 : vector<192x32xf32> to vector<192x32xbf16>
    %convert_element_type3A_958 = arith.truncf %slice3A_955 : vector<192x32xf32> to vector<192x32xbf16>
    %dot_general3A_959 = arith.constant dense<0.000000e+00> : vector<192x192xf32>
    %dot_general3A_960 = tpu.matmul %convert_element_type3A_957, %convert_element_type3A_958, %dot_general3A_959 {dimension_numbers = #tpu.dot_dimension_numbers<[1], [1], [0], [0], [0, 0, 1, 0], [], []>, transpose_lhs_hint = false} : vector<192x32xbf16>, vector<192x32xbf16>, vector<192x192xf32> -> vector<192x192xf32>
    %div3A_961 = arith.constant 5.65685415 : f32
    %div3A_962 = vector.broadcast %div3A_961 : f32 to vector<192x192xf32>
    %div3A_963 = arith.divf %dot_general3A_960, %div3A_962 : vector<192x192xf32>
    %add3A_964 = vector.broadcast %select_n3A : vector<1x192xf32> to vector<192x192xf32>
    %add3A_965 = arith.addf %div3A_963, %add3A_964 : vector<192x192xf32>
    %reduce_max3A_966 = arith.constant dense<0xFF800000> : vector<192xf32>
    %reduce_max3A_967 = vector.multi_reduction <maximumf>, %add3A_965, %reduce_max3A_966 [1] : vector<192x192xf32> to vector<192xf32>
    %broadcast_in_dim3A_968 = vector.shape_cast %reduce_max3A_967 : vector<192xf32> to vector<192x1xf32>
    %sub3A_969 = vector.broadcast %broadcast_in_dim3A_968 : vector<192x1xf32> to vector<192x192xf32>
    %sub3A_970 = arith.subf %add3A_965, %sub3A_969 : vector<192x192xf32>
    %exp3A_971 = math.exp %sub3A_970 : vector<192x192xf32>
    %reduce_sum3A_972 = arith.constant dense<0.000000e+00> : vector<192xf32>
    %reduce_sum3A_973 = vector.multi_reduction <add>, %exp3A_971, %reduce_sum3A_972 [1] : vector<192x192xf32> to vector<192xf32>
    %broadcast_in_dim3A_974 = vector.shape_cast %reduce_sum3A_973 : vector<192xf32> to vector<192x1xf32>
    %div3A_975 = vector.broadcast %broadcast_in_dim3A_974 : vector<192x1xf32> to vector<192x192xf32>
    %div3A_976 = arith.divf %exp3A_971, %div3A_975 : vector<192x192xf32>
    %convert_element_type3A_977 = arith.truncf %div3A_976 : vector<192x192xf32> to vector<192x192xbf16>
    %convert_element_type3A_978 = arith.truncf %slice3A_956 : vector<192x32xf32> to vector<192x32xbf16>
    %dot_general3A_979 = arith.constant dense<0.000000e+00> : vector<192x32xf32>
    %dot_general3A_980 = tpu.matmul %convert_element_type3A_977, %convert_element_type3A_978, %dot_general3A_979 {dimension_numbers = #tpu.dot_dimension_numbers<[1], [0], [0], [1], [0, 0, 1, 1], [], []>, transpose_lhs_hint = false} : vector<192x192xbf16>, vector<192x32xbf16>, vector<192x32xf32> -> vector<192x32xf32>
    %slice3A_981 = vector.extract_strided_slice %add3A_899 {offsets = [0, 96], sizes = [192, 32], strides = [1, 1]} : vector<192x384xf32> to vector<192x32xf32>
    %slice3A_982 = vector.extract_strided_slice %add3A_899 {offsets = [0, 224], sizes = [192, 32], strides = [1, 1]} : vector<192x384xf32> to vector<192x32xf32>
    %slice3A_983 = vector.extract_strided_slice %add3A_899 {offsets = [0, 352], sizes = [192, 32], strides = [1, 1]} : vector<192x384xf32> to vector<192x32xf32>
    %convert_element_type3A_984 = arith.truncf %slice3A_981 : vector<192x32xf32> to vector<192x32xbf16>
    %convert_element_type3A_985 = arith.truncf %slice3A_982 : vector<192x32xf32> to vector<192x32xbf16>
    %dot_general3A_986 = arith.constant dense<0.000000e+00> : vector<192x192xf32>
    %dot_general3A_987 = tpu.matmul %convert_element_type3A_984, %convert_element_type3A_985, %dot_general3A_986 {dimension_numbers = #tpu.dot_dimension_numbers<[1], [1], [0], [0], [0, 0, 1, 0], [], []>, transpose_lhs_hint = false} : vector<192x32xbf16>, vector<192x32xbf16>, vector<192x192xf32> -> vector<192x192xf32>
    %div3A_988 = arith.constant 5.65685415 : f32
    %div3A_989 = vector.broadcast %div3A_988 : f32 to vector<192x192xf32>
    %div3A_990 = arith.divf %dot_general3A_987, %div3A_989 : vector<192x192xf32>
    %add3A_991 = vector.broadcast %select_n3A : vector<1x192xf32> to vector<192x192xf32>
    %add3A_992 = arith.addf %div3A_990, %add3A_991 : vector<192x192xf32>
    %reduce_max3A_993 = arith.constant dense<0xFF800000> : vector<192xf32>
    %reduce_max3A_994 = vector.multi_reduction <maximumf>, %add3A_992, %reduce_max3A_993 [1] : vector<192x192xf32> to vector<192xf32>
    %broadcast_in_dim3A_995 = vector.shape_cast %reduce_max3A_994 : vector<192xf32> to vector<192x1xf32>
    %sub3A_996 = vector.broadcast %broadcast_in_dim3A_995 : vector<192x1xf32> to vector<192x192xf32>
    %sub3A_997 = arith.subf %add3A_992, %sub3A_996 : vector<192x192xf32>
    %exp3A_998 = math.exp %sub3A_997 : vector<192x192xf32>
    %reduce_sum3A_999 = arith.constant dense<0.000000e+00> : vector<192xf32>
    %reduce_sum3A_1000 = vector.multi_reduction <add>, %exp3A_998, %reduce_sum3A_999 [1] : vector<192x192xf32> to vector<192xf32>
    %broadcast_in_dim3A_1001 = vector.shape_cast %reduce_sum3A_1000 : vector<192xf32> to vector<192x1xf32>
    %div3A_1002 = vector.broadcast %broadcast_in_dim3A_1001 : vector<192x1xf32> to vector<192x192xf32>
    %div3A_1003 = arith.divf %exp3A_998, %div3A_1002 : vector<192x192xf32>
    %convert_element_type3A_1004 = arith.truncf %div3A_1003 : vector<192x192xf32> to vector<192x192xbf16>
    %convert_element_type3A_1005 = arith.truncf %slice3A_983 : vector<192x32xf32> to vector<192x32xbf16>
    %dot_general3A_1006 = arith.constant dense<0.000000e+00> : vector<192x32xf32>
    %dot_general3A_1007 = tpu.matmul %convert_element_type3A_1004, %convert_element_type3A_1005, %dot_general3A_1006 {dimension_numbers = #tpu.dot_dimension_numbers<[1], [0], [0], [1], [0, 0, 1, 1], [], []>, transpose_lhs_hint = false} : vector<192x192xbf16>, vector<192x32xbf16>, vector<192x32xf32> -> vector<192x32xf32>
    %concatenate3A_1008 = tpu.concatenate %dot_general3A_926, %dot_general3A_953, %dot_general3A_980, %dot_general3A_1007 in 1 : vector<192x32xf32>, vector<192x32xf32>, vector<192x32xf32>, vector<192x32xf32> -> vector<192x128xf32>
    %get3A_1009 = arith.constant 1 : index
    %get3A_1010 = arith.constant 0 : index
    %get3A_1011 = arith.constant 0 : index
    %get3A_1012 = vector.load %arg8[%get3A_1009, %get3A_1010, %get3A_1011] : memref<2x128x128xbf16, #tpu.memory_space<vmem>>, vector<1x128x128xbf16>
    %get3A_1013 = vector.shape_cast %get3A_1012 : vector<1x128x128xbf16> to vector<128x128xbf16>
    %convert_element_type3A_1014 = arith.truncf %concatenate3A_1008 : vector<192x128xf32> to vector<192x128xbf16>
    %dot_general3A_1015 = arith.constant dense<0.000000e+00> : vector<192x128xf32>
    %dot_general3A_1016 = tpu.matmul %convert_element_type3A_1014, %get3A_1013, %dot_general3A_1015 {dimension_numbers = #tpu.dot_dimension_numbers<[1], [0], [0], [1], [0, 0, 1, 1], [], []>, transpose_lhs_hint = false} : vector<192x128xbf16>, vector<128x128xbf16>, vector<192x128xf32> -> vector<192x128xf32>
    %add3A_1017 = arith.addf %add3A_847, %dot_general3A_1016 : vector<192x128xf32>
    %get3A_1018 = arith.constant 1 : index
    %get3A_1019 = arith.constant 0 : index
    %get3A_1020 = arith.constant 0 : index
    %get3A_1021 = vector.load %arg9[%get3A_1018, %get3A_1019, %get3A_1020] : memref<2x1x128xf32, #tpu.memory_space<vmem>>, vector<1x1x128xf32>
    %get3A_1022 = vector.shape_cast %get3A_1021 : vector<1x1x128xf32> to vector<1x128xf32>
    %add3A_1023 = vector.broadcast %get3A_1022 : vector<1x128xf32> to vector<192x128xf32>
    %add3A_1024 = arith.addf %add3A_1017, %add3A_1023 : vector<192x128xf32>
    %get3A_1025 = arith.constant 1 : index
    %get3A_1026 = arith.constant 0 : index
    %get3A_1027 = arith.constant 0 : index
    %get3A_1028 = vector.load %arg12[%get3A_1025, %get3A_1026, %get3A_1027] : memref<2x1x128xf32, #tpu.memory_space<vmem>>, vector<1x1x128xf32>
    %get3A_1029 = vector.shape_cast %get3A_1028 : vector<1x1x128xf32> to vector<1x128xf32>
    %get3A_1030 = arith.constant 1 : index
    %get3A_1031 = arith.constant 0 : index
    %get3A_1032 = arith.constant 0 : index
    %get3A_1033 = vector.load %arg13[%get3A_1030, %get3A_1031, %get3A_1032] : memref<2x1x128xf32, #tpu.memory_space<vmem>>, vector<1x1x128xf32>
    %get3A_1034 = vector.shape_cast %get3A_1033 : vector<1x1x128xf32> to vector<1x128xf32>
    %reduce_sum3A_1035 = arith.constant dense<0.000000e+00> : vector<192xf32>
    %reduce_sum3A_1036 = vector.multi_reduction <add>, %add3A_1024, %reduce_sum3A_1035 [1] : vector<192x128xf32> to vector<192xf32>
    %broadcast_in_dim3A_1037 = vector.shape_cast %reduce_sum3A_1036 : vector<192xf32> to vector<192x1xf32>
    %div3A_1038 = arith.constant 1.280000e+02 : f32
    %div3A_1039 = vector.broadcast %div3A_1038 : f32 to vector<192x1xf32>
    %div3A_1040 = arith.divf %broadcast_in_dim3A_1037, %div3A_1039 : vector<192x1xf32>
    %sub3A_1041 = vector.broadcast %div3A_1040 : vector<192x1xf32> to vector<192x128xf32>
    %sub3A_1042 = arith.subf %add3A_1024, %sub3A_1041 : vector<192x128xf32>
    %integer_pow3A_1043 = arith.mulf %sub3A_1042, %sub3A_1042 : vector<192x128xf32>
    %reduce_sum3A_1044 = arith.constant dense<0.000000e+00> : vector<192xf32>
    %reduce_sum3A_1045 = vector.multi_reduction <add>, %integer_pow3A_1043, %reduce_sum3A_1044 [1] : vector<192x128xf32> to vector<192xf32>
    %broadcast_in_dim3A_1046 = vector.shape_cast %reduce_sum3A_1045 : vector<192xf32> to vector<192x1xf32>
    %div3A_1047 = arith.constant 1.280000e+02 : f32
    %div3A_1048 = vector.broadcast %div3A_1047 : f32 to vector<192x1xf32>
    %div3A_1049 = arith.divf %broadcast_in_dim3A_1046, %div3A_1048 : vector<192x1xf32>
    %sub3A_1050 = vector.broadcast %div3A_1040 : vector<192x1xf32> to vector<192x128xf32>
    %sub3A_1051 = arith.subf %add3A_1024, %sub3A_1050 : vector<192x128xf32>
    %add3A_1052 = arith.constant 9.99999974E-6 : f32
    %add3A_1053 = vector.broadcast %add3A_1052 : f32 to vector<192x1xf32>
    %add3A_1054 = arith.addf %div3A_1049, %add3A_1053 : vector<192x1xf32>
    %rsqrt3A_1055 = math.rsqrt %add3A_1054 : vector<192x1xf32>
    %mul3A_1056 = vector.broadcast %rsqrt3A_1055 : vector<192x1xf32> to vector<192x128xf32>
    %mul3A_1057 = arith.mulf %sub3A_1051, %mul3A_1056 : vector<192x128xf32>
    %mul3A_1058 = vector.broadcast %get3A_1029 : vector<1x128xf32> to vector<192x128xf32>
    %mul3A_1059 = arith.mulf %mul3A_1057, %mul3A_1058 : vector<192x128xf32>
    %add3A_1060 = vector.broadcast %get3A_1034 : vector<1x128xf32> to vector<192x128xf32>
    %add3A_1061 = arith.addf %mul3A_1059, %add3A_1060 : vector<192x128xf32>
    %get3A_1062 = arith.constant 1 : index
    %get3A_1063 = arith.constant 0 : index
    %get3A_1064 = arith.constant 0 : index
    %get3A_1065 = vector.load %arg14[%get3A_1062, %get3A_1063, %get3A_1064] : memref<2x128x512xbf16, #tpu.memory_space<vmem>>, vector<1x128x512xbf16>
    %get3A_1066 = vector.shape_cast %get3A_1065 : vector<1x128x512xbf16> to vector<128x512xbf16>
    %convert_element_type3A_1067 = arith.truncf %add3A_1061 : vector<192x128xf32> to vector<192x128xbf16>
    %dot_general3A_1068 = arith.constant dense<0.000000e+00> : vector<192x512xf32>
    %dot_general3A_1069 = tpu.matmul %convert_element_type3A_1067, %get3A_1066, %dot_general3A_1068 {dimension_numbers = #tpu.dot_dimension_numbers<[1], [0], [0], [1], [0, 0, 1, 1], [], []>, transpose_lhs_hint = false} : vector<192x128xbf16>, vector<128x512xbf16>, vector<192x512xf32> -> vector<192x512xf32>
    %get3A_1070 = arith.constant 1 : index
    %get3A_1071 = arith.constant 0 : index
    %get3A_1072 = arith.constant 0 : index
    %get3A_1073 = vector.load %arg15[%get3A_1070, %get3A_1071, %get3A_1072] : memref<2x1x512xf32, #tpu.memory_space<vmem>>, vector<1x1x512xf32>
    %get3A_1074 = vector.shape_cast %get3A_1073 : vector<1x1x512xf32> to vector<1x512xf32>
    %add3A_1075 = vector.broadcast %get3A_1074 : vector<1x512xf32> to vector<192x512xf32>
    %add3A_1076 = arith.addf %dot_general3A_1069, %add3A_1075 : vector<192x512xf32>
    %mul3A_1077 = arith.constant 5.000000e-01 : f32
    %mul3A_1078 = vector.broadcast %mul3A_1077 : f32 to vector<192x512xf32>
    %mul3A_1079 = arith.mulf %mul3A_1078, %add3A_1076 : vector<192x512xf32>
    %mul3A_1080 = arith.constant 4.471500e-02 : f32
    %mul3A_1081 = vector.broadcast %mul3A_1080 : f32 to vector<192x512xf32>
    %mul3A_1082 = arith.mulf %mul3A_1081, %add3A_1076 : vector<192x512xf32>
    %mul3A_1083 = arith.mulf %mul3A_1082, %add3A_1076 : vector<192x512xf32>
    %mul3A_1084 = arith.mulf %mul3A_1083, %add3A_1076 : vector<192x512xf32>
    %add3A_1085 = arith.addf %add3A_1076, %mul3A_1084 : vector<192x512xf32>
    %mul3A_1086 = arith.constant 0.797884583 : f32
    %mul3A_1087 = vector.broadcast %mul3A_1086 : f32 to vector<192x512xf32>
    %mul3A_1088 = arith.mulf %mul3A_1087, %add3A_1085 : vector<192x512xf32>
    %tanh3A_1089 = math.tanh %mul3A_1088 : vector<192x512xf32>
    %add3A_1090 = arith.constant 1.000000e+00 : f32
    %add3A_1091 = vector.broadcast %add3A_1090 : f32 to vector<192x512xf32>
    %add3A_1092 = arith.addf %add3A_1091, %tanh3A_1089 : vector<192x512xf32>
    %mul3A_1093 = arith.mulf %mul3A_1079, %add3A_1092 : vector<192x512xf32>
    %get3A_1094 = arith.constant 1 : index
    %get3A_1095 = arith.constant 0 : index
    %get3A_1096 = arith.constant 0 : index
    %get3A_1097 = vector.load %arg16[%get3A_1094, %get3A_1095, %get3A_1096] : memref<2x512x128xbf16, #tpu.memory_space<vmem>>, vector<1x512x128xbf16>
    %get3A_1098 = vector.shape_cast %get3A_1097 : vector<1x512x128xbf16> to vector<512x128xbf16>
    %convert_element_type3A_1099 = arith.truncf %mul3A_1093 : vector<192x512xf32> to vector<192x512xbf16>
    %dot_general3A_1100 = arith.constant dense<0.000000e+00> : vector<192x128xf32>
    %dot_general3A_1101 = tpu.matmul %convert_element_type3A_1099, %get3A_1098, %dot_general3A_1100 {dimension_numbers = #tpu.dot_dimension_numbers<[1], [0], [0], [1], [0, 0, 1, 1], [], []>, transpose_lhs_hint = false} : vector<192x512xbf16>, vector<512x128xbf16>, vector<192x128xf32> -> vector<192x128xf32>
    %add3A_1102 = arith.addf %add3A_1024, %dot_general3A_1101 : vector<192x128xf32>
    %get3A_1103 = arith.constant 1 : index
    %get3A_1104 = arith.constant 0 : index
    %get3A_1105 = arith.constant 0 : index
    %get3A_1106 = vector.load %arg17[%get3A_1103, %get3A_1104, %get3A_1105] : memref<2x1x128xf32, #tpu.memory_space<vmem>>, vector<1x1x128xf32>
    %get3A_1107 = vector.shape_cast %get3A_1106 : vector<1x1x128xf32> to vector<1x128xf32>
    %add3A_1108 = vector.broadcast %get3A_1107 : vector<1x128xf32> to vector<192x128xf32>
    %add3A_1109 = arith.addf %add3A_1102, %add3A_1108 : vector<192x128xf32>
    %get3A_1110 = arith.constant 0 : index
    %get3A_1111 = arith.constant 0 : index
    %get3A_1112 = vector.load %arg18[%get3A_1110, %get3A_1111] : memref<128x384xbf16, #tpu.memory_space<vmem>>, vector<128x384xbf16>
    %convert_element_type3A_1113 = arith.truncf %add3A_1109 : vector<192x128xf32> to vector<192x128xbf16>
    %dot_general3A_1114 = arith.constant dense<0.000000e+00> : vector<192x384xf32>
    %dot_general3A_1115 = tpu.matmul %convert_element_type3A_1113, %get3A_1112, %dot_general3A_1114 {dimension_numbers = #tpu.dot_dimension_numbers<[1], [0], [0], [1], [0, 0, 1, 1], [], []>, transpose_lhs_hint = false} : vector<192x128xbf16>, vector<128x384xbf16>, vector<192x384xf32> -> vector<192x384xf32>
    %get3A_1116 = arith.constant 0 : index
    %get3A_1117 = arith.constant 0 : index
    %get3A_1118 = vector.load %arg19[%get3A_1116, %get3A_1117] : memref<1x384xf32, #tpu.memory_space<vmem>>, vector<1x384xf32>
    %add3A_1119 = vector.broadcast %get3A_1118 : vector<1x384xf32> to vector<192x384xf32>
    %add3A_1120 = arith.addf %dot_general3A_1115, %add3A_1119 : vector<192x384xf32>
    %get3A_1121 = arith.constant 1 : index
    %get3A_1122 = arith.constant 0 : index
    %get3A_1123 = arith.constant 0 : index
    %get3A_1124 = vector.load %arg3[%get3A_1121, %get3A_1122, %get3A_1123] : memref<2x1x576xf32, #tpu.memory_space<vmem>>, vector<1x1x576xf32>
    %get3A_1125 = vector.shape_cast %get3A_1124 : vector<1x1x576xf32> to vector<1x576xf32>
    %convert_element_type3A_1126 = arith.fptosi %get3A_1125 : vector<1x576xf32> to vector<1x576xi32>
    %iota3A_1127 = tpu.iota {dimensions = array<i32: 0>} : vector<192x576xi32>
    %eq3A_1128 = vector.broadcast %convert_element_type3A_1126 : vector<1x576xi32> to vector<192x576xi32>
    %eq3A_1129 = arith.cmpi eq, %iota3A_1127, %eq3A_1128 : vector<192x576xi32>
    %lt3A_1130 = arith.constant 172 : i32
    %lt3A_1131 = vector.broadcast %lt3A_1130 : i32 to vector<192x576xi32>
    %lt3A_1132 = arith.cmpi slt, %iota3A_1127, %lt3A_1131 : vector<192x576xi32>
    %and3A_1133 = arith.andi %eq3A_1129, %lt3A_1132 : vector<192x576xi1>
    %convert_element_type3A_1134 = arith.extui %and3A_1133 : vector<192x576xi1> to vector<192x576xi32>
    %convert_element_type3A_1135 = arith.sitofp %convert_element_type3A_1134 : vector<192x576xi32> to vector<192x576xf32>
    %dot_general3A_1136 = arith.constant dense<0.000000e+00> : vector<576x384xf32>
    %dot_general3A_1137 = tpu.matmul %convert_element_type3A_1135, %add3A_1120, %dot_general3A_1136 {dimension_numbers = #tpu.dot_dimension_numbers<[0], [0], [1], [1], [0, 1, 1, 1], [], []>, precision = #tpu.contract_precision<fp32>, transpose_lhs_hint = false} : vector<192x576xf32>, vector<192x384xf32>, vector<576x384xf32> -> vector<576x384xf32>
    %transpose3A_1138 = tpu.transpose %get3A_1125, [1, 0] : vector<1x576xf32> -> vector<576x1xf32>
    %lt3A_1139 = arith.constant 1.720000e+02 : f32
    %lt3A_1140 = vector.broadcast %lt3A_1139 : f32 to vector<576x1xf32>
    %lt3A_1141 = arith.cmpf olt, %transpose3A_1138, %lt3A_1140 : vector<576x1xf32>
    %get3A_1142 = arith.constant 1 : index
    %get3A_1143 = arith.constant 0 : index
    %get3A_1144 = arith.constant 0 : index
    %get3A_1145 = vector.load %arg2[%get3A_1142, %get3A_1143, %get3A_1144] : memref<2x576x384xf32, #tpu.memory_space<vmem>>, vector<1x576x384xf32>
    %get3A_1146 = vector.shape_cast %get3A_1145 : vector<1x576x384xf32> to vector<576x384xf32>
    %broadcast_in_dim3A_1147 = vector.shape_cast %lt3A_1141 : vector<576x1xi1> to vector<576x1xi1>
    %broadcast_in_dim3A_1148 = vector.broadcast %broadcast_in_dim3A_1147 : vector<576x1xi1> to vector<576x384xi1>
    %select_n3A_1149 = arith.select %broadcast_in_dim3A_1148, %dot_general3A_1137, %get3A_1146 : vector<576x384xi1>, vector<576x384xf32>
    %swap3A_1150 = arith.constant 1 : index
    %swap3A_1151 = arith.constant 0 : index
    %swap3A_1152 = arith.constant 0 : index
    %swap3A_1153 = vector.load %arg20[%swap3A_1150, %swap3A_1151, %swap3A_1152] : memref<2x576x384xf32, #tpu.memory_space<vmem>>, vector<1x576x384xf32>
    %swap3A_1154 = vector.shape_cast %swap3A_1153 : vector<1x576x384xf32> to vector<576x384xf32>
    %swap3A_1155 = vector.shape_cast %select_n3A_1149 : vector<576x384xf32> to vector<1x576x384xf32>
    tpu.vector_store %arg20[%swap3A_1150, %swap3A_1151, %swap3A_1152], %swap3A_1155 {strides = array<i32>} : memref<2x576x384xf32, #tpu.memory_space<vmem>>, vector<1x576x384xf32>,
    return
  }
  func.func @transform_0(%arg0: i32) -> (i32, i32, i32) {
    %c0_i32 = arith.constant 0 : i32
    %c0_i32_0 = arith.constant 0 : i32
    %c0_i32_1 = arith.constant 0 : i32
    return %arg0, %c0_i32, %c0_i32_0 : i32, i32, i32
  }
  func.func @transform_1(%arg0: i32) -> (i32, i32, i32) {
    %c0_i32 = arith.constant 0 : i32
    %c0_i32_0 = arith.constant 0 : i32
    %c0_i32_1 = arith.constant 0 : i32
    return %arg0, %c0_i32, %c0_i32_0 : i32, i32, i32
  }
  func.func @transform_2(%arg0: i32) -> (i32, i32, i32) {
    %c0_i32 = arith.constant 0 : i32
    %c0_i32_0 = arith.constant 0 : i32
    %c0_i32_1 = arith.constant 0 : i32
    return %arg0, %c0_i32, %c0_i32_0 : i32, i32, i32
  }
  func.func @transform_3(%arg0: i32) -> (i32, i32) {
    %c0_i32 = arith.constant 0 : i32
    %c0_i32_0 = arith.constant 0 : i32
    %c0_i32_1 = arith.constant 0 : i32
    return %c0_i32, %c0_i32_0 : i32, i32
  }
  func.func @transform_4(%arg0: i32) -> (i32, i32) {
    %c0_i32 = arith.constant 0 : i32
    %c0_i32_0 = arith.constant 0 : i32
    %c0_i32_1 = arith.constant 0 : i32
    return %c0_i32, %c0_i32_0 : i32, i32
  }
  func.func @transform_5(%arg0: i32) -> (i32, i32, i32) {
    %c0_i32 = arith.constant 0 : i32
    %c0_i32_0 = arith.constant 0 : i32
    %c0_i32_1 = arith.constant 0 : i32
    %c0_i32_2 = arith.constant 0 : i32
    return %c0_i32, %c0_i32_0, %c0_i32_1 : i32, i32, i32
  }
  func.func @transform_6(%arg0: i32) -> (i32, i32, i32) {
    %c0_i32 = arith.constant 0 : i32
    %c0_i32_0 = arith.constant 0 : i32
    %c0_i32_1 = arith.constant 0 : i32
    %c0_i32_2 = arith.constant 0 : i32
    return %c0_i32, %c0_i32_0, %c0_i32_1 : i32, i32, i32
  }
  func.func @transform_7(%arg0: i32) -> (i32, i32, i32) {
    %c0_i32 = arith.constant 0 : i32
    %c0_i32_0 = arith.constant 0 : i32
    %c0_i32_1 = arith.constant 0 : i32
    %c0_i32_2 = arith.constant 0 : i32
    return %c0_i32, %c0_i32_0, %c0_i32_1 : i32, i32, i32
  }
  func.func @transform_8(%arg0: i32) -> (i32, i32, i32) {
    %c0_i32 = arith.constant 0 : i32
    %c0_i32_0 = arith.constant 0 : i32
    %c0_i32_1 = arith.constant 0 : i32
    %c0_i32_2 = arith.constant 0 : i32
    return %c0_i32, %c0_i32_0, %c0_i32_1 : i32, i32, i32
  }
  func.func @transform_9(%arg0: i32) -> (i32, i32, i32) {
    %c0_i32 = arith.constant 0 : i32
    %c0_i32_0 = arith.constant 0 : i32
    %c0_i32_1 = arith.constant 0 : i32
    %c0_i32_2 = arith.constant 0 : i32
    return %c0_i32, %c0_i32_0, %c0_i32_1 : i32, i32, i32
  }
  func.func @transform_10(%arg0: i32) -> (i32, i32, i32) {
    %c0_i32 = arith.constant 0 : i32
    %c0_i32_0 = arith.constant 0 : i32
    %c0_i32_1 = arith.constant 0 : i32
    %c0_i32_2 = arith.constant 0 : i32
    return %c0_i32, %c0_i32_0, %c0_i32_1 : i32, i32, i32
  }
  func.func @transform_11(%arg0: i32) -> (i32, i32, i32) {
    %c0_i32 = arith.constant 0 : i32
    %c0_i32_0 = arith.constant 0 : i32
    %c0_i32_1 = arith.constant 0 : i32
    %c0_i32_2 = arith.constant 0 : i32
    return %c0_i32, %c0_i32_0, %c0_i32_1 : i32, i32, i32
  }
  func.func @transform_12(%arg0: i32) -> (i32, i32, i32) {
    %c0_i32 = arith.constant 0 : i32
    %c0_i32_0 = arith.constant 0 : i32
    %c0_i32_1 = arith.constant 0 : i32
    %c0_i32_2 = arith.constant 0 : i32
    return %c0_i32, %c0_i32_0, %c0_i32_1 : i32, i32, i32
  }
  func.func @transform_13(%arg0: i32) -> (i32, i32, i32) {
    %c0_i32 = arith.constant 0 : i32
    %c0_i32_0 = arith.constant 0 : i32
    %c0_i32_1 = arith.constant 0 : i32
    %c0_i32_2 = arith.constant 0 : i32
    return %c0_i32, %c0_i32_0, %c0_i32_1 : i32, i32, i32
  }
  func.func @transform_14(%arg0: i32) -> (i32, i32, i32) {
    %c0_i32 = arith.constant 0 : i32
    %c0_i32_0 = arith.constant 0 : i32
    %c0_i32_1 = arith.constant 0 : i32
    %c0_i32_2 = arith.constant 0 : i32
    return %c0_i32, %c0_i32_0, %c0_i32_1 : i32, i32, i32
  }
  func.func @transform_15(%arg0: i32) -> (i32, i32, i32) {
    %c0_i32 = arith.constant 0 : i32
    %c0_i32_0 = arith.constant 0 : i32
    %c0_i32_1 = arith.constant 0 : i32
    %c0_i32_2 = arith.constant 0 : i32
    return %c0_i32, %c0_i32_0, %c0_i32_1 : i32, i32, i32
  }
  func.func @transform_16(%arg0: i32) -> (i32, i32, i32) {
    %c0_i32 = arith.constant 0 : i32
    %c0_i32_0 = arith.constant 0 : i32
    %c0_i32_1 = arith.constant 0 : i32
    %c0_i32_2 = arith.constant 0 : i32
    return %c0_i32, %c0_i32_0, %c0_i32_1 : i32, i32, i32
  }
  func.func @transform_17(%arg0: i32) -> (i32, i32) {
    %c0_i32 = arith.constant 0 : i32
    %c0_i32_0 = arith.constant 0 : i32
    %c0_i32_1 = arith.constant 0 : i32
    return %c0_i32, %c0_i32_0 : i32, i32
  }
  func.func @transform_18(%arg0: i32) -> (i32, i32) {
    %c0_i32 = arith.constant 0 : i32
    %c0_i32_0 = arith.constant 0 : i32
    %c0_i32_1 = arith.constant 0 : i32
    return %c0_i32, %c0_i32_0 : i32, i32
  }
  func.func @transform_19(%arg0: i32) -> (i32, i32, i32) {
    %c0_i32 = arith.constant 0 : i32
    %c0_i32_0 = arith.constant 0 : i32
    %c0_i32_1 = arith.constant 0 : i32
    return %arg0, %c0_i32, %c0_i32_0 : i32, i32, i32
  }
}

</mosaic_0001>

<sc_bundles>
// kernel: kernel.5.cloned.1.call-start
scs
__scs_entry_jumppad:
0x0: {  	(pc) =	sbr.rel $0x88, $3  }
0x1: {  	(tag) =	ssettag $0x0;
	lr =	simm.s32 $0x1  }
0x2: {  	[smem:$0x3F85] =	sst lr;
	_ =	strace $0xD0000000  }
0x3: {  	_ = 	snop  }
0x4: {  	_ = 	snop  }
0x5: {  	_ = 	snop  }
0x6: {  	_ = 	snop  }
0x7: {  	_ = 	snop  }
__scs_overlays_trampoline_lowered:
0x8: {  	[smem:$0x3F94] =	sst s0  }
0x9: {  	[smem:$0x3F95] =	sst s1  }
0xa: {  	[smem:$0x3F96] =	sst s2  }
0xb: {  	[smem:$0x3F97] =	sst s3  }
0xc: {  	[smem:$0x3F98] =	sst s4  }
0xd: {  	[smem:$0x3F99] =	sst s5  }
0xe: {  	[smem:$0x3F9A] =	sst s6  }
0xf: {  	[smem:$0x3F9B] =	sst s7  }
0x10: {  	[smem:$0x3F9C] =	sst s8  }
0x11: {  	[smem:$0x3F9D] =	sst s9;
	s0 =	simm.s32 @!p0 $0x0  }
0x12: {  	s1 =	sld [smem:$0x3F83];
	s0 =	simm.s32 @p0 $0x1  }
0x13: {  	[smem:$0x3F9E] =	sst s0;
	s0 =	simm.s32 @!p1 $0x0  }
0x14: {  	s2 =	sld [smem:$0x3F82];
	s0 =	simm.s32 @p1 $0x1  }
0x15: {  	[smem:$0x3F9F] =	sst s0;
	s0 =	simm.s32 @!p2 $0x0  }
0x16: {  	s3 =	sld [smem:$0x3FDB];
	s0 =	simm.s32 @p2 $0x1  }
0x17: {  	s4 =	simm.s32 $0x1BF5;
	[smem:$0x3FA1] =	sst s0  }
0x18: {  	s0 =	sld [smem:$0x3F84];
	_ =	swait.ge [sflag:s4], $0x0  }
0x19: {  	s7 =	sld [smem:$0x3F85]  }
0x1a: {  	s8 =	sadd.s32 $0xFFFFE003, lr  }
0x1b: {  	s9 =	sadd.s32 $0xFFFFFEF7, lr;
	s5 =	simm.s32 $0xFFFFFFFF;
	p2 =	slt.u32 s8, $0xFFFFF086  }
0x1c: {  	p1 =	slt.u32 s9, $0xF7A;
	s5 =	simm.s32 @!p2 $0x0  }
0x1d: {  	s5 =	simm.s32 @p1 $0x1;
	p0 =	seq.s32 s7, s2  }
0x1e: {  	s7 =	smul.u32 @!p0 $0xF7A, s2;
	p2 =	seq.s32 @!p0 s5, $0x0  }
0x1f: {  	s9 =	smul.u32 $0xF7A, s1;
	s8 =	simm.s32 @!p0 $0x1BF5;
	p2 =	por !p2, p0  }
0x20: {  	[sflag:s8] =	ssyncset.s32 @!p0 $0xFFFFF086;
	s6 =	sadd.s32 @!p0 s3, s7;
	s7 =	simm.s32 @!p0 $0x108  }
0x21: {  	s3 =	sadd.s32 s3, s9;
	s6 =	sadd.s32 @!p0 $0x88, s6;
	s7 =	simm.s32 @p2 $0x1082  }
0x22: {  	[simem:s7], [sflag:s8] =	dma.local @!p0 [hbm:s6], $0xF7A  }
0x23: {  	s9 =	sor.u32 $0xD0000000, s2;
	s6 =	simm.s32 $0x108;
	_ =	swait.ge @!p0 [sflag:s8], $0x0  }
0x24: {  	s3 =	sadd.s32 $0x88, s3;
	s6 =	simm.s32 @!p1 $0x1082;
	[sflag:s4] =	ssyncset.s32 $0xFFFFF086  }
0x25: {  	[simem:s6], [sflag:s4] =	dma.local [hbm:s3], $0xF7A  }
0x26: {  	[smem:$0x3F85] =	sst s1;
	(tag) =	ssettag s2;
	_ =	strace s9  }
0x27: {  	s1 =	sld [smem:$0x3F95]  }
0x28: {  	s2 =	sld [smem:$0x3F96]  }
0x29: {  	s4 =	sld [smem:$0x3F98]  }
0x2a: {  	p0 =	seq.s32 s5, $0x0;
	s5 =	sld [smem:$0x3F99]  }
0x2b: {  	s6 =	sld [smem:$0x3F9A]  }
0x2c: {  	s7 =	sld [smem:$0x3F9B]  }
0x2d: {  	s3 =	simm.s32 $0x108;
	s8 =	sld [smem:$0x3F9C]  }
0x2e: {  	s3 =	simm.s32 @!p0 $0x1082;
	s9 =	sld [smem:$0x3F9D]  }
0x2f: {  	lr =	sadd.s32 s0, s3;
	s0 =	sld [smem:$0x3F94]  }
0x30: {  	s3 =	sld [smem:$0x3F97]  }
0x31: {  	[smem:$0x3FA0] =	sst s10  }
0x32: {  	s10 =	sld [smem:$0x3F9E];
	_ =	sdelay $0x3  }
0x33: {  	p0 =	seq.s32 s10, $0x1;
	s10 =	sld [smem:$0x3FA0];
	_ =	sdelay $0x3  }
0x34: {  	[smem:$0x3FA0] =	sst s10  }
0x35: {  	s10 =	sld [smem:$0x3F9F];
	_ =	sdelay $0x3  }
0x36: {  	p1 =	seq.s32 s10, $0x1;
	s10 =	sld [smem:$0x3FA0];
	_ =	sdelay $0x3  }
0x37: {  	[smem:$0x3FA0] =	sst s10  }
0x38: {  	s10 =	sld [smem:$0x3FA1]  }
0x39: {  	_ = 	snop;
	(pc) =	sbr.ind lr, $3  }
0x3a: {  	_ = 	snop  }
0x3b: {  	_ = 	snop  }
0x3c: {  	p2 =	seq.s32 s10, $0x1;
	s10 =	sld [smem:$0x3FA0]  }
0x3d: {  	_ =	shalt  }
0x3e: {  	_ =	shalt  }
0x3f: {  	_ =	shalt  }
0x40: {  	_ =	shalt  }
0x41: {  	_ =	shalt  }
0x42: {  	_ =	shalt  }
0x43: {  	_ =	shalt  }
0x44: {  	_ =	shalt  }
0x45: {  	_ =	shalt  }
0x46: {  	_ =	shalt  }
0x47: {  	_ =	shalt  }
0x48: {  	_ =	shalt  }
0x49: {  	_ =	shalt  }
0x4a: {  	_ =	shalt  }
0x4b: {  	_ =	shalt  }
0x4c: {  	_ =	shalt  }
0x4d: {  	_ =	shalt  }
0x4e: {  	_ =	shalt  }
0x4f: {  	_ =	shalt  }
0x50: {  	_ =	shalt  }
0x51: {  	_ =	shalt  }
0x52: {  	_ =	shalt  }
0x53: {  	_ =	shalt  }
0x54: {  	_ =	shalt  }
0x55: {  	_ =	shalt  }
0x56: {  	_ =	shalt  }
0x57: {  	_ =	shalt  }
0x58: {  	_ =	shalt  }
0x59: {  	_ =	shalt  }
0x5a: {  	_ =	shalt  }
0x5b: {  	_ =	shalt  }
0x5c: {  	_ =	shalt  }
0x5d: {  	_ =	shalt  }
0x5e: {  	_ =	shalt  }
0x5f: {  	_ =	shalt  }
0x60: {  	_ =	shalt  }
0x61: {  	_ =	shalt  }
0x62: {  	_ =	shalt  }
0x63: {  	_ =	shalt  }
0x64: {  	_ =	shalt  }
0x65: {  	_ =	shalt  }
0x66: {  	_ =	shalt  }
0x67: {  	_ =	shalt  }
0x68: {  	_ =	shalt  }
0x69: {  	_ =	shalt  }
0x6a: {  	_ =	shalt  }
0x6b: {  	_ =	shalt  }
0x6c: {  	_ =	shalt  }
0x6d: {  	_ =	shalt  }
0x6e: {  	_ =	shalt  }
0x6f: {  	_ =	shalt  }
0x70: {  	_ =	shalt  }
0x71: {  	_ =	shalt  }
0x72: {  	_ =	shalt  }
0x73: {  	_ =	shalt  }
0x74: {  	_ =	shalt  }
0x75: {  	_ =	shalt  }
0x76: {  	_ =	shalt  }
0x77: {  	_ =	shalt  }
0x78: {  	_ =	shalt  }
0x79: {  	_ =	shalt  }
0x7a: {  	_ =	shalt  }
0x7b: {  	_ =	shalt  }
0x7c: {  	_ =	shalt  }
0x7d: {  	_ =	shalt  }
0x7e: {  	_ =	shalt  }
0x7f: {  	_ =	shalt  }
0x80: {  	_ =	shalt  }
0x81: {  	_ =	shalt  }
0x82: {  	_ =	shalt  }
0x83: {  	_ =	shalt  }
0x84: {  	_ =	shalt  }
0x85: {  	_ =	shalt  }
0x86: {  	_ =	shalt  }
0x87: {  	_ =	shalt  }
.Lfunc_end0:
.L_simem_size_0:
called_computation_lowered:
.L_overlay_start_0:
0x88: {  	s2 =	sld [smem:$0x3FD9]  }
0x89: {  	s3 =	sld [smem:$0x3FFE];
	_ =	sdelay $0x1  }
0x8a: {  	s1 =	srdreg.scid  }
0x8b: {  	s0 =	sand.u32 $0x1, s1  }
0x8c: {  	s14 =	sshll.u32 s0, $0xA;
	s2 =	sadd.s32 s3, s2  }
0x8d: {  	s2 =	sadd.s32 s2, s14  }
0x8e: {  	[smem:$0x3FAC] =	sst s2  }
0x8f: {  	_ = 	snop  }
0x90: {  	s2 =	sld [smem:$0x3FD0];
	_ =	sdelay $0x2  }
0x91: {  	s4 =	simm.s32 $0xA;
	s5 =	simm.s32 $0x10;
	s15 =	sld [smem:$0x3FC9]  }
0x92: {  	[smem:s5], [sflag:s4] =	dma.local [hbm:s2], $0x1  }
0x93: {  	_ =	swait.eq [sflag:s4], $0x1  }
0x94: {  	[sflag:s4] =	ssyncset.done $0x0  }
0x95: {  	[sflag:s4] =	ssyncadd.s32 $0xFFFFFFFF  }
0x96: {  	s16 =	sld [smem:$0x10];
	(tm) =	ssettm $0x1  }
0x97: {  	s17 =	sld [smem:$0x3FFB];
	_ =	sdelay $0x3  }
0x98: {  	_ =	strace s17  }
0x99: {  	s4 =	sld [smem:$0x3FFC];
	_ =	sdelay $0x3  }
0x9a: {  	_ =	strace s4  }
0x9b: {  	s4 =	sld [smem:$0x3FFD];
	_ =	sdelay $0x3  }
0x9c: {  	_ =	strace s4  }
0x9d: {  	_ =	strace $0x8FFFFFFF  }
0x9e: {  	s18 =	sld [smem:$0x3FDB];
	_ =	sdelay $0x1  }
0x9f: {  	s19 =	simm.s32 $_scs_section_size  }
0xa0: {  	s6 =	simm.s32 $_size__tile_overlayer_lowered;
	s7 =	simm.s32 $_tile_overlayer_lowered  }
0xa1: {  	s22 =	simm.s32 $0x1BFF;
	s21 =	sshll.u32 s7, $0x1;
	s4 =	sadd.s32 s19, s18  }
0xa2: {  	s8 =	simm.s32 $0x0;
	s20 =	sshll.u32 s6, $0x1;
	s6 =	sadd.s32 s21, s4  }
0xa3: {  	[timem:s8], [sflag:s22] =	dma.local [hbm:s6], s20  }
0xa4: {  	_ =	swait.ge [sflag:s22], s20  }
0xa5: {  	s5 =	ssub.s32 $0x0, s20;
	[sflag:s22] =	ssyncset.done $0x0  }
0xa6: {  	[sflag:s22] =	ssyncadd.s32 s5;
	_ =	sdelay $0x1  }
0xa7: {  	s23 =	simm.s32 $0x1B8B  }
0xa8: {  	_ =	swait.ge [sflag:s23], $0x1  }
0xa9: {  	[sflag:s23] =	ssyncset.done $0x0  }
0xaa: {  	s25 =	simm.s32 $0x1B8E;
	s24 =	sld [smem:$0x3FFE];
	[sflag:s23] =	ssyncadd.s32 $0xFFFFFFFF  }
0xab: {  	s26 =	simm.s32 $execute0_lowered;
	[smem:$0x3FD2] =	sst s25  }
0xac: {  	s6 =	sshll.u32 s26, $0x1;
	_ =	strace $0x80000046;
	[dreg:$0x1] =	wrdreg $0xFFFFFFFF  }
0xad: {  	s28 =	simm.s32 $_size_execute0_lowered;
	s4 =	sadd.s32 s4, s6;
	[dreg:$0x0] =	wrdreg $0x0  }
0xae: {  	s6 =	sshll.u32 s28, $0x1;
	[dreg:$0x2] =	wrdreg s4  }
0xaf: {  	[dreg:$0x3] =	wrdreg s6  }
0xb0: {  	[dreg:$0x4] =	wrdreg $0xC0  }
0xb1: {  	_ =	task [dreg:s8], $0x5FFFF  }
0xb2: {  	[dreg:$0x1] =	wrdreg $0xFFFFFFFF  }
0xb3: {  	[dreg:$0x0] =	wrdreg $0x60  }
0xb4: {  	[dreg:$0x2] =	wrdreg s15  }
0xb5: {  	[dreg:$0x3] =	wrdreg s24  }
0xb6: {  	[dreg:$0x4] =	wrdreg s16  }
0xb7: {  	[dreg:$0x5] =	wrdreg $0x9  }
0xb8: {  	_ =	task.clear_ibuf [dreg:s8], $0x6FFFF;
	_ =	strace $0x90000046  }
0xb9: {  	s29 =	simm.s32 $0x9;
	_ =	strace $0x80000048  }
0xba: {  	_ =	swait.ge [sflag:s29], $0x1  }
0xbb: {  	[sflag:s29] =	ssyncadd.s32 $0xFFFFFFFF  }
0xbc: {  	_ =	strace $0x90000048  }
0xbd: {  	_ =	sfence  }
0xbe: {  	s30 =	sld [smem:$0x0];
	_ =	sdelay $0x2  }
0xbf: {  	s31 =	sshll.u32 s1, $0xD;
	s1 =	sshrl.u32 s1, $0x2  }
0xc0: {  	s3 =	sand.u32 $0x4000, s31;
	s1 =	sadd.s32 s1, s30  }
0xc1: {  	s0 =	sor.u32 s3, s0;
	s1 =	sshll.u32 s1, $0x11  }
0xc2: {  	s0 =	sor.u32 s1, s0  }
0xc3: {  	s0 =	sadd.s32 $0x8F2B, s0  }
0xc4: {  	[sflag:s0] =	ssyncadd.remote.s32 $0x1  }
0xc5: {  	_ =	sfence.sel $0xFFFF  }
0xc6: {  	[dreg:$0x0] =	wrdreg $0xFFFFFFFF;
	(pc) =	sbr.abs _section_cstart, $3  }
0xc7: {  	[dreg:$0x1] =	wrdreg $0xFFFFFFFF  }
0xc8: {  	_ =	task.clear_ibuf [dreg:s8], $0x2FFFF;
	_ =	strace $0x9FFFFFFF  }
0xc9: {  	(tm) =	ssettm $0x7FFFFFFF  }
tec
execute0_lowered:
.L_overlay_start_1:
0x0: {  	(tag) =	ssettag $0x1  }
0x1: {  	s1 =	rddreg [dreg:$0x0]  }
0x2: {  	s0 =	rddreg [dreg:$0x1];
	s2 =	srdreg.scid  }
0x3: {  	s3 =	stileid.u32;
	s4 =	rddreg [dreg:$0x2];
	s7 =	simm.s32 $0x2  }
0x4: {  	s8 =	simm.s32 $0x80;
	s10 =	simm.s32 $0xC80;
	s11 =	simm.s32 $0x1480  }
0x5: {  	s12 =	simm.s32 $0x1880;
	s13 =	simm.s32 $0x2080;
	s14 =	simm.s32 $0x2480  }
0x6: {  	s15 =	simm.s32 $0x2C80;
	s16 =	simm.s32 $0x3080;
	s17 =	simm.s32 $0x3880  }
0x7: {  	s18 =	simm.s32 $0x3C80;
	s19 =	simm.s32 $0x4480;
	s20 =	simm.s32 $0x4880  }
0x8: {  	s21 =	simm.s32 $0x5080;
	s22 =	simm.s32 $0x5480;
	s23 =	simm.s32 $0x5C80  }
0x9: {  	s24 =	simm.s32 $0x6080;
	s28 =	simm.s32 $0x7480;
	s29 =	simm.s32 $0x7880  }
0xa: {  	s30 =	simm.s32 $0x8080;
	s2 =	sand.u32 $0x1, s2;
	s5 =	sshll.u32 s3, $0x1  }
0xb: {  	s31 =	simm.s32 $0x8480;
	s3 =	simm.s32 $0x0;
	s5 =	sor.u32 s2, s5  }
0xc: {  	[smem:$0x7FF] =	sst s3;
	s2 =	ssub.s32 $0x2, s2;
	s6 =	sshll.u32 s5, $0x5  }
0xd: {  	s5 =	smul.u32 $0x12000, s5;
	s25 =	sshrl.u32 s2, $0x1;
	s0 =	sadd.s32 s6, s0  }
0xe: {  	_ =	strace $0x80000047;
	s2 =	ssub.s32 s2, s25;
	s6 =	sadd.s32 $0xDB200, s0  }
0xf: {  	s5 =	sshrl.u32 s5, $0x3;
	s0 =	sadd.s32 $0xDB210, s0;
	[dreg:$0x4] =	wrdreg s6  }
0x10: {  	s25 =	simm.s32 $0x6880;
	s4 =	sadd.s32 s4, s5;
	[dreg:$0x5] =	wrdreg s0  }
0x11: {  	v2 =	vlaneseq.u32;
	s5 =	sadd.s32 $0x100, s1;
	s6 =	smax.u32 s2, $0x1;
	s2 =	simm.s32 $0x8C80  }
0x12: {  	vm0 =	vmmov $0xffff;
	vm1 =	vmmov $0xff;
	v1 =	vshrl.u32 v2, $0x3;
	s0 =	simm.s32 $0x1;
	[dreg:$0x7] =	wrdreg s4;
	s26 =	sadd.s32 $0x1200, s4  }
0x13: {  	v0 =	vand.u32 $0x7, v2;
	v2 =	vor.u32 $0x8, v2;
	v1 =	vmul.u32 $0x8, v1;
	s4 =	simm.s32 $0x880;
	[dreg:$0x6] =	wrdreg s26;
	s26 =	simm.s32 $0x6C80  }
.LBB2_1:
0x14: {  	s9 =	rddreg [dreg:$0x4]  }
0x15: {  	[tilespmem:s3], [sflag:$0x2] =	stream.linear.gather [hbm4b:s9+s3], $0x80, $0x38;
	[tilespmem:$0x9080] =	vst v63  }
0x16: {  	_ =	swait.ge [sflag:s7], $0x80  }
0x17: {  	[sflag:s7] =	ssyncset.done $0x0  }
0x18: {  	[sflag:s7] =	ssyncadd.s32 $0xFFFFFF80  }
0x19: {  	v3 =	vld [tilespmem:$0x0];
	_ =	sdelay $0x4  }
0x1a: {  	v4 =	vshrl.u32 v3, $0x3  }
0x1b: {  	v4 =	vmul.u32 $0x18, v4  }
0x1c: {  	v3 =	vand.u32 $0x7, v3  }
0x1d: {  	v3 =	vor.u32 v3, v4  }
0x1e: {  	v4 =	vperm.xlane v3, v0;
	_ =	sdelay $0x1  }
0x1f: {  	v4 =	vadd.s32 v1, v4;
	_ =	sdelay $0x1  }
0x20: {  	v3 =	vperm.xlane v3, v2;
	_ =	sdelay $0x1  }
0x21: {  	v3 =	vadd.s32 v1, v3  }
0x22: {  	[tilespmem:s8], [sflag:$0x1] =	stream.indirect_vreg.gather [hbm4b:s1+s3], $0x80, v4, vm0, $0xb8;
	[tilespmem:$0x9080] =	vst v63  }
0x23: {  	_ = 	snop  }
0x24: {  	[tilespmem:s4], [sflag:$0x1] =	stream.indirect_vreg.gather [hbm4b:s5+s3], $0x80, v4, vm1, $0xb8;
	[tilespmem:$0x9080] =	vst v63  }
0x25: {  	_ = 	snop  }
0x26: {  	[tilespmem:s10], [sflag:$0x1] =	stream.indirect_vreg.gather [hbm4b:s1+s3], $0x80, v3, vm0, $0xb8;
	[tilespmem:$0x9080] =	vst v63  }
0x27: {  	_ = 	snop  }
0x28: {  	[tilespmem:s11], [sflag:$0x1] =	stream.indirect_vreg.gather [hbm4b:s5+s3], $0x80, v3, vm1, $0xb8;
	[tilespmem:$0x9080] =	vst v63  }
0x29: {  	v3 =	vld [tilespmem:$0x10];
	_ =	sdelay $0x4  }
0x2a: {  	v53 =	vshrl.u32 v3, $0x3  }
0x2b: {  	v4 =	vmul.u32 $0x18, v53  }
0x2c: {  	v3 =	vand.u32 $0x7, v3  }
0x2d: {  	v3 =	vor.u32 v3, v4  }
0x2e: {  	v4 =	vperm.xlane v3, v0;
	_ =	sdelay $0x1  }
0x2f: {  	v4 =	vadd.s32 v1, v4;
	_ =	sdelay $0x1  }
0x30: {  	v3 =	vperm.xlane v3, v2;
	_ =	sdelay $0x1  }
0x31: {  	v3 =	vadd.s32 v1, v3  }
0x32: {  	[tilespmem:s12], [sflag:$0x1] =	stream.indirect_vreg.gather [hbm4b:s1+s3], $0x80, v4, vm0, $0xb8;
	[tilespmem:$0x9080] =	vst v63  }
0x33: {  	_ = 	snop  }
0x34: {  	[tilespmem:s13], [sflag:$0x1] =	stream.indirect_vreg.gather [hbm4b:s5+s3], $0x80, v4, vm1, $0xb8;
	[tilespmem:$0x9080] =	vst v63  }
0x35: {  	_ = 	snop  }
0x36: {  	[tilespmem:s14], [sflag:$0x1] =	stream.indirect_vreg.gather [hbm4b:s1+s3], $0x80, v3, vm0, $0xb8;
	[tilespmem:$0x9080] =	vst v63  }
0x37: {  	_ = 	snop  }
0x38: {  	[tilespmem:s15], [sflag:$0x1] =	stream.indirect_vreg.gather [hbm4b:s5+s3], $0x80, v3, vm1, $0xb8;
	[tilespmem:$0x9080] =	vst v63  }
0x39: {  	v3 =	vld [tilespmem:$0x20];
	_ =	sdelay $0x4  }
0x3a: {  	v54 =	vshrl.u32 v3, $0x3  }
0x3b: {  	v4 =	vmul.u32 $0x18, v54  }
0x3c: {  	v3 =	vand.u32 $0x7, v3  }
0x3d: {  	v3 =	vor.u32 v3, v4  }
0x3e: {  	v4 =	vperm.xlane v3, v0;
	_ =	sdelay $0x1  }
0x3f: {  	v4 =	vadd.s32 v1, v4;
	_ =	sdelay $0x1  }
0x40: {  	v3 =	vperm.xlane v3, v2;
	_ =	sdelay $0x1  }
0x41: {  	v3 =	vadd.s32 v1, v3  }
0x42: {  	[tilespmem:s16], [sflag:$0x1] =	stream.indirect_vreg.gather [hbm4b:s1+s3], $0x80, v4, vm0, $0xb8;
	[tilespmem:$0x9080] =	vst v63  }
0x43: {  	_ = 	snop  }
0x44: {  	[tilespmem:s17], [sflag:$0x1] =	stream.indirect_vreg.gather [hbm4b:s5+s3], $0x80, v4, vm1, $0xb8;
	[tilespmem:$0x9080] =	vst v63  }
0x45: {  	_ = 	snop  }
0x46: {  	[tilespmem:s18], [sflag:$0x1] =	stream.indirect_vreg.gather [hbm4b:s1+s3], $0x80, v3, vm0, $0xb8;
	[tilespmem:$0x9080] =	vst v63  }
0x47: {  	_ = 	snop  }
0x48: {  	[tilespmem:s19], [sflag:$0x1] =	stream.indirect_vreg.gather [hbm4b:s5+s3], $0x80, v3, vm1, $0xb8;
	[tilespmem:$0x9080] =	vst v63  }
0x49: {  	v3 =	vld [tilespmem:$0x30];
	_ =	sdelay $0x4  }
0x4a: {  	v55 =	vshrl.u32 v3, $0x3  }
0x4b: {  	v4 =	vmul.u32 $0x18, v55  }
0x4c: {  	v3 =	vand.u32 $0x7, v3  }
0x4d: {  	v3 =	vor.u32 v3, v4  }
0x4e: {  	v4 =	vperm.xlane v3, v0;
	_ =	sdelay $0x1  }
0x4f: {  	v4 =	vadd.s32 v1, v4;
	_ =	sdelay $0x1  }
0x50: {  	v3 =	vperm.xlane v3, v2;
	_ =	sdelay $0x1  }
0x51: {  	v3 =	vadd.s32 v1, v3  }
0x52: {  	[tilespmem:s20], [sflag:$0x1] =	stream.indirect_vreg.gather [hbm4b:s1+s3], $0x80, v4, vm0, $0xb8;
	[tilespmem:$0x9080] =	vst v63  }
0x53: {  	_ = 	snop  }
0x54: {  	[tilespmem:s21], [sflag:$0x1] =	stream.indirect_vreg.gather [hbm4b:s5+s3], $0x80, v4, vm1, $0xb8;
	[tilespmem:$0x9080] =	vst v63  }
0x55: {  	_ = 	snop  }
0x56: {  	[tilespmem:s22], [sflag:$0x1] =	stream.indirect_vreg.gather [hbm4b:s1+s3], $0x80, v3, vm0, $0xb8;
	[tilespmem:$0x9080] =	vst v63  }
0x57: {  	_ = 	snop  }
0x58: {  	[tilespmem:s23], [sflag:$0x1] =	stream.indirect_vreg.gather [hbm4b:s5+s3], $0x80, v3, vm1, $0xb8;
	[tilespmem:$0x9080] =	vst v63  }
0x59: {  	v3 =	vld [tilespmem:$0x40];
	_ =	sdelay $0x4  }
0x5a: {  	v56 =	vshrl.u32 v3, $0x3  }
0x5b: {  	v4 =	vmul.u32 $0x18, v56  }
0x5c: {  	v3 =	vand.u32 $0x7, v3  }
0x5d: {  	v3 =	vor.u32 v3, v4  }
0x5e: {  	v4 =	vperm.xlane v3, v0;
	_ =	sdelay $0x1  }
0x5f: {  	v4 =	vadd.s32 v1, v4;
	_ =	sdelay $0x1  }
0x60: {  	v3 =	vperm.xlane v3, v2;
	_ =	sdelay $0x1  }
0x61: {  	v3 =	vadd.s32 v1, v3  }
0x62: {  	[tilespmem:s24], [sflag:$0x1] =	stream.indirect_vreg.gather [hbm4b:s1+s3], $0x80, v4, vm0, $0xb8;
	[tilespmem:$0x9080] =	vst v63  }
0x63: {  	_ = 	snop  }
0x64: {  	[tilespmem:s25], [sflag:$0x1] =	stream.indirect_vreg.gather [hbm4b:s5+s3], $0x80, v4, vm1, $0xb8;
	[tilespmem:$0x9080] =	vst v63  }
0x65: {  	_ = 	snop  }
0x66: {  	[tilespmem:s26], [sflag:$0x1] =	stream.indirect_vreg.gather [hbm4b:s1+s3], $0x80, v3, vm0, $0xb8;
	[tilespmem:$0x9080] =	vst v63  }
0x67: {  	_ = 	snop  }
0x68: {  	[tilespmem:s28], [sflag:$0x1] =	stream.indirect_vreg.gather [hbm4b:s5+s3], $0x80, v3, vm1, $0xb8;
	[tilespmem:$0x9080] =	vst v63  }
0x69: {  	v3 =	vld [tilespmem:$0x50];
	_ =	sdelay $0x4  }
0x6a: {  	v57 =	vshrl.u32 v3, $0x3  }
0x6b: {  	v4 =	vmul.u32 $0x18, v57  }
0x6c: {  	v3 =	vand.u32 $0x7, v3  }
0x6d: {  	v3 =	vor.u32 v3, v4  }
0x6e: {  	v4 =	vperm.xlane v3, v0;
	_ =	sdelay $0x1  }
0x6f: {  	v4 =	vadd.s32 v1, v4;
	_ =	sdelay $0x1  }
0x70: {  	v3 =	vperm.xlane v3, v2;
	_ =	sdelay $0x1  }
0x71: {  	v3 =	vadd.s32 v1, v3  }
0x72: {  	[tilespmem:s29], [sflag:$0x1] =	stream.indirect_vreg.gather [hbm4b:s1+s3], $0x80, v4, vm0, $0xb8;
	[tilespmem:$0x9080] =	vst v63  }
0x73: {  	_ = 	snop  }
0x74: {  	[tilespmem:s30], [sflag:$0x1] =	stream.indirect_vreg.gather [hbm4b:s5+s3], $0x80, v4, vm1, $0xb8;
	[tilespmem:$0x9080] =	vst v63  }
0x75: {  	_ = 	snop  }
0x76: {  	[tilespmem:s31], [sflag:$0x1] =	stream.indirect_vreg.gather [hbm4b:s1+s3], $0x80, v3, vm0, $0xb8;
	[tilespmem:$0x9080] =	vst v63  }
0x77: {  	_ = 	snop  }
0x78: {  	[tilespmem:s2], [sflag:$0x1] =	stream.indirect_vreg.gather [hbm4b:s5+s3], $0x80, v3, vm1, $0xb8;
	[tilespmem:$0x9080] =	vst v63  }
0x79: {  	_ =	swait.ge [sflag:s0], $0x9000  }
0x7a: {  	[sflag:s0] =	ssyncset.done $0x0  }
0x7b: {  	s9 =	rddreg [dreg:$0x7];
	[sflag:s0] =	ssyncadd.s32 $0xFFFF7000  }
0x7c: {  	[hbm4b:s9+s3] =	stream.linear.scatter [tilespmem:s8], [sflag:$0x2], $0x9000, $0x38;
	[tilespmem:$0x9080] =	vst v63  }
0x7d: {  	_ =	swait.ge [sflag:s7], $0x9000  }
0x7e: {  	[sflag:s7] =	ssyncset.done $0x0  }
0x7f: {  	s9 =	rddreg [dreg:$0x5];
	[sflag:s7] =	ssyncadd.s32 $0xFFFF7000  }
0x80: {  	[tilespmem:s3], [sflag:$0x2] =	stream.linear.gather [hbm4b:s9+s3], $0x80, $0x38;
	[tilespmem:$0x9080] =	vst v63  }
0x81: {  	_ =	swait.ge [sflag:s7], $0x80  }
0x82: {  	[sflag:s7] =	ssyncset.done $0x0  }
0x83: {  	[sflag:s7] =	ssyncadd.s32 $0xFFFFFF80  }
0x84: {  	v3 =	vld [tilespmem:$0x0];
	_ =	sdelay $0x4  }
0x85: {  	v58 =	vshrl.u32 v3, $0x3  }
0x86: {  	v4 =	vmul.u32 $0x18, v58  }
0x87: {  	v3 =	vand.u32 $0x7, v3  }
0x88: {  	v3 =	vor.u32 v3, v4  }
0x89: {  	v4 =	vperm.xlane v3, v0;
	_ =	sdelay $0x1  }
0x8a: {  	v4 =	vadd.s32 v1, v4;
	_ =	sdelay $0x1  }
0x8b: {  	v3 =	vperm.xlane v3, v2;
	_ =	sdelay $0x1  }
0x8c: {  	v3 =	vadd.s32 v1, v3  }
0x8d: {  	[tilespmem:s8], [sflag:$0x1] =	stream.indirect_vreg.gather [hbm4b:s1+s3], $0x80, v4, vm0, $0xb8;
	[tilespmem:$0x9080] =	vst v63  }
0x8e: {  	_ = 	snop  }
0x8f: {  	[tilespmem:s4], [sflag:$0x1] =	stream.indirect_vreg.gather [hbm4b:s5+s3], $0x80, v4, vm1, $0xb8;
	[tilespmem:$0x9080] =	vst v63  }
0x90: {  	_ = 	snop  }
0x91: {  	[tilespmem:s10], [sflag:$0x1] =	stream.indirect_vreg.gather [hbm4b:s1+s3], $0x80, v3, vm0, $0xb8;
	[tilespmem:$0x9080] =	vst v63  }
0x92: {  	_ = 	snop  }
0x93: {  	[tilespmem:s11], [sflag:$0x1] =	stream.indirect_vreg.gather [hbm4b:s5+s3], $0x80, v3, vm1, $0xb8;
	[tilespmem:$0x9080] =	vst v63  }
0x94: {  	v3 =	vld [tilespmem:$0x10];
	_ =	sdelay $0x4  }
0x95: {  	v59 =	vshrl.u32 v3, $0x3  }
0x96: {  	v4 =	vmul.u32 $0x18, v59  }
0x97: {  	v3 =	vand.u32 $0x7, v3  }
0x98: {  	v3 =	vor.u32 v3, v4  }
0x99: {  	v4 =	vperm.xlane v3, v0;
	_ =	sdelay $0x1  }
0x9a: {  	v4 =	vadd.s32 v1, v4;
	_ =	sdelay $0x1  }
0x9b: {  	v3 =	vperm.xlane v3, v2;
	_ =	sdelay $0x1  }
0x9c: {  	v3 =	vadd.s32 v1, v3  }
0x9d: {  	[tilespmem:s12], [sflag:$0x1] =	stream.indirect_vreg.gather [hbm4b:s1+s3], $0x80, v4, vm0, $0xb8;
	[tilespmem:$0x9080] =	vst v63  }
0x9e: {  	_ = 	snop  }
0x9f: {  	[tilespmem:s13], [sflag:$0x1] =	stream.indirect_vreg.gather [hbm4b:s5+s3], $0x80, v4, vm1, $0xb8;
	[tilespmem:$0x9080] =	vst v63  }
0xa0: {  	_ = 	snop  }
0xa1: {  	[tilespmem:s14], [sflag:$0x1] =	stream.indirect_vreg.gather [hbm4b:s1+s3], $0x80, v3, vm0, $0xb8;
	[tilespmem:$0x9080] =	vst v63  }
0xa2: {  	_ = 	snop  }
0xa3: {  	[tilespmem:s15], [sflag:$0x1] =	stream.indirect_vreg.gather [hbm4b:s5+s3], $0x80, v3, vm1, $0xb8;
	[tilespmem:$0x9080] =	vst v63  }
0xa4: {  	v3 =	vld [tilespmem:$0x20];
	_ =	sdelay $0x4  }
0xa5: {  	v60 =	vshrl.u32 v3, $0x3  }
0xa6: {  	v4 =	vmul.u32 $0x18, v60  }
0xa7: {  	v3 =	vand.u32 $0x7, v3  }
0xa8: {  	v3 =	vor.u32 v3, v4  }
0xa9: {  	v4 =	vperm.xlane v3, v0;
	_ =	sdelay $0x1  }
0xaa: {  	v4 =	vadd.s32 v1, v4;
	_ =	sdelay $0x1  }
0xab: {  	v3 =	vperm.xlane v3, v2;
	_ =	sdelay $0x1  }
0xac: {  	v3 =	vadd.s32 v1, v3  }
0xad: {  	[tilespmem:s16], [sflag:$0x1] =	stream.indirect_vreg.gather [hbm4b:s1+s3], $0x80, v4, vm0, $0xb8;
	[tilespmem:$0x9080] =	vst v63  }
0xae: {  	_ = 	snop  }
0xaf: {  	[tilespmem:s17], [sflag:$0x1] =	stream.indirect_vreg.gather [hbm4b:s5+s3], $0x80, v4, vm1, $0xb8;
	[tilespmem:$0x9080] =	vst v63  }
0xb0: {  	_ = 	snop  }
0xb1: {  	[tilespmem:s18], [sflag:$0x1] =	stream.indirect_vreg.gather [hbm4b:s1+s3], $0x80, v3, vm0, $0xb8;
	[tilespmem:$0x9080] =	vst v63  }
0xb2: {  	_ = 	snop  }
0xb3: {  	[tilespmem:s19], [sflag:$0x1] =	stream.indirect_vreg.gather [hbm4b:s5+s3], $0x80, v3, vm1, $0xb8;
	[tilespmem:$0x9080] =	vst v63  }
0xb4: {  	v3 =	vld [tilespmem:$0x30];
	_ =	sdelay $0x4  }
0xb5: {  	v61 =	vshrl.u32 v3, $0x3  }
0xb6: {  	v4 =	vmul.u32 $0x18, v61  }
0xb7: {  	v3 =	vand.u32 $0x7, v3  }
0xb8: {  	v3 =	vor.u32 v3, v4  }
0xb9: {  	v4 =	vperm.xlane v3, v0;
	_ =	sdelay $0x1  }
0xba: {  	v4 =	vadd.s32 v1, v4;
	_ =	sdelay $0x1  }
0xbb: {  	v3 =	vperm.xlane v3, v2;
	_ =	sdelay $0x1  }
0xbc: {  	v3 =	vadd.s32 v1, v3  }
0xbd: {  	[tilespmem:s20], [sflag:$0x1] =	stream.indirect_vreg.gather [hbm4b:s1+s3], $0x80, v4, vm0, $0xb8;
	[tilespmem:$0x9080] =	vst v63  }
0xbe: {  	_ = 	snop  }
0xbf: {  	[tilespmem:s21], [sflag:$0x1] =	stream.indirect_vreg.gather [hbm4b:s5+s3], $0x80, v4, vm1, $0xb8;
	[tilespmem:$0x9080] =	vst v63  }
0xc0: {  	_ = 	snop  }
0xc1: {  	[tilespmem:s22], [sflag:$0x1] =	stream.indirect_vreg.gather [hbm4b:s1+s3], $0x80, v3, vm0, $0xb8;
	[tilespmem:$0x9080] =	vst v63  }
0xc2: {  	_ = 	snop  }
0xc3: {  	[tilespmem:s23], [sflag:$0x1] =	stream.indirect_vreg.gather [hbm4b:s5+s3], $0x80, v3, vm1, $0xb8;
	[tilespmem:$0x9080] =	vst v63  }
0xc4: {  	v3 =	vld [tilespmem:$0x40];
	_ =	sdelay $0x4  }
0xc5: {  	v62 =	vshrl.u32 v3, $0x3  }
0xc6: {  	v4 =	vmul.u32 $0x18, v62  }
0xc7: {  	v3 =	vand.u32 $0x7, v3  }
0xc8: {  	v3 =	vor.u32 v3, v4  }
0xc9: {  	v4 =	vperm.xlane v3, v0;
	_ =	sdelay $0x1  }
0xca: {  	v4 =	vadd.s32 v1, v4;
	_ =	sdelay $0x1  }
0xcb: {  	v3 =	vperm.xlane v3, v2;
	_ =	sdelay $0x1  }
0xcc: {  	v3 =	vadd.s32 v1, v3  }
0xcd: {  	[tilespmem:s24], [sflag:$0x1] =	stream.indirect_vreg.gather [hbm4b:s1+s3], $0x80, v4, vm0, $0xb8;
	[tilespmem:$0x9080] =	vst v63  }
0xce: {  	_ = 	snop  }
0xcf: {  	[tilespmem:s25], [sflag:$0x1] =	stream.indirect_vreg.gather [hbm4b:s5+s3], $0x80, v4, vm1, $0xb8;
	[tilespmem:$0x9080] =	vst v63  }
0xd0: {  	_ = 	snop  }
0xd1: {  	[tilespmem:s26], [sflag:$0x1] =	stream.indirect_vreg.gather [hbm4b:s1+s3], $0x80, v3, vm0, $0xb8;
	[tilespmem:$0x9080] =	vst v63  }
0xd2: {  	_ = 	snop  }
0xd3: {  	[tilespmem:s28], [sflag:$0x1] =	stream.indirect_vreg.gather [hbm4b:s5+s3], $0x80, v3, vm1, $0xb8;
	[tilespmem:$0x9080] =	vst v63  }
0xd4: {  	v3 =	vld [tilespmem:$0x50];
	_ =	sdelay $0x4  }
0xd5: {  	v63 =	vshrl.u32 v3, $0x3  }
0xd6: {  	v4 =	vmul.u32 $0x18, v63  }
0xd7: {  	v3 =	vand.u32 $0x7, v3  }
0xd8: {  	v3 =	vor.u32 v3, v4  }
0xd9: {  	v4 =	vperm.xlane v3, v0;
	_ =	sdelay $0x1  }
0xda: {  	v4 =	vadd.s32 v1, v4;
	_ =	sdelay $0x1  }
0xdb: {  	v3 =	vperm.xlane v3, v2;
	_ =	sdelay $0x1  }
0xdc: {  	v3 =	vadd.s32 v1, v3  }
0xdd: {  	[tilespmem:s29], [sflag:$0x1] =	stream.indirect_vreg.gather [hbm4b:s1+s3], $0x80, v4, vm0, $0xb8;
	[tilespmem:$0x9080] =	vst v63  }
0xde: {  	_ = 	snop  }
0xdf: {  	[tilespmem:s30], [sflag:$0x1] =	stream.indirect_vreg.gather [hbm4b:s5+s3], $0x80, v4, vm1, $0xb8;
	[tilespmem:$0x9080] =	vst v63  }
0xe0: {  	_ = 	snop  }
0xe1: {  	[tilespmem:s31], [sflag:$0x1] =	stream.indirect_vreg.gather [hbm4b:s1+s3], $0x80, v3, vm0, $0xb8;
	[tilespmem:$0x9080] =	vst v63  }
0xe2: {  	_ = 	snop  }
0xe3: {  	[tilespmem:s2], [sflag:$0x1] =	stream.indirect_vreg.gather [hbm4b:s5+s3], $0x80, v3, vm1, $0xb8;
	[tilespmem:$0x9080] =	vst v63  }
0xe4: {  	_ =	swait.ge [sflag:s0], $0x9000  }
0xe5: {  	p0 =	sne.s32 s6, $0x1;
	[sflag:s0] =	ssyncset.done $0x0  }
.Ltmp0:
0xe6: {  	s9 =	rddreg [dreg:$0x6];
	[sflag:s0] =	ssyncadd.s32 $0xFFFF7000;
	(pc) =	sbr.rel @p0 .LBB2_1-.Ltmp0, $4  }
0xe7: {  	[hbm4b:s9+s3] =	stream.linear.scatter [tilespmem:s8], [sflag:$0x2], $0x9000, $0x38;
	[tilespmem:$0x9080] =	vst v63  }
0xe8: {  	_ =	swait.ge [sflag:s7], $0x9000  }
0xe9: {  	[sflag:s7] =	ssyncset.done $0x0  }
0xea: {  	s6 =	sadd.s32 $0xFFFFFFFF, s6;
	[sflag:s7] =	ssyncadd.s32 $0xFFFF7000  }
0xeb: {  	_ =	sfence.sel $0x180000  }
0xec: {  	[bflag:$0x0] =	sbarrier.arrive $0xFFFF  }
0xed: {  	_ =	strace $0x90000047  }
0xee: {  	s0 =	stileid.u32;
	[bflag:$0x2] =	sbarrier.arrive $0xFFFF  }
0xef: {  	p0 =	sne.s32 s0, $0x0;
	s0 =	rddreg [dreg:$0x3]  }
0xf0: {  	s0 =	sadd.s32 @!p0 $0x100000, s0  }
0xf1: {  	[sflag:s0] =	ssyncadd.tile.s32 @!p0 $0x1;
	_ =	shalt  }
.Lfunc_end2:
_tile_overlayer_lowered:
.L_overlay_start_2:
0xf2: {  	(tag) =	ssettag $0x2  }
0xf3: {  	s0 =	rddreg [dreg:$0x0];
	s2 =	stileid.u32  }
0xf4: {  	s1 =	rddreg [dreg:$0x1];
	p0 =	sne.s32 s2, $0x0  }
0xf5: {  	s3 =	rddreg [dreg:$0x2];
	[bflag:$0x3] =	sbarrier.arrive $0xFFFF;
	s2 =	simm.s32 @!p0 $0x1C02  }
0xf6: {  	[timem:s3], [sflag:s2] =	dma.local @!p0 [hbm:s0], s1  }
0xf7: {  	s0 =	simm.s32 @!p0 $0x2  }
0xf8: {  	_ =	swait.ge @!p0 [sflag:s0], s1  }
0xf9: {  	s1 =	ssub.s32 @!p0 $0x0, s1;
	[sflag:s0] =	ssyncset.done @!p0 $0x0  }
0xfa: {  	[sflag:s0] =	ssyncadd.s32 @!p0 s1  }
0xfb: {  	[bflag:$0x3] =	sbarrier.arrive $0xFFFF  }
0xfc: {  	_ =	shalt  }

</sc_bundles>
